<compile_context>
chip_gen: v7x
topology: tpu7x:2x2x1
jax: 0.10.2.dev20260603
libtpu: 0.0.44.dev20260713+nightly
codegen_flags: <defaults>
</compile_context>

<pallas_src>
import functools

import jax
import jax.numpy as jnp
from jax import lax
from jax.experimental import pallas as pl
from jax.experimental.pallas import tpu as pltpu
from jax.experimental.pallas import tpu_sc as plsc

K = 16
TS = 8
ROWW = 16


def _cell(q0_ref, keys_ref,
          dist_ref, idx_ref, outx_ref,
          d2_ref, xcur_ref):
    s = pl.program_id(1)
    nk = keys_ref.shape[2]
    nq = q0_ref.shape[2]

    @pl.when(s == 0)
    def _init_chain():
        xcur_ref[0:3, :] = q0_ref[0]

    keys = keys_ref[0, 0]
    kx = keys[:, 0:1]
    ky = keys[:, 1:2]
    kz = keys[:, 2:3]
    dx = xcur_ref[0:1, :] - kx
    dy = xcur_ref[1:2, :] - ky
    dz = xcur_ref[2:3, :] - kz
    d2_ref[...] = dx * dx + dy * dy + dz * dz

    iota = jax.lax.broadcasted_iota(jnp.int32, (nk, nq), 0)

    for r in range(K):
        d2 = d2_ref[...]
        minv = jnp.min(d2, axis=0, keepdims=True)
        cand = jnp.where(d2 == minv, iota, jnp.int32(nk))
        mini = jnp.min(cand, axis=0, keepdims=True)
        if r < K - 1:
            d2_ref[...] = jnp.where(iota == mini, jnp.float32(jnp.inf), d2)
        dist_ref[0, 0, r, :] = minv[0]
        idx_ref[0, 0, r, :] = mini[0]
        if r == 0:
            onehot0 = iota == mini

    zero = jnp.float32(0.0)
    gx = jnp.sum(jnp.where(onehot0, kx, zero), axis=0, keepdims=True)
    gy = jnp.sum(jnp.where(onehot0, ky, zero), axis=0, keepdims=True)
    gz = jnp.sum(jnp.where(onehot0, kz, zero), axis=0, keepdims=True)
    xcur_ref[0:1, :] = gx
    xcur_ref[1:2, :] = gy
    xcur_ref[2:3, :] = gz
    outx_ref[0, 0, 0:1, :] = gx
    outx_ref[0, 0, 1:2, :] = gy
    outx_ref[0, 0, 2:3, :] = gz


def _sc_gather_call(table, flat_idx):
    total = flat_idx.shape[0]
    info = plsc.get_sparse_core_info()
    nw = info.num_cores * info.num_subcores
    kch = 16
    ch = kch * 128
    per_w = total // nw
    n_iter = per_w // ch
    assert per_w % ch == 0
    idx2d = flat_idx.reshape(total // 128, 128)

    mesh = plsc.VectorSubcoreMesh(core_axis_name="c", subcore_axis_name="s")

    @functools.partial(
        pl.kernel,
        mesh=mesh,
        out_type=jax.ShapeDtypeStruct((total, ROWW), jnp.float32),
        compiler_params=pltpu.CompilerParams(use_tc_tiling_on_sc=False),
        scratch_types=[
            pltpu.VMEM((kch, 128), jnp.int32),
            pltpu.VMEM((ch, ROWW), jnp.float32),
            pltpu.SemaphoreType.DMA,
        ],
    )
    def _k(table_hbm, idx_hbm, out_hbm, idx_v, rows_v, sem):
        wid = lax.axis_index("s") * info.num_cores + lax.axis_index("c")
        base = wid * per_w

        def body(i, carry):
            off = pl.multiple_of(base + i * ch, ch)
            pltpu.sync_copy(
                idx_hbm.at[pl.ds(pl.multiple_of(off // 128, kch), kch), :],
                idx_v)
            copies = []
            for j in range(kch):
                copies.append(pltpu.async_copy(
                    table_hbm.at[idx_v.at[j]],
                    rows_v.at[pl.ds(j * 128, 128), :],
                    sem,
                ))
            for cp in copies:
                cp.wait()
            pltpu.sync_copy(rows_v, out_hbm.at[pl.ds(off, ch), :])
            return carry

        lax.fori_loop(0, n_iter, body, 0)

    return _k(table, idx2d)


def kernel(point_seq):
    b, t, n, d = point_seq.shape
    assert t % TS == 0 and d == 3
    nseg = t // TS
    nq = n // 2
    nprob = 2 * b * nseg

    perm_key = jax.random.key(42)
    ridx = jnp.stack([
        jax.random.permutation(jax.random.fold_in(perm_key, i), n)[:nq]
        for i in range(nseg)
    ])

    b_arr = jnp.tile(jnp.repeat(jnp.arange(b), nseg), 2)
    seg_arr = jnp.tile(jnp.arange(nseg), 2 * b)
    dir_arr = jnp.repeat(jnp.arange(2), b * nseg)
    f0_arr = seg_arr * TS + jnp.where(dir_arr == 0, 0, TS - 1)

    q0 = point_seq[b_arr[:, None], f0_arr[:, None], ridx[seg_arr], :]
    q0 = jnp.transpose(q0, (0, 2, 1))

    bn = b * nseg

    def _key_map(p, s):
        dir_ = p // bn
        rem = p % bn
        b_ = rem // nseg
        seg = rem % nseg
        local = jnp.where(dir_ == 0, s, TS - 1 - s)
        return (b_, seg * TS + local, 0, 0)

    out_shapes = (
        jax.ShapeDtypeStruct((nprob, TS, K, nq), jnp.float32),
        jax.ShapeDtypeStruct((nprob, TS, K, nq), jnp.int32),
        jax.ShapeDtypeStruct((nprob, TS, 3, nq), jnp.float32),
    )

    grid = (nprob, TS)
    dist_all, idx_all, outx_all = pl.pallas_call(
        _cell,
        grid=grid,
        in_specs=[
            pl.BlockSpec((1, 3, nq), lambda p, s: (p, 0, 0)),
            pl.BlockSpec((1, 1, n, 3), _key_map),
        ],
        out_specs=[
            pl.BlockSpec((1, 1, K, nq), lambda p, s: (p, s, 0, 0)),
            pl.BlockSpec((1, 1, K, nq), lambda p, s: (p, s, 0, 0)),
            pl.BlockSpec((1, 1, 3, nq), lambda p, s: (p, s, 0, 0)),
        ],
        out_shape=out_shapes,
        scratch_shapes=[
            pltpu.VMEM((n, nq), jnp.float32),
            pltpu.VMEM((8, nq), jnp.float32),
        ],
        compiler_params=pltpu.CompilerParams(
            dimension_semantics=("parallel", "arbitrary"),
        ),
    )(q0, point_seq)

    def _split(x):
        x = x.reshape(2, b, nseg, *x.shape[1:])
        return x[0], x[1]

    def _asm_kq(x):
        f, bk = _split(x)
        bk = jnp.flip(bk, axis=2)
        y = jnp.concatenate([f, bk], axis=-1)
        return y.transpose(0, 1, 2, 4, 3).reshape(b, t, n, K)

    dist = _asm_kq(dist_all)
    idx = _asm_kq(idx_all)

    t_ar = jnp.arange(t, dtype=jnp.int32)
    seg_base = (t_ar // TS) * TS
    ff_fwd = jnp.maximum(t_ar - 1, seg_base)
    ff_bwd = jnp.minimum(t_ar + 1, seg_base + TS - 1)
    pcoord = point_seq.reshape(b * t * n, 3)
    fe_fwd = point_seq[:, ff_fwd].reshape(b * t * n, 3)
    fe_bwd = point_seq[:, ff_bwd].reshape(b * t * n, 3)
    zpad = jnp.zeros((b * t * n, ROWW - 6), jnp.float32)
    table = jnp.concatenate([
        jnp.concatenate([pcoord, fe_fwd, zpad], axis=1),
        jnp.concatenate([pcoord, fe_bwd, zpad], axis=1),
    ], axis=0)

    t_iota = t_ar.reshape(1, t, 1, 1)
    b_iota = jnp.arange(b, dtype=jnp.int32).reshape(b, 1, 1, 1)
    n_iota = jnp.arange(n, dtype=jnp.int32).reshape(1, 1, n, 1)
    v_iota = (n_iota >= nq).astype(jnp.int32)
    rows = ((v_iota * b + b_iota) * t + t_iota) * n + idx
    gathered = _sc_gather_call(table, rows.reshape(-1))
    pts = gathered[:, 0:3].reshape(b, t, n, K, 3)
    pfe = gathered[:, 3:6].reshape(b, t, n, K, 3)

    f, bk = _split(outx_all)
    outx = jnp.concatenate([f, bk], axis=-1)
    outx = outx.transpose(0, 1, 2, 4, 3).reshape(b, t, n, 3)

    return pts, pfe, dist, idx, idx, outx

# --- scband reference (transcript-rebuilt; emitter-appended) ---
"""Pipeline reference for scband-patchlets-extractor-strided-83743272337984 (READ-ONLY COPY).

The authoritative reference and input builder live on the scoring server;
editing this copy changes nothing except your own understanding.
"""

import jax, jax.numpy as jnp
import numpy as np

K = 16
TEMPORAL_STRIDE = 8


def index_points(points, idx):
    # points: [B, M, ...], idx: [B, n, k] -> [B, n, k, ...]
    return jax.vmap(lambda p, i: p[i])(points, idx)


def knn(query, keys, k):
    # brute-force squared-distance knn (keops Kmin_argKmin equivalent)
    d2 = jnp.sum((query[:, :, None, :] - keys[:, None, :, :]) ** 2, axis=-1)
    neg_d, idxs = jax.lax.top_k(-d2, k)
    return -neg_d, idxs


def get_tpatches(x1, x2, k, flip=False):
    b, t, n, d = x1.shape
    feat_seq = x1  # feat_seq is None in this config -> defaults to x1
    d_feat = feat_seq.shape[-1]
    feat_seq_2 = jnp.concatenate([feat_seq[:, :1], feat_seq], axis=1)[:, :-1]
    x_current = x2[:, 0]
    pts_l, feats_l, dist_l, idx_l, outx_l = [], [], [], [], []
    for i in range(t):
        x_next = x1[:, i]
        dist, idxs = knn(x_current[..., 0:3], x_next[..., 0:3], k)
        gathered = index_points(x_next, idxs)
        # sample_mode == 'nn'
        x_current = gathered[:, :, 0, :]
        outx_l.append(x_current)
        pts_l.append(gathered)
        feats_l.append(index_points(feat_seq_2[:, i], idxs))
        dist_l.append(dist)
        idx_l.append(idxs)
    patchlet_points = jnp.stack(pts_l, axis=1)
    patchlet_feats = jnp.stack(feats_l, axis=1)
    distances = jnp.stack(dist_l, axis=1)
    idxs = jnp.stack(idx_l, axis=1)
    out_x = jnp.stack(outx_l, axis=1)
    patchlets = idxs
    if flip:
        patchlet_feats = jnp.flip(patchlet_feats, axis=1)
        patchlet_points = jnp.flip(patchlet_points, axis=1)
        idxs = jnp.flip(idxs, axis=1)
        distances = jnp.flip(distances, axis=1)
        patchlets = jnp.flip(patchlets, axis=1)
    patchlet_feats = patchlet_feats.reshape(b * t, n, k, d_feat)
    patchlet_points = patchlet_points.reshape(b * t, n, k, d)
    idxs = idxs.reshape(b * t, n, k)
    distances = distances.reshape(b * t, n, k)
    patchlets = patchlets.reshape(b * t, n, k)
    return patchlet_points, patchlet_feats, distances, idxs, patchlets, out_x


def forward(point_seq, k=K, temporal_stride=TEMPORAL_STRIDE):
    b, t, n, d = point_seq.shape
    assert t % temporal_stride == 0
    nseg = t // temporal_stride
    ts = temporal_stride
    perm_key = jax.random.key(42)
    pts_a, feats_a, dist_a, idx_a, pl_a, outx_a = [], [], [], [], [], []
    for i in range(nseg):
        x1 = point_seq[:, i * ts:(i + 1) * ts]
        x2 = jnp.concatenate([x1[:, :1], x1], axis=1)[:, :-1]
        p1, f1, d1, i1, pl1, ox1 = get_tpatches(x1, x2, k, flip=False)
        x1f = jnp.flip(x1, axis=1)
        x2f = jnp.concatenate([x1f[:, :1], x1f], axis=1)[:, :-1]
        p2, f2, d2, i2, pl2, ox2 = get_tpatches(x1f, x2f, k, flip=True)
        # torch.randperm(n)[:n//2] -> fixed-key jax permutation (int constants)
        ridx = jax.random.permutation(jax.random.fold_in(perm_key, i), n)[: n // 2]
        pts_a.append(jnp.concatenate([p1[:, ridx], p2[:, ridx]], axis=1).reshape(b, ts, n, k, d))
        feats_a.append(jnp.concatenate([f1[:, ridx], f2[:, ridx]], axis=1).reshape(b, ts, n, k, d))
        dist_a.append(jnp.concatenate([d1[:, ridx], d2[:, ridx]], axis=1).reshape(b, ts, n, k))
        idx_a.append(jnp.concatenate([i1[:, ridx], i2[:, ridx]], axis=1).reshape(b, ts, n, k))
        pl_a.append(jnp.concatenate([pl1[:, ridx], pl2[:, ridx]], axis=1).reshape(b, ts, n, k))
        outx_a.append(jnp.concatenate([ox1[:, :, ridx], ox2[:, :, ridx]], axis=2))
    patchlet_points = jnp.concatenate(pts_a, axis=1)
    patchlet_feats = jnp.concatenate(feats_a, axis=1)
    distances = jnp.concatenate(dist_a, axis=1)
    idxs = jnp.concatenate(idx_a, axis=1)
    patchlets = jnp.concatenate(pl_a, axis=1)
    out_x = jnp.concatenate(outx_a, axis=1)
    return patchlet_points, patchlet_feats, distances, idxs, patchlets, out_x


def setup_inputs(seed: int = 0):
    key = jax.random.key(seed)
    point_seq = jax.random.normal(key, (8, 32, 1024, 3), dtype=jnp.float32)
    return {"point_seq": point_seq}


def reference(point_seq):
    return forward(point_seq)

if __name__ == "__main__":
    import jax
    _d = setup_inputs()
    print(jax.jit(kernel)(*tuple(_d.values())))

</pallas_src>

<mosaic_0001>
#map = affine_map<(d0, d1) -> (0, 0)>
module attributes {stable_mosaic.version = 14 : i64} {
  func.func @_k(%arg0: i32, %arg1: i32, %arg2: memref<524288x16xf32, #tpu.memory_space<hbm>>, %arg3: memref<32768x128xi32, #tpu.memory_space<hbm>>, %arg4: memref<4194304x16xf32, #tpu.memory_space<hbm>>, %arg5: memref<16x128xi32, #tpu.memory_space<vmem>>, %arg6: memref<2048x16xf32, #tpu.memory_space<vmem>>, %arg7: memref<!tpu.dma_semaphore, #tpu.memory_space<semaphore_mem>>) attributes {dimension_semantics = [#tpu.dimension_semantics<core_parallel>, #tpu.dimension_semantics<subcore_parallel>], iteration_bounds = array<i64: 2, 16>, scalar_prefetch = 0 : i64, scratch_operands = 3 : i64, tpu.core_type = #tpu.core_type<sc_vector_subcore>, window_params = [{transform_indices = #map}, {transform_indices = #map}, {transform_indices = #map}]} {
    %mul3A = arith.constant 2 : i32
    %mul3A_0 = arith.muli %arg1, %mul3A : i32
    %add3A = arith.addi %mul3A_0, %arg0 : i32
    %mul3A_1 = arith.constant 131072 : i32
    %mul3A_2 = arith.muli %add3A, %mul3A_1 : i32
    %scan3A = arith.constant 0 : i32
    %scan3A_3 = arith.constant 0 : i32
    %scan3A_4 = arith.constant 64 : i32
    %scan3A_5 = arith.addi %scan3A_3, %scan3A_4 : i32
    %scan3A_6 = arith.constant 1 : i32
    scf.for %scan3A_8 = %scan3A_3 to %scan3A_5 step %scan3A_6  : i32 {
      %mul3A_9 = arith.constant 2048 : i32
      %mul3A_10 = arith.muli %scan3A_8, %mul3A_9 : i32
      %add3A_11 = arith.addi %mul3A_2, %mul3A_10 : i32
      %multiple_of3A = tpu.assume_multiple %add3A_11, 2048 : i32
      %jit3A = arith.constant 128 : i32
      %div3A = arith.divsi %multiple_of3A, %jit3A : i32
      %sign3A = arith.constant 0 : i32
      %sign3A_12 = arith.cmpi sgt, %multiple_of3A, %sign3A : i32
      %sign3A_13 = arith.extui %sign3A_12 : i1 to i32
      %sign3A_14 = arith.constant 0 : i32
      %sign3A_15 = arith.cmpi slt, %multiple_of3A, %sign3A_14 : i32
      %sign3A_16 = arith.extui %sign3A_15 : i1 to i32
      %sign3A_17 = arith.subi %sign3A_13, %sign3A_16 : i32
      %sign3A_18 = arith.constant 0 : i32
      %sign3A_19 = arith.cmpi sgt, %jit3A, %sign3A_18 : i32
      %sign3A_20 = arith.extui %sign3A_19 : i1 to i32
      %sign3A_21 = arith.constant 0 : i32
      %sign3A_22 = arith.cmpi slt, %jit3A, %sign3A_21 : i32
      %sign3A_23 = arith.extui %sign3A_22 : i1 to i32
      %sign3A_24 = arith.subi %sign3A_20, %sign3A_23 : i32
      %ne3A = arith.cmpi ne, %sign3A_17, %sign3A_24 : i32
      %rem3A = arith.remsi %multiple_of3A, %jit3A : i32
      %ne3A_25 = arith.constant 0 : i32
      %ne3A_26 = arith.cmpi ne, %rem3A, %ne3A_25 : i32
      %and3A = arith.andi %ne3A, %ne3A_26 : i1
      %sub3A = arith.constant 1 : i32
      %sub3A_27 = arith.subi %div3A, %sub3A : i32
      %select_n3A = arith.select %and3A, %sub3A_27, %div3A : i32
      %multiple_of3A_28 = tpu.assume_multiple %select_n3A, 16 : i32
      "tpu.region"() ({
        %run_scoped3A = tpu.sem_alloc : memref<!tpu.dma_semaphore, #tpu.memory_space<semaphore_mem>>
        %dma_start3A_347 = arith.constant 0 : i32
        %dma_start3A_348 = tpu.memref_slice %arg3[%multiple_of3A_28, %dma_start3A_347] : memref<32768x128xi32, #tpu.memory_space<hbm>> -> memref<16x128xi32, #tpu.memory_space<hbm>>
        %dma_start3A_349 = arith.constant 0 : i32
        %dma_start3A_350 = tpu.memref_slice %arg3[%multiple_of3A_28, %dma_start3A_349] : memref<32768x128xi32, #tpu.memory_space<hbm>> -> memref<16x128xi32, #tpu.memory_space<hbm>>
        tpu.enqueue_dma source(%dma_start3A_350 : memref<16x128xi32, #tpu.memory_space<hbm>>) target(%arg5 : memref<16x128xi32, #tpu.memory_space<vmem>>) target_semaphore(%run_scoped3A : memref<!tpu.dma_semaphore, #tpu.memory_space<semaphore_mem>>)
        %dma_wait3A_351 = arith.constant 0 : i32
        %dma_wait3A_352 = tpu.memref_slice %arg3[%multiple_of3A_28, %dma_wait3A_351] : memref<32768x128xi32, #tpu.memory_space<hbm>> -> memref<16x128xi32, #tpu.memory_space<hbm>>
        %dma_wait3A_353 = arith.constant 0 : i32
        %dma_wait3A_354 = tpu.memref_slice %arg3[%multiple_of3A_28, %dma_wait3A_353] : memref<32768x128xi32, #tpu.memory_space<hbm>> -> memref<16x128xi32, #tpu.memory_space<hbm>>
        tpu.wait_dma2 semaphore(%run_scoped3A : memref<!tpu.dma_semaphore, #tpu.memory_space<semaphore_mem>>) src(%dma_wait3A_354 : memref<16x128xi32, #tpu.memory_space<hbm>>) dst(%arg5 : memref<16x128xi32, #tpu.memory_space<vmem>>)
        tpu.yield
      }) : () -> ()
      %dma_start3A = arith.constant 0 : i32
      %dma_start3A_29 = arith.constant 0 : i32
      %dma_start3A_30 = arith.constant 0 : i32
      %dma_start3A_31 = tpu.memref_slice %arg6[%dma_start3A_29, %dma_start3A_30] : memref<2048x16xf32, #tpu.memory_space<vmem>> -> memref<128x16xf32, #tpu.memory_space<vmem>>
      %dma_start3A_32 = arith.constant 0 : i32
      %dma_start3A_33 = tpu.memref_slice %arg5[%dma_start3A, %dma_start3A_32] : memref<16x128xi32, #tpu.memory_space<vmem>> -> memref<1x128xi32, #tpu.memory_space<vmem>>
      %dma_start3A_34 = tpu.memref_squeeze %dma_start3A_33 : memref<1x128xi32, #tpu.memory_space<vmem>> -> memref<128xi32, #tpu.memory_space<vmem>>
      %dma_start3A_35 = arith.constant 0 : i32
      %dma_start3A_36 = arith.constant 0 : i32
      %dma_start3A_37 = tpu.memref_slice %arg2[%dma_start3A_35, %dma_start3A_36] : memref<524288x16xf32, #tpu.memory_space<hbm>> -> memref<524288x16xf32, #tpu.memory_space<hbm>>
      tpu.enqueue_indirect_dma source(%dma_start3A_37 : memref<524288x16xf32, #tpu.memory_space<hbm>>) target(%dma_start3A_31 : memref<128x16xf32, #tpu.memory_space<vmem>>) offsets(%dma_start3A_34 : memref<128xi32, #tpu.memory_space<vmem>>) semaphore(%arg7 : memref<!tpu.dma_semaphore, #tpu.memory_space<semaphore_mem>>)
      %dma_start3A_38 = arith.constant 1 : i32
      %dma_start3A_39 = arith.constant 128 : i32
      %dma_start3A_40 = arith.constant 0 : i32
      %dma_start3A_41 = tpu.memref_slice %arg6[%dma_start3A_39, %dma_start3A_40] : memref<2048x16xf32, #tpu.memory_space<vmem>> -> memref<128x16xf32, #tpu.memory_space<vmem>>
      %dma_start3A_42 = arith.constant 0 : i32
      %dma_start3A_43 = tpu.memref_slice %arg5[%dma_start3A_38, %dma_start3A_42] : memref<16x128xi32, #tpu.memory_space<vmem>> -> memref<1x128xi32, #tpu.memory_space<vmem>>
      %dma_start3A_44 = tpu.memref_squeeze %dma_start3A_43 : memref<1x128xi32, #tpu.memory_space<vmem>> -> memref<128xi32, #tpu.memory_space<vmem>>
      %dma_start3A_45 = arith.constant 0 : i32
      %dma_start3A_46 = arith.constant 0 : i32
      %dma_start3A_47 = tpu.memref_slice %arg2[%dma_start3A_45, %dma_start3A_46] : memref<524288x16xf32, #tpu.memory_space<hbm>> -> memref<524288x16xf32, #tpu.memory_space<hbm>>
      tpu.enqueue_indirect_dma source(%dma_start3A_47 : memref<524288x16xf32, #tpu.memory_space<hbm>>) target(%dma_start3A_41 : memref<128x16xf32, #tpu.memory_space<vmem>>) offsets(%dma_start3A_44 : memref<128xi32, #tpu.memory_space<vmem>>) semaphore(%arg7 : memref<!tpu.dma_semaphore, #tpu.memory_space<semaphore_mem>>)
      %dma_start3A_48 = arith.constant 2 : i32
      %dma_start3A_49 = arith.constant 256 : i32
      %dma_start3A_50 = arith.constant 0 : i32
      %dma_start3A_51 = tpu.memref_slice %arg6[%dma_start3A_49, %dma_start3A_50] : memref<2048x16xf32, #tpu.memory_space<vmem>> -> memref<128x16xf32, #tpu.memory_space<vmem>>
      %dma_start3A_52 = arith.constant 0 : i32
      %dma_start3A_53 = tpu.memref_slice %arg5[%dma_start3A_48, %dma_start3A_52] : memref<16x128xi32, #tpu.memory_space<vmem>> -> memref<1x128xi32, #tpu.memory_space<vmem>>
      %dma_start3A_54 = tpu.memref_squeeze %dma_start3A_53 : memref<1x128xi32, #tpu.memory_space<vmem>> -> memref<128xi32, #tpu.memory_space<vmem>>
      %dma_start3A_55 = arith.constant 0 : i32
      %dma_start3A_56 = arith.constant 0 : i32
      %dma_start3A_57 = tpu.memref_slice %arg2[%dma_start3A_55, %dma_start3A_56] : memref<524288x16xf32, #tpu.memory_space<hbm>> -> memref<524288x16xf32, #tpu.memory_space<hbm>>
      tpu.enqueue_indirect_dma source(%dma_start3A_57 : memref<524288x16xf32, #tpu.memory_space<hbm>>) target(%dma_start3A_51 : memref<128x16xf32, #tpu.memory_space<vmem>>) offsets(%dma_start3A_54 : memref<128xi32, #tpu.memory_space<vmem>>) semaphore(%arg7 : memref<!tpu.dma_semaphore, #tpu.memory_space<semaphore_mem>>)
      %dma_start3A_58 = arith.constant 3 : i32
      %dma_start3A_59 = arith.constant 384 : i32
      %dma_start3A_60 = arith.constant 0 : i32
      %dma_start3A_61 = tpu.memref_slice %arg6[%dma_start3A_59, %dma_start3A_60] : memref<2048x16xf32, #tpu.memory_space<vmem>> -> memref<128x16xf32, #tpu.memory_space<vmem>>
      %dma_start3A_62 = arith.constant 0 : i32
      %dma_start3A_63 = tpu.memref_slice %arg5[%dma_start3A_58, %dma_start3A_62] : memref<16x128xi32, #tpu.memory_space<vmem>> -> memref<1x128xi32, #tpu.memory_space<vmem>>
      %dma_start3A_64 = tpu.memref_squeeze %dma_start3A_63 : memref<1x128xi32, #tpu.memory_space<vmem>> -> memref<128xi32, #tpu.memory_space<vmem>>
      %dma_start3A_65 = arith.constant 0 : i32
      %dma_start3A_66 = arith.constant 0 : i32
      %dma_start3A_67 = tpu.memref_slice %arg2[%dma_start3A_65, %dma_start3A_66] : memref<524288x16xf32, #tpu.memory_space<hbm>> -> memref<524288x16xf32, #tpu.memory_space<hbm>>
      tpu.enqueue_indirect_dma source(%dma_start3A_67 : memref<524288x16xf32, #tpu.memory_space<hbm>>) target(%dma_start3A_61 : memref<128x16xf32, #tpu.memory_space<vmem>>) offsets(%dma_start3A_64 : memref<128xi32, #tpu.memory_space<vmem>>) semaphore(%arg7 : memref<!tpu.dma_semaphore, #tpu.memory_space<semaphore_mem>>)
      %dma_start3A_68 = arith.constant 4 : i32
      %dma_start3A_69 = arith.constant 512 : i32
      %dma_start3A_70 = arith.constant 0 : i32
      %dma_start3A_71 = tpu.memref_slice %arg6[%dma_start3A_69, %dma_start3A_70] : memref<2048x16xf32, #tpu.memory_space<vmem>> -> memref<128x16xf32, #tpu.memory_space<vmem>>
      %dma_start3A_72 = arith.constant 0 : i32
      %dma_start3A_73 = tpu.memref_slice %arg5[%dma_start3A_68, %dma_start3A_72] : memref<16x128xi32, #tpu.memory_space<vmem>> -> memref<1x128xi32, #tpu.memory_space<vmem>>
      %dma_start3A_74 = tpu.memref_squeeze %dma_start3A_73 : memref<1x128xi32, #tpu.memory_space<vmem>> -> memref<128xi32, #tpu.memory_space<vmem>>
      %dma_start3A_75 = arith.constant 0 : i32
      %dma_start3A_76 = arith.constant 0 : i32
      %dma_start3A_77 = tpu.memref_slice %arg2[%dma_start3A_75, %dma_start3A_76] : memref<524288x16xf32, #tpu.memory_space<hbm>> -> memref<524288x16xf32, #tpu.memory_space<hbm>>
      tpu.enqueue_indirect_dma source(%dma_start3A_77 : memref<524288x16xf32, #tpu.memory_space<hbm>>) target(%dma_start3A_71 : memref<128x16xf32, #tpu.memory_space<vmem>>) offsets(%dma_start3A_74 : memref<128xi32, #tpu.memory_space<vmem>>) semaphore(%arg7 : memref<!tpu.dma_semaphore, #tpu.memory_space<semaphore_mem>>)
      %dma_start3A_78 = arith.constant 5 : i32
      %dma_start3A_79 = arith.constant 640 : i32
      %dma_start3A_80 = arith.constant 0 : i32
      %dma_start3A_81 = tpu.memref_slice %arg6[%dma_start3A_79, %dma_start3A_80] : memref<2048x16xf32, #tpu.memory_space<vmem>> -> memref<128x16xf32, #tpu.memory_space<vmem>>
      %dma_start3A_82 = arith.constant 0 : i32
      %dma_start3A_83 = tpu.memref_slice %arg5[%dma_start3A_78, %dma_start3A_82] : memref<16x128xi32, #tpu.memory_space<vmem>> -> memref<1x128xi32, #tpu.memory_space<vmem>>
      %dma_start3A_84 = tpu.memref_squeeze %dma_start3A_83 : memref<1x128xi32, #tpu.memory_space<vmem>> -> memref<128xi32, #tpu.memory_space<vmem>>
      %dma_start3A_85 = arith.constant 0 : i32
      %dma_start3A_86 = arith.constant 0 : i32
      %dma_start3A_87 = tpu.memref_slice %arg2[%dma_start3A_85, %dma_start3A_86] : memref<524288x16xf32, #tpu.memory_space<hbm>> -> memref<524288x16xf32, #tpu.memory_space<hbm>>
      tpu.enqueue_indirect_dma source(%dma_start3A_87 : memref<524288x16xf32, #tpu.memory_space<hbm>>) target(%dma_start3A_81 : memref<128x16xf32, #tpu.memory_space<vmem>>) offsets(%dma_start3A_84 : memref<128xi32, #tpu.memory_space<vmem>>) semaphore(%arg7 : memref<!tpu.dma_semaphore, #tpu.memory_space<semaphore_mem>>)
      %dma_start3A_88 = arith.constant 6 : i32
      %dma_start3A_89 = arith.constant 768 : i32
      %dma_start3A_90 = arith.constant 0 : i32
      %dma_start3A_91 = tpu.memref_slice %arg6[%dma_start3A_89, %dma_start3A_90] : memref<2048x16xf32, #tpu.memory_space<vmem>> -> memref<128x16xf32, #tpu.memory_space<vmem>>
      %dma_start3A_92 = arith.constant 0 : i32
      %dma_start3A_93 = tpu.memref_slice %arg5[%dma_start3A_88, %dma_start3A_92] : memref<16x128xi32, #tpu.memory_space<vmem>> -> memref<1x128xi32, #tpu.memory_space<vmem>>
      %dma_start3A_94 = tpu.memref_squeeze %dma_start3A_93 : memref<1x128xi32, #tpu.memory_space<vmem>> -> memref<128xi32, #tpu.memory_space<vmem>>
      %dma_start3A_95 = arith.constant 0 : i32
      %dma_start3A_96 = arith.constant 0 : i32
      %dma_start3A_97 = tpu.memref_slice %arg2[%dma_start3A_95, %dma_start3A_96] : memref<524288x16xf32, #tpu.memory_space<hbm>> -> memref<524288x16xf32, #tpu.memory_space<hbm>>
      tpu.enqueue_indirect_dma source(%dma_start3A_97 : memref<524288x16xf32, #tpu.memory_space<hbm>>) target(%dma_start3A_91 : memref<128x16xf32, #tpu.memory_space<vmem>>) offsets(%dma_start3A_94 : memref<128xi32, #tpu.memory_space<vmem>>) semaphore(%arg7 : memref<!tpu.dma_semaphore, #tpu.memory_space<semaphore_mem>>)
      %dma_start3A_98 = arith.constant 7 : i32
      %dma_start3A_99 = arith.constant 896 : i32
      %dma_start3A_100 = arith.constant 0 : i32
      %dma_start3A_101 = tpu.memref_slice %arg6[%dma_start3A_99, %dma_start3A_100] : memref<2048x16xf32, #tpu.memory_space<vmem>> -> memref<128x16xf32, #tpu.memory_space<vmem>>
      %dma_start3A_102 = arith.constant 0 : i32
      %dma_start3A_103 = tpu.memref_slice %arg5[%dma_start3A_98, %dma_start3A_102] : memref<16x128xi32, #tpu.memory_space<vmem>> -> memref<1x128xi32, #tpu.memory_space<vmem>>
      %dma_start3A_104 = tpu.memref_squeeze %dma_start3A_103 : memref<1x128xi32, #tpu.memory_space<vmem>> -> memref<128xi32, #tpu.memory_space<vmem>>
      %dma_start3A_105 = arith.constant 0 : i32
      %dma_start3A_106 = arith.constant 0 : i32
      %dma_start3A_107 = tpu.memref_slice %arg2[%dma_start3A_105, %dma_start3A_106] : memref<524288x16xf32, #tpu.memory_space<hbm>> -> memref<524288x16xf32, #tpu.memory_space<hbm>>
      tpu.enqueue_indirect_dma source(%dma_start3A_107 : memref<524288x16xf32, #tpu.memory_space<hbm>>) target(%dma_start3A_101 : memref<128x16xf32, #tpu.memory_space<vmem>>) offsets(%dma_start3A_104 : memref<128xi32, #tpu.memory_space<vmem>>) semaphore(%arg7 : memref<!tpu.dma_semaphore, #tpu.memory_space<semaphore_mem>>)
      %dma_start3A_108 = arith.constant 8 : i32
      %dma_start3A_109 = arith.constant 1024 : i32
      %dma_start3A_110 = arith.constant 0 : i32
      %dma_start3A_111 = tpu.memref_slice %arg6[%dma_start3A_109, %dma_start3A_110] : memref<2048x16xf32, #tpu.memory_space<vmem>> -> memref<128x16xf32, #tpu.memory_space<vmem>>
      %dma_start3A_112 = arith.constant 0 : i32
      %dma_start3A_113 = tpu.memref_slice %arg5[%dma_start3A_108, %dma_start3A_112] : memref<16x128xi32, #tpu.memory_space<vmem>> -> memref<1x128xi32, #tpu.memory_space<vmem>>
      %dma_start3A_114 = tpu.memref_squeeze %dma_start3A_113 : memref<1x128xi32, #tpu.memory_space<vmem>> -> memref<128xi32, #tpu.memory_space<vmem>>
      %dma_start3A_115 = arith.constant 0 : i32
      %dma_start3A_116 = arith.constant 0 : i32
      %dma_start3A_117 = tpu.memref_slice %arg2[%dma_start3A_115, %dma_start3A_116] : memref<524288x16xf32, #tpu.memory_space<hbm>> -> memref<524288x16xf32, #tpu.memory_space<hbm>>
      tpu.enqueue_indirect_dma source(%dma_start3A_117 : memref<524288x16xf32, #tpu.memory_space<hbm>>) target(%dma_start3A_111 : memref<128x16xf32, #tpu.memory_space<vmem>>) offsets(%dma_start3A_114 : memref<128xi32, #tpu.memory_space<vmem>>) semaphore(%arg7 : memref<!tpu.dma_semaphore, #tpu.memory_space<semaphore_mem>>)
      %dma_start3A_118 = arith.constant 9 : i32
      %dma_start3A_119 = arith.constant 1152 : i32
      %dma_start3A_120 = arith.constant 0 : i32
      %dma_start3A_121 = tpu.memref_slice %arg6[%dma_start3A_119, %dma_start3A_120] : memref<2048x16xf32, #tpu.memory_space<vmem>> -> memref<128x16xf32, #tpu.memory_space<vmem>>
      %dma_start3A_122 = arith.constant 0 : i32
      %dma_start3A_123 = tpu.memref_slice %arg5[%dma_start3A_118, %dma_start3A_122] : memref<16x128xi32, #tpu.memory_space<vmem>> -> memref<1x128xi32, #tpu.memory_space<vmem>>
      %dma_start3A_124 = tpu.memref_squeeze %dma_start3A_123 : memref<1x128xi32, #tpu.memory_space<vmem>> -> memref<128xi32, #tpu.memory_space<vmem>>
      %dma_start3A_125 = arith.constant 0 : i32
      %dma_start3A_126 = arith.constant 0 : i32
      %dma_start3A_127 = tpu.memref_slice %arg2[%dma_start3A_125, %dma_start3A_126] : memref<524288x16xf32, #tpu.memory_space<hbm>> -> memref<524288x16xf32, #tpu.memory_space<hbm>>
      tpu.enqueue_indirect_dma source(%dma_start3A_127 : memref<524288x16xf32, #tpu.memory_space<hbm>>) target(%dma_start3A_121 : memref<128x16xf32, #tpu.memory_space<vmem>>) offsets(%dma_start3A_124 : memref<128xi32, #tpu.memory_space<vmem>>) semaphore(%arg7 : memref<!tpu.dma_semaphore, #tpu.memory_space<semaphore_mem>>)
      %dma_start3A_128 = arith.constant 10 : i32
      %dma_start3A_129 = arith.constant 1280 : i32
      %dma_start3A_130 = arith.constant 0 : i32
      %dma_start3A_131 = tpu.memref_slice %arg6[%dma_start3A_129, %dma_start3A_130] : memref<2048x16xf32, #tpu.memory_space<vmem>> -> memref<128x16xf32, #tpu.memory_space<vmem>>
      %dma_start3A_132 = arith.constant 0 : i32
      %dma_start3A_133 = tpu.memref_slice %arg5[%dma_start3A_128, %dma_start3A_132] : memref<16x128xi32, #tpu.memory_space<vmem>> -> memref<1x128xi32, #tpu.memory_space<vmem>>
      %dma_start3A_134 = tpu.memref_squeeze %dma_start3A_133 : memref<1x128xi32, #tpu.memory_space<vmem>> -> memref<128xi32, #tpu.memory_space<vmem>>
      %dma_start3A_135 = arith.constant 0 : i32
      %dma_start3A_136 = arith.constant 0 : i32
      %dma_start3A_137 = tpu.memref_slice %arg2[%dma_start3A_135, %dma_start3A_136] : memref<524288x16xf32, #tpu.memory_space<hbm>> -> memref<524288x16xf32, #tpu.memory_space<hbm>>
      tpu.enqueue_indirect_dma source(%dma_start3A_137 : memref<524288x16xf32, #tpu.memory_space<hbm>>) target(%dma_start3A_131 : memref<128x16xf32, #tpu.memory_space<vmem>>) offsets(%dma_start3A_134 : memref<128xi32, #tpu.memory_space<vmem>>) semaphore(%arg7 : memref<!tpu.dma_semaphore, #tpu.memory_space<semaphore_mem>>)
      %dma_start3A_138 = arith.constant 11 : i32
      %dma_start3A_139 = arith.constant 1408 : i32
      %dma_start3A_140 = arith.constant 0 : i32
      %dma_start3A_141 = tpu.memref_slice %arg6[%dma_start3A_139, %dma_start3A_140] : memref<2048x16xf32, #tpu.memory_space<vmem>> -> memref<128x16xf32, #tpu.memory_space<vmem>>
      %dma_start3A_142 = arith.constant 0 : i32
      %dma_start3A_143 = tpu.memref_slice %arg5[%dma_start3A_138, %dma_start3A_142] : memref<16x128xi32, #tpu.memory_space<vmem>> -> memref<1x128xi32, #tpu.memory_space<vmem>>
      %dma_start3A_144 = tpu.memref_squeeze %dma_start3A_143 : memref<1x128xi32, #tpu.memory_space<vmem>> -> memref<128xi32, #tpu.memory_space<vmem>>
      %dma_start3A_145 = arith.constant 0 : i32
      %dma_start3A_146 = arith.constant 0 : i32
      %dma_start3A_147 = tpu.memref_slice %arg2[%dma_start3A_145, %dma_start3A_146] : memref<524288x16xf32, #tpu.memory_space<hbm>> -> memref<524288x16xf32, #tpu.memory_space<hbm>>
      tpu.enqueue_indirect_dma source(%dma_start3A_147 : memref<524288x16xf32, #tpu.memory_space<hbm>>) target(%dma_start3A_141 : memref<128x16xf32, #tpu.memory_space<vmem>>) offsets(%dma_start3A_144 : memref<128xi32, #tpu.memory_space<vmem>>) semaphore(%arg7 : memref<!tpu.dma_semaphore, #tpu.memory_space<semaphore_mem>>)
      %dma_start3A_148 = arith.constant 12 : i32
      %dma_start3A_149 = arith.constant 1536 : i32
      %dma_start3A_150 = arith.constant 0 : i32
      %dma_start3A_151 = tpu.memref_slice %arg6[%dma_start3A_149, %dma_start3A_150] : memref<2048x16xf32, #tpu.memory_space<vmem>> -> memref<128x16xf32, #tpu.memory_space<vmem>>
      %dma_start3A_152 = arith.constant 0 : i32
      %dma_start3A_153 = tpu.memref_slice %arg5[%dma_start3A_148, %dma_start3A_152] : memref<16x128xi32, #tpu.memory_space<vmem>> -> memref<1x128xi32, #tpu.memory_space<vmem>>
      %dma_start3A_154 = tpu.memref_squeeze %dma_start3A_153 : memref<1x128xi32, #tpu.memory_space<vmem>> -> memref<128xi32, #tpu.memory_space<vmem>>
      %dma_start3A_155 = arith.constant 0 : i32
      %dma_start3A_156 = arith.constant 0 : i32
      %dma_start3A_157 = tpu.memref_slice %arg2[%dma_start3A_155, %dma_start3A_156] : memref<524288x16xf32, #tpu.memory_space<hbm>> -> memref<524288x16xf32, #tpu.memory_space<hbm>>
      tpu.enqueue_indirect_dma source(%dma_start3A_157 : memref<524288x16xf32, #tpu.memory_space<hbm>>) target(%dma_start3A_151 : memref<128x16xf32, #tpu.memory_space<vmem>>) offsets(%dma_start3A_154 : memref<128xi32, #tpu.memory_space<vmem>>) semaphore(%arg7 : memref<!tpu.dma_semaphore, #tpu.memory_space<semaphore_mem>>)
      %dma_start3A_158 = arith.constant 13 : i32
      %dma_start3A_159 = arith.constant 1664 : i32
      %dma_start3A_160 = arith.constant 0 : i32
      %dma_start3A_161 = tpu.memref_slice %arg6[%dma_start3A_159, %dma_start3A_160] : memref<2048x16xf32, #tpu.memory_space<vmem>> -> memref<128x16xf32, #tpu.memory_space<vmem>>
      %dma_start3A_162 = arith.constant 0 : i32
      %dma_start3A_163 = tpu.memref_slice %arg5[%dma_start3A_158, %dma_start3A_162] : memref<16x128xi32, #tpu.memory_space<vmem>> -> memref<1x128xi32, #tpu.memory_space<vmem>>
      %dma_start3A_164 = tpu.memref_squeeze %dma_start3A_163 : memref<1x128xi32, #tpu.memory_space<vmem>> -> memref<128xi32, #tpu.memory_space<vmem>>
      %dma_start3A_165 = arith.constant 0 : i32
      %dma_start3A_166 = arith.constant 0 : i32
      %dma_start3A_167 = tpu.memref_slice %arg2[%dma_start3A_165, %dma_start3A_166] : memref<524288x16xf32, #tpu.memory_space<hbm>> -> memref<524288x16xf32, #tpu.memory_space<hbm>>
      tpu.enqueue_indirect_dma source(%dma_start3A_167 : memref<524288x16xf32, #tpu.memory_space<hbm>>) target(%dma_start3A_161 : memref<128x16xf32, #tpu.memory_space<vmem>>) offsets(%dma_start3A_164 : memref<128xi32, #tpu.memory_space<vmem>>) semaphore(%arg7 : memref<!tpu.dma_semaphore, #tpu.memory_space<semaphore_mem>>)
      %dma_start3A_168 = arith.constant 14 : i32
      %dma_start3A_169 = arith.constant 1792 : i32
      %dma_start3A_170 = arith.constant 0 : i32
      %dma_start3A_171 = tpu.memref_slice %arg6[%dma_start3A_169, %dma_start3A_170] : memref<2048x16xf32, #tpu.memory_space<vmem>> -> memref<128x16xf32, #tpu.memory_space<vmem>>
      %dma_start3A_172 = arith.constant 0 : i32
      %dma_start3A_173 = tpu.memref_slice %arg5[%dma_start3A_168, %dma_start3A_172] : memref<16x128xi32, #tpu.memory_space<vmem>> -> memref<1x128xi32, #tpu.memory_space<vmem>>
      %dma_start3A_174 = tpu.memref_squeeze %dma_start3A_173 : memref<1x128xi32, #tpu.memory_space<vmem>> -> memref<128xi32, #tpu.memory_space<vmem>>
      %dma_start3A_175 = arith.constant 0 : i32
      %dma_start3A_176 = arith.constant 0 : i32
      %dma_start3A_177 = tpu.memref_slice %arg2[%dma_start3A_175, %dma_start3A_176] : memref<524288x16xf32, #tpu.memory_space<hbm>> -> memref<524288x16xf32, #tpu.memory_space<hbm>>
      tpu.enqueue_indirect_dma source(%dma_start3A_177 : memref<524288x16xf32, #tpu.memory_space<hbm>>) target(%dma_start3A_171 : memref<128x16xf32, #tpu.memory_space<vmem>>) offsets(%dma_start3A_174 : memref<128xi32, #tpu.memory_space<vmem>>) semaphore(%arg7 : memref<!tpu.dma_semaphore, #tpu.memory_space<semaphore_mem>>)
      %dma_start3A_178 = arith.constant 15 : i32
      %dma_start3A_179 = arith.constant 1920 : i32
      %dma_start3A_180 = arith.constant 0 : i32
      %dma_start3A_181 = tpu.memref_slice %arg6[%dma_start3A_179, %dma_start3A_180] : memref<2048x16xf32, #tpu.memory_space<vmem>> -> memref<128x16xf32, #tpu.memory_space<vmem>>
      %dma_start3A_182 = arith.constant 0 : i32
      %dma_start3A_183 = tpu.memref_slice %arg5[%dma_start3A_178, %dma_start3A_182] : memref<16x128xi32, #tpu.memory_space<vmem>> -> memref<1x128xi32, #tpu.memory_space<vmem>>
      %dma_start3A_184 = tpu.memref_squeeze %dma_start3A_183 : memref<1x128xi32, #tpu.memory_space<vmem>> -> memref<128xi32, #tpu.memory_space<vmem>>
      %dma_start3A_185 = arith.constant 0 : i32
      %dma_start3A_186 = arith.constant 0 : i32
      %dma_start3A_187 = tpu.memref_slice %arg2[%dma_start3A_185, %dma_start3A_186] : memref<524288x16xf32, #tpu.memory_space<hbm>> -> memref<524288x16xf32, #tpu.memory_space<hbm>>
      tpu.enqueue_indirect_dma source(%dma_start3A_187 : memref<524288x16xf32, #tpu.memory_space<hbm>>) target(%dma_start3A_181 : memref<128x16xf32, #tpu.memory_space<vmem>>) offsets(%dma_start3A_184 : memref<128xi32, #tpu.memory_space<vmem>>) semaphore(%arg7 : memref<!tpu.dma_semaphore, #tpu.memory_space<semaphore_mem>>)
      %dma_wait3A = arith.constant 0 : i32
      %dma_wait3A_188 = arith.constant 0 : i32
      %dma_wait3A_189 = arith.constant 0 : i32
      %dma_wait3A_190 = tpu.memref_slice %arg6[%dma_wait3A_188, %dma_wait3A_189] : memref<2048x16xf32, #tpu.memory_space<vmem>> -> memref<128x16xf32, #tpu.memory_space<vmem>>
      %dma_wait3A_191 = arith.constant 0 : i32
      %dma_wait3A_192 = tpu.memref_slice %arg5[%dma_wait3A, %dma_wait3A_191] : memref<16x128xi32, #tpu.memory_space<vmem>> -> memref<1x128xi32, #tpu.memory_space<vmem>>
      %dma_wait3A_193 = tpu.memref_squeeze %dma_wait3A_192 : memref<1x128xi32, #tpu.memory_space<vmem>> -> memref<128xi32, #tpu.memory_space<vmem>>
      %dma_wait3A_194 = arith.constant 0 : i32
      %dma_wait3A_195 = arith.constant 0 : i32
      %dma_wait3A_196 = tpu.memref_slice %arg2[%dma_wait3A_194, %dma_wait3A_195] : memref<524288x16xf32, #tpu.memory_space<hbm>> -> memref<524288x16xf32, #tpu.memory_space<hbm>>
      tpu.wait_indirect_dma semaphore(%arg7 : memref<!tpu.dma_semaphore, #tpu.memory_space<semaphore_mem>>) src(%dma_wait3A_196 : memref<524288x16xf32, #tpu.memory_space<hbm>>) dst(%dma_wait3A_190 : memref<128x16xf32, #tpu.memory_space<vmem>>)
      %dma_wait3A_197 = arith.constant 1 : i32
      %dma_wait3A_198 = arith.constant 128 : i32
      %dma_wait3A_199 = arith.constant 0 : i32
      %dma_wait3A_200 = tpu.memref_slice %arg6[%dma_wait3A_198, %dma_wait3A_199] : memref<2048x16xf32, #tpu.memory_space<vmem>> -> memref<128x16xf32, #tpu.memory_space<vmem>>
      %dma_wait3A_201 = arith.constant 0 : i32
      %dma_wait3A_202 = tpu.memref_slice %arg5[%dma_wait3A_197, %dma_wait3A_201] : memref<16x128xi32, #tpu.memory_space<vmem>> -> memref<1x128xi32, #tpu.memory_space<vmem>>
      %dma_wait3A_203 = tpu.memref_squeeze %dma_wait3A_202 : memref<1x128xi32, #tpu.memory_space<vmem>> -> memref<128xi32, #tpu.memory_space<vmem>>
      %dma_wait3A_204 = arith.constant 0 : i32
      %dma_wait3A_205 = arith.constant 0 : i32
      %dma_wait3A_206 = tpu.memref_slice %arg2[%dma_wait3A_204, %dma_wait3A_205] : memref<524288x16xf32, #tpu.memory_space<hbm>> -> memref<524288x16xf32, #tpu.memory_space<hbm>>
      tpu.wait_indirect_dma semaphore(%arg7 : memref<!tpu.dma_semaphore, #tpu.memory_space<semaphore_mem>>) src(%dma_wait3A_206 : memref<524288x16xf32, #tpu.memory_space<hbm>>) dst(%dma_wait3A_200 : memref<128x16xf32, #tpu.memory_space<vmem>>)
      %dma_wait3A_207 = arith.constant 2 : i32
      %dma_wait3A_208 = arith.constant 256 : i32
      %dma_wait3A_209 = arith.constant 0 : i32
      %dma_wait3A_210 = tpu.memref_slice %arg6[%dma_wait3A_208, %dma_wait3A_209] : memref<2048x16xf32, #tpu.memory_space<vmem>> -> memref<128x16xf32, #tpu.memory_space<vmem>>
      %dma_wait3A_211 = arith.constant 0 : i32
      %dma_wait3A_212 = tpu.memref_slice %arg5[%dma_wait3A_207, %dma_wait3A_211] : memref<16x128xi32, #tpu.memory_space<vmem>> -> memref<1x128xi32, #tpu.memory_space<vmem>>
      %dma_wait3A_213 = tpu.memref_squeeze %dma_wait3A_212 : memref<1x128xi32, #tpu.memory_space<vmem>> -> memref<128xi32, #tpu.memory_space<vmem>>
      %dma_wait3A_214 = arith.constant 0 : i32
      %dma_wait3A_215 = arith.constant 0 : i32
      %dma_wait3A_216 = tpu.memref_slice %arg2[%dma_wait3A_214, %dma_wait3A_215] : memref<524288x16xf32, #tpu.memory_space<hbm>> -> memref<524288x16xf32, #tpu.memory_space<hbm>>
      tpu.wait_indirect_dma semaphore(%arg7 : memref<!tpu.dma_semaphore, #tpu.memory_space<semaphore_mem>>) src(%dma_wait3A_216 : memref<524288x16xf32, #tpu.memory_space<hbm>>) dst(%dma_wait3A_210 : memref<128x16xf32, #tpu.memory_space<vmem>>)
      %dma_wait3A_217 = arith.constant 3 : i32
      %dma_wait3A_218 = arith.constant 384 : i32
      %dma_wait3A_219 = arith.constant 0 : i32
      %dma_wait3A_220 = tpu.memref_slice %arg6[%dma_wait3A_218, %dma_wait3A_219] : memref<2048x16xf32, #tpu.memory_space<vmem>> -> memref<128x16xf32, #tpu.memory_space<vmem>>
      %dma_wait3A_221 = arith.constant 0 : i32
      %dma_wait3A_222 = tpu.memref_slice %arg5[%dma_wait3A_217, %dma_wait3A_221] : memref<16x128xi32, #tpu.memory_space<vmem>> -> memref<1x128xi32, #tpu.memory_space<vmem>>
      %dma_wait3A_223 = tpu.memref_squeeze %dma_wait3A_222 : memref<1x128xi32, #tpu.memory_space<vmem>> -> memref<128xi32, #tpu.memory_space<vmem>>
      %dma_wait3A_224 = arith.constant 0 : i32
      %dma_wait3A_225 = arith.constant 0 : i32
      %dma_wait3A_226 = tpu.memref_slice %arg2[%dma_wait3A_224, %dma_wait3A_225] : memref<524288x16xf32, #tpu.memory_space<hbm>> -> memref<524288x16xf32, #tpu.memory_space<hbm>>
      tpu.wait_indirect_dma semaphore(%arg7 : memref<!tpu.dma_semaphore, #tpu.memory_space<semaphore_mem>>) src(%dma_wait3A_226 : memref<524288x16xf32, #tpu.memory_space<hbm>>) dst(%dma_wait3A_220 : memref<128x16xf32, #tpu.memory_space<vmem>>)
      %dma_wait3A_227 = arith.constant 4 : i32
      %dma_wait3A_228 = arith.constant 512 : i32
      %dma_wait3A_229 = arith.constant 0 : i32
      %dma_wait3A_230 = tpu.memref_slice %arg6[%dma_wait3A_228, %dma_wait3A_229] : memref<2048x16xf32, #tpu.memory_space<vmem>> -> memref<128x16xf32, #tpu.memory_space<vmem>>
      %dma_wait3A_231 = arith.constant 0 : i32
      %dma_wait3A_232 = tpu.memref_slice %arg5[%dma_wait3A_227, %dma_wait3A_231] : memref<16x128xi32, #tpu.memory_space<vmem>> -> memref<1x128xi32, #tpu.memory_space<vmem>>
      %dma_wait3A_233 = tpu.memref_squeeze %dma_wait3A_232 : memref<1x128xi32, #tpu.memory_space<vmem>> -> memref<128xi32, #tpu.memory_space<vmem>>
      %dma_wait3A_234 = arith.constant 0 : i32
      %dma_wait3A_235 = arith.constant 0 : i32
      %dma_wait3A_236 = tpu.memref_slice %arg2[%dma_wait3A_234, %dma_wait3A_235] : memref<524288x16xf32, #tpu.memory_space<hbm>> -> memref<524288x16xf32, #tpu.memory_space<hbm>>
      tpu.wait_indirect_dma semaphore(%arg7 : memref<!tpu.dma_semaphore, #tpu.memory_space<semaphore_mem>>) src(%dma_wait3A_236 : memref<524288x16xf32, #tpu.memory_space<hbm>>) dst(%dma_wait3A_230 : memref<128x16xf32, #tpu.memory_space<vmem>>)
      %dma_wait3A_237 = arith.constant 5 : i32
      %dma_wait3A_238 = arith.constant 640 : i32
      %dma_wait3A_239 = arith.constant 0 : i32
      %dma_wait3A_240 = tpu.memref_slice %arg6[%dma_wait3A_238, %dma_wait3A_239] : memref<2048x16xf32, #tpu.memory_space<vmem>> -> memref<128x16xf32, #tpu.memory_space<vmem>>
      %dma_wait3A_241 = arith.constant 0 : i32
      %dma_wait3A_242 = tpu.memref_slice %arg5[%dma_wait3A_237, %dma_wait3A_241] : memref<16x128xi32, #tpu.memory_space<vmem>> -> memref<1x128xi32, #tpu.memory_space<vmem>>
      %dma_wait3A_243 = tpu.memref_squeeze %dma_wait3A_242 : memref<1x128xi32, #tpu.memory_space<vmem>> -> memref<128xi32, #tpu.memory_space<vmem>>
      %dma_wait3A_244 = arith.constant 0 : i32
      %dma_wait3A_245 = arith.constant 0 : i32
      %dma_wait3A_246 = tpu.memref_slice %arg2[%dma_wait3A_244, %dma_wait3A_245] : memref<524288x16xf32, #tpu.memory_space<hbm>> -> memref<524288x16xf32, #tpu.memory_space<hbm>>
      tpu.wait_indirect_dma semaphore(%arg7 : memref<!tpu.dma_semaphore, #tpu.memory_space<semaphore_mem>>) src(%dma_wait3A_246 : memref<524288x16xf32, #tpu.memory_space<hbm>>) dst(%dma_wait3A_240 : memref<128x16xf32, #tpu.memory_space<vmem>>)
      %dma_wait3A_247 = arith.constant 6 : i32
      %dma_wait3A_248 = arith.constant 768 : i32
      %dma_wait3A_249 = arith.constant 0 : i32
      %dma_wait3A_250 = tpu.memref_slice %arg6[%dma_wait3A_248, %dma_wait3A_249] : memref<2048x16xf32, #tpu.memory_space<vmem>> -> memref<128x16xf32, #tpu.memory_space<vmem>>
      %dma_wait3A_251 = arith.constant 0 : i32
      %dma_wait3A_252 = tpu.memref_slice %arg5[%dma_wait3A_247, %dma_wait3A_251] : memref<16x128xi32, #tpu.memory_space<vmem>> -> memref<1x128xi32, #tpu.memory_space<vmem>>
      %dma_wait3A_253 = tpu.memref_squeeze %dma_wait3A_252 : memref<1x128xi32, #tpu.memory_space<vmem>> -> memref<128xi32, #tpu.memory_space<vmem>>
      %dma_wait3A_254 = arith.constant 0 : i32
      %dma_wait3A_255 = arith.constant 0 : i32
      %dma_wait3A_256 = tpu.memref_slice %arg2[%dma_wait3A_254, %dma_wait3A_255] : memref<524288x16xf32, #tpu.memory_space<hbm>> -> memref<524288x16xf32, #tpu.memory_space<hbm>>
      tpu.wait_indirect_dma semaphore(%arg7 : memref<!tpu.dma_semaphore, #tpu.memory_space<semaphore_mem>>) src(%dma_wait3A_256 : memref<524288x16xf32, #tpu.memory_space<hbm>>) dst(%dma_wait3A_250 : memref<128x16xf32, #tpu.memory_space<vmem>>)
      %dma_wait3A_257 = arith.constant 7 : i32
      %dma_wait3A_258 = arith.constant 896 : i32
      %dma_wait3A_259 = arith.constant 0 : i32
      %dma_wait3A_260 = tpu.memref_slice %arg6[%dma_wait3A_258, %dma_wait3A_259] : memref<2048x16xf32, #tpu.memory_space<vmem>> -> memref<128x16xf32, #tpu.memory_space<vmem>>
      %dma_wait3A_261 = arith.constant 0 : i32
      %dma_wait3A_262 = tpu.memref_slice %arg5[%dma_wait3A_257, %dma_wait3A_261] : memref<16x128xi32, #tpu.memory_space<vmem>> -> memref<1x128xi32, #tpu.memory_space<vmem>>
      %dma_wait3A_263 = tpu.memref_squeeze %dma_wait3A_262 : memref<1x128xi32, #tpu.memory_space<vmem>> -> memref<128xi32, #tpu.memory_space<vmem>>
      %dma_wait3A_264 = arith.constant 0 : i32
      %dma_wait3A_265 = arith.constant 0 : i32
      %dma_wait3A_266 = tpu.memref_slice %arg2[%dma_wait3A_264, %dma_wait3A_265] : memref<524288x16xf32, #tpu.memory_space<hbm>> -> memref<524288x16xf32, #tpu.memory_space<hbm>>
      tpu.wait_indirect_dma semaphore(%arg7 : memref<!tpu.dma_semaphore, #tpu.memory_space<semaphore_mem>>) src(%dma_wait3A_266 : memref<524288x16xf32, #tpu.memory_space<hbm>>) dst(%dma_wait3A_260 : memref<128x16xf32, #tpu.memory_space<vmem>>)
      %dma_wait3A_267 = arith.constant 8 : i32
      %dma_wait3A_268 = arith.constant 1024 : i32
      %dma_wait3A_269 = arith.constant 0 : i32
      %dma_wait3A_270 = tpu.memref_slice %arg6[%dma_wait3A_268, %dma_wait3A_269] : memref<2048x16xf32, #tpu.memory_space<vmem>> -> memref<128x16xf32, #tpu.memory_space<vmem>>
      %dma_wait3A_271 = arith.constant 0 : i32
      %dma_wait3A_272 = tpu.memref_slice %arg5[%dma_wait3A_267, %dma_wait3A_271] : memref<16x128xi32, #tpu.memory_space<vmem>> -> memref<1x128xi32, #tpu.memory_space<vmem>>
      %dma_wait3A_273 = tpu.memref_squeeze %dma_wait3A_272 : memref<1x128xi32, #tpu.memory_space<vmem>> -> memref<128xi32, #tpu.memory_space<vmem>>
      %dma_wait3A_274 = arith.constant 0 : i32
      %dma_wait3A_275 = arith.constant 0 : i32
      %dma_wait3A_276 = tpu.memref_slice %arg2[%dma_wait3A_274, %dma_wait3A_275] : memref<524288x16xf32, #tpu.memory_space<hbm>> -> memref<524288x16xf32, #tpu.memory_space<hbm>>
      tpu.wait_indirect_dma semaphore(%arg7 : memref<!tpu.dma_semaphore, #tpu.memory_space<semaphore_mem>>) src(%dma_wait3A_276 : memref<524288x16xf32, #tpu.memory_space<hbm>>) dst(%dma_wait3A_270 : memref<128x16xf32, #tpu.memory_space<vmem>>)
      %dma_wait3A_277 = arith.constant 9 : i32
      %dma_wait3A_278 = arith.constant 1152 : i32
      %dma_wait3A_279 = arith.constant 0 : i32
      %dma_wait3A_280 = tpu.memref_slice %arg6[%dma_wait3A_278, %dma_wait3A_279] : memref<2048x16xf32, #tpu.memory_space<vmem>> -> memref<128x16xf32, #tpu.memory_space<vmem>>
      %dma_wait3A_281 = arith.constant 0 : i32
      %dma_wait3A_282 = tpu.memref_slice %arg5[%dma_wait3A_277, %dma_wait3A_281] : memref<16x128xi32, #tpu.memory_space<vmem>> -> memref<1x128xi32, #tpu.memory_space<vmem>>
      %dma_wait3A_283 = tpu.memref_squeeze %dma_wait3A_282 : memref<1x128xi32, #tpu.memory_space<vmem>> -> memref<128xi32, #tpu.memory_space<vmem>>
      %dma_wait3A_284 = arith.constant 0 : i32
      %dma_wait3A_285 = arith.constant 0 : i32
      %dma_wait3A_286 = tpu.memref_slice %arg2[%dma_wait3A_284, %dma_wait3A_285] : memref<524288x16xf32, #tpu.memory_space<hbm>> -> memref<524288x16xf32, #tpu.memory_space<hbm>>
      tpu.wait_indirect_dma semaphore(%arg7 : memref<!tpu.dma_semaphore, #tpu.memory_space<semaphore_mem>>) src(%dma_wait3A_286 : memref<524288x16xf32, #tpu.memory_space<hbm>>) dst(%dma_wait3A_280 : memref<128x16xf32, #tpu.memory_space<vmem>>)
      %dma_wait3A_287 = arith.constant 10 : i32
      %dma_wait3A_288 = arith.constant 1280 : i32
      %dma_wait3A_289 = arith.constant 0 : i32
      %dma_wait3A_290 = tpu.memref_slice %arg6[%dma_wait3A_288, %dma_wait3A_289] : memref<2048x16xf32, #tpu.memory_space<vmem>> -> memref<128x16xf32, #tpu.memory_space<vmem>>
      %dma_wait3A_291 = arith.constant 0 : i32
      %dma_wait3A_292 = tpu.memref_slice %arg5[%dma_wait3A_287, %dma_wait3A_291] : memref<16x128xi32, #tpu.memory_space<vmem>> -> memref<1x128xi32, #tpu.memory_space<vmem>>
      %dma_wait3A_293 = tpu.memref_squeeze %dma_wait3A_292 : memref<1x128xi32, #tpu.memory_space<vmem>> -> memref<128xi32, #tpu.memory_space<vmem>>
      %dma_wait3A_294 = arith.constant 0 : i32
      %dma_wait3A_295 = arith.constant 0 : i32
      %dma_wait3A_296 = tpu.memref_slice %arg2[%dma_wait3A_294, %dma_wait3A_295] : memref<524288x16xf32, #tpu.memory_space<hbm>> -> memref<524288x16xf32, #tpu.memory_space<hbm>>
      tpu.wait_indirect_dma semaphore(%arg7 : memref<!tpu.dma_semaphore, #tpu.memory_space<semaphore_mem>>) src(%dma_wait3A_296 : memref<524288x16xf32, #tpu.memory_space<hbm>>) dst(%dma_wait3A_290 : memref<128x16xf32, #tpu.memory_space<vmem>>)
      %dma_wait3A_297 = arith.constant 11 : i32
      %dma_wait3A_298 = arith.constant 1408 : i32
      %dma_wait3A_299 = arith.constant 0 : i32
      %dma_wait3A_300 = tpu.memref_slice %arg6[%dma_wait3A_298, %dma_wait3A_299] : memref<2048x16xf32, #tpu.memory_space<vmem>> -> memref<128x16xf32, #tpu.memory_space<vmem>>
      %dma_wait3A_301 = arith.constant 0 : i32
      %dma_wait3A_302 = tpu.memref_slice %arg5[%dma_wait3A_297, %dma_wait3A_301] : memref<16x128xi32, #tpu.memory_space<vmem>> -> memref<1x128xi32, #tpu.memory_space<vmem>>
      %dma_wait3A_303 = tpu.memref_squeeze %dma_wait3A_302 : memref<1x128xi32, #tpu.memory_space<vmem>> -> memref<128xi32, #tpu.memory_space<vmem>>
      %dma_wait3A_304 = arith.constant 0 : i32
      %dma_wait3A_305 = arith.constant 0 : i32
      %dma_wait3A_306 = tpu.memref_slice %arg2[%dma_wait3A_304, %dma_wait3A_305] : memref<524288x16xf32, #tpu.memory_space<hbm>> -> memref<524288x16xf32, #tpu.memory_space<hbm>>
      tpu.wait_indirect_dma semaphore(%arg7 : memref<!tpu.dma_semaphore, #tpu.memory_space<semaphore_mem>>) src(%dma_wait3A_306 : memref<524288x16xf32, #tpu.memory_space<hbm>>) dst(%dma_wait3A_300 : memref<128x16xf32, #tpu.memory_space<vmem>>)
      %dma_wait3A_307 = arith.constant 12 : i32
      %dma_wait3A_308 = arith.constant 1536 : i32
      %dma_wait3A_309 = arith.constant 0 : i32
      %dma_wait3A_310 = tpu.memref_slice %arg6[%dma_wait3A_308, %dma_wait3A_309] : memref<2048x16xf32, #tpu.memory_space<vmem>> -> memref<128x16xf32, #tpu.memory_space<vmem>>
      %dma_wait3A_311 = arith.constant 0 : i32
      %dma_wait3A_312 = tpu.memref_slice %arg5[%dma_wait3A_307, %dma_wait3A_311] : memref<16x128xi32, #tpu.memory_space<vmem>> -> memref<1x128xi32, #tpu.memory_space<vmem>>
      %dma_wait3A_313 = tpu.memref_squeeze %dma_wait3A_312 : memref<1x128xi32, #tpu.memory_space<vmem>> -> memref<128xi32, #tpu.memory_space<vmem>>
      %dma_wait3A_314 = arith.constant 0 : i32
      %dma_wait3A_315 = arith.constant 0 : i32
      %dma_wait3A_316 = tpu.memref_slice %arg2[%dma_wait3A_314, %dma_wait3A_315] : memref<524288x16xf32, #tpu.memory_space<hbm>> -> memref<524288x16xf32, #tpu.memory_space<hbm>>
      tpu.wait_indirect_dma semaphore(%arg7 : memref<!tpu.dma_semaphore, #tpu.memory_space<semaphore_mem>>) src(%dma_wait3A_316 : memref<524288x16xf32, #tpu.memory_space<hbm>>) dst(%dma_wait3A_310 : memref<128x16xf32, #tpu.memory_space<vmem>>)
      %dma_wait3A_317 = arith.constant 13 : i32
      %dma_wait3A_318 = arith.constant 1664 : i32
      %dma_wait3A_319 = arith.constant 0 : i32
      %dma_wait3A_320 = tpu.memref_slice %arg6[%dma_wait3A_318, %dma_wait3A_319] : memref<2048x16xf32, #tpu.memory_space<vmem>> -> memref<128x16xf32, #tpu.memory_space<vmem>>
      %dma_wait3A_321 = arith.constant 0 : i32
      %dma_wait3A_322 = tpu.memref_slice %arg5[%dma_wait3A_317, %dma_wait3A_321] : memref<16x128xi32, #tpu.memory_space<vmem>> -> memref<1x128xi32, #tpu.memory_space<vmem>>
      %dma_wait3A_323 = tpu.memref_squeeze %dma_wait3A_322 : memref<1x128xi32, #tpu.memory_space<vmem>> -> memref<128xi32, #tpu.memory_space<vmem>>
      %dma_wait3A_324 = arith.constant 0 : i32
      %dma_wait3A_325 = arith.constant 0 : i32
      %dma_wait3A_326 = tpu.memref_slice %arg2[%dma_wait3A_324, %dma_wait3A_325] : memref<524288x16xf32, #tpu.memory_space<hbm>> -> memref<524288x16xf32, #tpu.memory_space<hbm>>
      tpu.wait_indirect_dma semaphore(%arg7 : memref<!tpu.dma_semaphore, #tpu.memory_space<semaphore_mem>>) src(%dma_wait3A_326 : memref<524288x16xf32, #tpu.memory_space<hbm>>) dst(%dma_wait3A_320 : memref<128x16xf32, #tpu.memory_space<vmem>>)
      %dma_wait3A_327 = arith.constant 14 : i32
      %dma_wait3A_328 = arith.constant 1792 : i32
      %dma_wait3A_329 = arith.constant 0 : i32
      %dma_wait3A_330 = tpu.memref_slice %arg6[%dma_wait3A_328, %dma_wait3A_329] : memref<2048x16xf32, #tpu.memory_space<vmem>> -> memref<128x16xf32, #tpu.memory_space<vmem>>
      %dma_wait3A_331 = arith.constant 0 : i32
      %dma_wait3A_332 = tpu.memref_slice %arg5[%dma_wait3A_327, %dma_wait3A_331] : memref<16x128xi32, #tpu.memory_space<vmem>> -> memref<1x128xi32, #tpu.memory_space<vmem>>
      %dma_wait3A_333 = tpu.memref_squeeze %dma_wait3A_332 : memref<1x128xi32, #tpu.memory_space<vmem>> -> memref<128xi32, #tpu.memory_space<vmem>>
      %dma_wait3A_334 = arith.constant 0 : i32
      %dma_wait3A_335 = arith.constant 0 : i32
      %dma_wait3A_336 = tpu.memref_slice %arg2[%dma_wait3A_334, %dma_wait3A_335] : memref<524288x16xf32, #tpu.memory_space<hbm>> -> memref<524288x16xf32, #tpu.memory_space<hbm>>
      tpu.wait_indirect_dma semaphore(%arg7 : memref<!tpu.dma_semaphore, #tpu.memory_space<semaphore_mem>>) src(%dma_wait3A_336 : memref<524288x16xf32, #tpu.memory_space<hbm>>) dst(%dma_wait3A_330 : memref<128x16xf32, #tpu.memory_space<vmem>>)
      %dma_wait3A_337 = arith.constant 15 : i32
      %dma_wait3A_338 = arith.constant 1920 : i32
      %dma_wait3A_339 = arith.constant 0 : i32
      %dma_wait3A_340 = tpu.memref_slice %arg6[%dma_wait3A_338, %dma_wait3A_339] : memref<2048x16xf32, #tpu.memory_space<vmem>> -> memref<128x16xf32, #tpu.memory_space<vmem>>
      %dma_wait3A_341 = arith.constant 0 : i32
      %dma_wait3A_342 = tpu.memref_slice %arg5[%dma_wait3A_337, %dma_wait3A_341] : memref<16x128xi32, #tpu.memory_space<vmem>> -> memref<1x128xi32, #tpu.memory_space<vmem>>
      %dma_wait3A_343 = tpu.memref_squeeze %dma_wait3A_342 : memref<1x128xi32, #tpu.memory_space<vmem>> -> memref<128xi32, #tpu.memory_space<vmem>>
      %dma_wait3A_344 = arith.constant 0 : i32
      %dma_wait3A_345 = arith.constant 0 : i32
      %dma_wait3A_346 = tpu.memref_slice %arg2[%dma_wait3A_344, %dma_wait3A_345] : memref<524288x16xf32, #tpu.memory_space<hbm>> -> memref<524288x16xf32, #tpu.memory_space<hbm>>
      tpu.wait_indirect_dma semaphore(%arg7 : memref<!tpu.dma_semaphore, #tpu.memory_space<semaphore_mem>>) src(%dma_wait3A_346 : memref<524288x16xf32, #tpu.memory_space<hbm>>) dst(%dma_wait3A_340 : memref<128x16xf32, #tpu.memory_space<vmem>>)
      "tpu.region"() ({
        %run_scoped3A = tpu.sem_alloc : memref<!tpu.dma_semaphore, #tpu.memory_space<semaphore_mem>>
        %dma_start3A_347 = arith.constant 0 : i32
        %dma_start3A_348 = tpu.memref_slice %arg4[%multiple_of3A, %dma_start3A_347] : memref<4194304x16xf32, #tpu.memory_space<hbm>> -> memref<2048x16xf32, #tpu.memory_space<hbm>>
        %dma_start3A_349 = arith.constant 0 : i32
        %dma_start3A_350 = tpu.memref_slice %arg4[%multiple_of3A, %dma_start3A_349] : memref<4194304x16xf32, #tpu.memory_space<hbm>> -> memref<2048x16xf32, #tpu.memory_space<hbm>>
        tpu.enqueue_dma source(%arg6 : memref<2048x16xf32, #tpu.memory_space<vmem>>) target(%dma_start3A_350 : memref<2048x16xf32, #tpu.memory_space<hbm>>) target_semaphore(%run_scoped3A : memref<!tpu.dma_semaphore, #tpu.memory_space<semaphore_mem>>)
        %dma_wait3A_351 = arith.constant 0 : i32
        %dma_wait3A_352 = tpu.memref_slice %arg4[%multiple_of3A, %dma_wait3A_351] : memref<4194304x16xf32, #tpu.memory_space<hbm>> -> memref<2048x16xf32, #tpu.memory_space<hbm>>
        %dma_wait3A_353 = arith.constant 0 : i32
        %dma_wait3A_354 = tpu.memref_slice %arg4[%multiple_of3A, %dma_wait3A_353] : memref<4194304x16xf32, #tpu.memory_space<hbm>> -> memref<2048x16xf32, #tpu.memory_space<hbm>>
        tpu.wait_dma2 semaphore(%run_scoped3A : memref<!tpu.dma_semaphore, #tpu.memory_space<semaphore_mem>>) src(%arg6 : memref<2048x16xf32, #tpu.memory_space<vmem>>) dst(%dma_wait3A_354 : memref<2048x16xf32, #tpu.memory_space<hbm>>)
        tpu.yield
      }) : () -> ()
    }
    %scan3A_7 = arith.constant 64 : i32
    return
  }
}

module attributes {stable_mosaic.version = 14 : i64} {
  func.func @_cell(%arg0: i32, %arg1: i32, %arg2: memref<1x3x512xf32, #tpu.memory_space<vmem>>, %arg3: memref<1x1x1024x3xf32, #tpu.memory_space<vmem>>, %arg4: memref<1x1x16x512xf32, #tpu.memory_space<vmem>>, %arg5: memref<1x1x16x512xi32, #tpu.memory_space<vmem>>, %arg6: memref<1x1x3x512xf32, #tpu.memory_space<vmem>>, %arg7: memref<1024x512xf32, #tpu.memory_space<vmem>>, %arg8: memref<8x512xf32, #tpu.memory_space<vmem>>) attributes {dimension_semantics = [#tpu.dimension_semantics<parallel>, #tpu.dimension_semantics<arbitrary>], iteration_bounds = array<i64: 64, 8>, scalar_prefetch = 0 : i64, scratch_operands = 2 : i64, tpu.core_type = #tpu.core_type<tc>, window_params = [{transform_indices = @transform_0, window_bounds = array<i64: 1, 3, 512>}, {transform_indices = @transform_1, window_bounds = array<i64: 1, 1, 1024, 3>}, {transform_indices = @transform_2, window_bounds = array<i64: 1, 1, 16, 512>}, {transform_indices = @transform_3, window_bounds = array<i64: 1, 1, 16, 512>}, {transform_indices = @transform_4, window_bounds = array<i64: 1, 1, 3, 512>}]} {
    %eq3A = arith.constant 0 : i32
    %eq3A_0 = arith.cmpi eq, %arg1, %eq3A : i32
    %convert_element_type3A = arith.extui %eq3A_0 : i1 to i32
    %cond3A = arith.constant 0 : i32
    %cond3A_1 = arith.cmpi ne, %convert_element_type3A, %cond3A : i32
    scf.if %cond3A_1 {
      %get3A_681 = arith.constant 0 : index
      %get3A_682 = arith.constant 0 : index
      %get3A_683 = arith.constant 0 : index
      %get3A_684 = vector.load %arg2[%get3A_681, %get3A_682, %get3A_683] : memref<1x3x512xf32, #tpu.memory_space<vmem>>, vector<1x3x512xf32>
      %get3A_685 = vector.shape_cast %get3A_684 : vector<1x3x512xf32> to vector<3x512xf32>
      %swap3A_686 = arith.constant 0 : index
      %swap3A_687 = arith.constant 0 : index
      %swap3A_688 = vector.load %arg8[%swap3A_686, %swap3A_687] : memref<8x512xf32, #tpu.memory_space<vmem>>, vector<3x512xf32>
      tpu.vector_store %arg8[%swap3A_686, %swap3A_687], %get3A_685 {strides = array<i32>} : memref<8x512xf32, #tpu.memory_space<vmem>>, vector<3x512xf32>,
    } else {
    }
    %get3A = arith.constant 0 : index
    %get3A_2 = arith.constant 0 : index
    %get3A_3 = arith.constant 0 : index
    %get3A_4 = arith.constant 0 : index
    %get3A_5 = vector.load %arg3[%get3A, %get3A_2, %get3A_3, %get3A_4] : memref<1x1x1024x3xf32, #tpu.memory_space<vmem>>, vector<1x1x1024x3xf32>
    %get3A_6 = vector.shape_cast %get3A_5 : vector<1x1x1024x3xf32> to vector<1024x3xf32>
    %slice3A = vector.extract_strided_slice %get3A_6 {offsets = [0, 0], sizes = [1024, 1], strides = [1, 1]} : vector<1024x3xf32> to vector<1024x1xf32>
    %slice3A_7 = vector.extract_strided_slice %get3A_6 {offsets = [0, 1], sizes = [1024, 1], strides = [1, 1]} : vector<1024x3xf32> to vector<1024x1xf32>
    %slice3A_8 = vector.extract_strided_slice %get3A_6 {offsets = [0, 2], sizes = [1024, 1], strides = [1, 1]} : vector<1024x3xf32> to vector<1024x1xf32>
    %get3A_9 = arith.constant 0 : index
    %get3A_10 = arith.constant 0 : index
    %get3A_11 = vector.load %arg8[%get3A_9, %get3A_10] : memref<8x512xf32, #tpu.memory_space<vmem>>, vector<1x512xf32>
    %sub3A = vector.broadcast %get3A_11 : vector<1x512xf32> to vector<1024x512xf32>
    %sub3A_12 = vector.broadcast %slice3A : vector<1024x1xf32> to vector<1024x512xf32>
    %sub3A_13 = arith.subf %sub3A, %sub3A_12 : vector<1024x512xf32>
    %get3A_14 = arith.constant 1 : index
    %get3A_15 = arith.constant 0 : index
    %get3A_16 = vector.load %arg8[%get3A_14, %get3A_15] : memref<8x512xf32, #tpu.memory_space<vmem>>, vector<1x512xf32>
    %sub3A_17 = vector.broadcast %get3A_16 : vector<1x512xf32> to vector<1024x512xf32>
    %sub3A_18 = vector.broadcast %slice3A_7 : vector<1024x1xf32> to vector<1024x512xf32>
    %sub3A_19 = arith.subf %sub3A_17, %sub3A_18 : vector<1024x512xf32>
    %get3A_20 = arith.constant 2 : index
    %get3A_21 = arith.constant 0 : index
    %get3A_22 = vector.load %arg8[%get3A_20, %get3A_21] : memref<8x512xf32, #tpu.memory_space<vmem>>, vector<1x512xf32>
    %sub3A_23 = vector.broadcast %get3A_22 : vector<1x512xf32> to vector<1024x512xf32>
    %sub3A_24 = vector.broadcast %slice3A_8 : vector<1024x1xf32> to vector<1024x512xf32>
    %sub3A_25 = arith.subf %sub3A_23, %sub3A_24 : vector<1024x512xf32>
    %mul3A = arith.mulf %sub3A_13, %sub3A_13 : vector<1024x512xf32>
    %mul3A_26 = arith.mulf %sub3A_19, %sub3A_19 : vector<1024x512xf32>
    %add3A = arith.addf %mul3A, %mul3A_26 : vector<1024x512xf32>
    %mul3A_27 = arith.mulf %sub3A_25, %sub3A_25 : vector<1024x512xf32>
    %add3A_28 = arith.addf %add3A, %mul3A_27 : vector<1024x512xf32>
    %swap3A = arith.constant 0 : index
    %swap3A_29 = arith.constant 0 : index
    %swap3A_30 = vector.load %arg7[%swap3A, %swap3A_29] : memref<1024x512xf32, #tpu.memory_space<vmem>>, vector<1024x512xf32>
    tpu.vector_store %arg7[%swap3A, %swap3A_29], %add3A_28 {strides = array<i32>} : memref<1024x512xf32, #tpu.memory_space<vmem>>, vector<1024x512xf32>,
    %iota3A = tpu.iota {dimensions = array<i32: 0>} : vector<1024x512xi32>
    %get3A_31 = arith.constant 0 : index
    %get3A_32 = arith.constant 0 : index
    %get3A_33 = vector.load %arg7[%get3A_31, %get3A_32] : memref<1024x512xf32, #tpu.memory_space<vmem>>, vector<1024x512xf32>
    %reduce_min3A = arith.constant dense<0x7F800000> : vector<512xf32>
    %reduce_min3A_34 = vector.multi_reduction <minimumf>, %get3A_33, %reduce_min3A [0] : vector<1024x512xf32> to vector<512xf32>
    %broadcast_in_dim3A = vector.shape_cast %reduce_min3A_34 : vector<512xf32> to vector<1x512xf32>
    %eq3A_35 = vector.broadcast %broadcast_in_dim3A : vector<1x512xf32> to vector<1024x512xf32>
    %eq3A_36 = arith.cmpf oeq, %get3A_33, %eq3A_35 : vector<1024x512xf32>
    %jit3A = arith.constant 1024 : i32
    %broadcast_in_dim3A_37 = vector.broadcast %jit3A : i32 to vector<1024x512xi32>
    %select_n3A = arith.select %eq3A_36, %iota3A, %broadcast_in_dim3A_37 : vector<1024x512xi1>, vector<1024x512xi32>
    %reduce_min3A_38 = arith.constant dense<2147483647> : vector<512xi32>
    %reduce_min3A_39 = vector.multi_reduction <minsi>, %select_n3A, %reduce_min3A_38 [0] : vector<1024x512xi32> to vector<512xi32>
    %broadcast_in_dim3A_40 = vector.shape_cast %reduce_min3A_39 : vector<512xi32> to vector<1x512xi32>
    %eq3A_41 = vector.broadcast %broadcast_in_dim3A_40 : vector<1x512xi32> to vector<1024x512xi32>
    %eq3A_42 = arith.cmpi eq, %iota3A, %eq3A_41 : vector<1024x512xi32>
    %jit3A_43 = arith.constant 0x7F800000 : f32
    %broadcast_in_dim3A_44 = vector.broadcast %jit3A_43 : f32 to vector<1024x512xf32>
    %select_n3A_45 = arith.select %eq3A_42, %broadcast_in_dim3A_44, %get3A_33 : vector<1024x512xi1>, vector<1024x512xf32>
    %swap3A_46 = arith.constant 0 : index
    %swap3A_47 = arith.constant 0 : index
    %swap3A_48 = vector.load %arg7[%swap3A_46, %swap3A_47] : memref<1024x512xf32, #tpu.memory_space<vmem>>, vector<1024x512xf32>
    tpu.vector_store %arg7[%swap3A_46, %swap3A_47], %select_n3A_45 {strides = array<i32>} : memref<1024x512xf32, #tpu.memory_space<vmem>>, vector<1024x512xf32>,
    %squeeze3A = vector.shape_cast %broadcast_in_dim3A : vector<1x512xf32> to vector<512xf32>
    %swap3A_49 = arith.constant 0 : index
    %swap3A_50 = arith.constant 0 : index
    %swap3A_51 = arith.constant 0 : index
    %swap3A_52 = arith.constant 0 : index
    %swap3A_53 = vector.load %arg4[%swap3A_49, %swap3A_50, %swap3A_51, %swap3A_52] : memref<1x1x16x512xf32, #tpu.memory_space<vmem>>, vector<1x1x1x512xf32>
    %swap3A_54 = vector.shape_cast %swap3A_53 : vector<1x1x1x512xf32> to vector<512xf32>
    %swap3A_55 = vector.shape_cast %squeeze3A : vector<512xf32> to vector<1x1x1x512xf32>
    tpu.vector_store %arg4[%swap3A_49, %swap3A_50, %swap3A_51, %swap3A_52], %swap3A_55 {strides = array<i32>} : memref<1x1x16x512xf32, #tpu.memory_space<vmem>>, vector<1x1x1x512xf32>,
    %squeeze3A_56 = vector.shape_cast %broadcast_in_dim3A_40 : vector<1x512xi32> to vector<512xi32>
    %swap3A_57 = arith.constant 0 : index
    %swap3A_58 = arith.constant 0 : index
    %swap3A_59 = arith.constant 0 : index
    %swap3A_60 = arith.constant 0 : index
    %swap3A_61 = vector.load %arg5[%swap3A_57, %swap3A_58, %swap3A_59, %swap3A_60] : memref<1x1x16x512xi32, #tpu.memory_space<vmem>>, vector<1x1x1x512xi32>
    %swap3A_62 = vector.shape_cast %swap3A_61 : vector<1x1x1x512xi32> to vector<512xi32>
    %swap3A_63 = vector.shape_cast %squeeze3A_56 : vector<512xi32> to vector<1x1x1x512xi32>
    tpu.vector_store %arg5[%swap3A_57, %swap3A_58, %swap3A_59, %swap3A_60], %swap3A_63 {strides = array<i32>} : memref<1x1x16x512xi32, #tpu.memory_space<vmem>>, vector<1x1x1x512xi32>,
    %eq3A_64 = vector.broadcast %broadcast_in_dim3A_40 : vector<1x512xi32> to vector<1024x512xi32>
    %eq3A_65 = arith.cmpi eq, %iota3A, %eq3A_64 : vector<1024x512xi32>
    %get3A_66 = arith.constant 0 : index
    %get3A_67 = arith.constant 0 : index
    %get3A_68 = vector.load %arg7[%get3A_66, %get3A_67] : memref<1024x512xf32, #tpu.memory_space<vmem>>, vector<1024x512xf32>
    %reduce_min3A_69 = arith.constant dense<0x7F800000> : vector<512xf32>
    %reduce_min3A_70 = vector.multi_reduction <minimumf>, %get3A_68, %reduce_min3A_69 [0] : vector<1024x512xf32> to vector<512xf32>
    %broadcast_in_dim3A_71 = vector.shape_cast %reduce_min3A_70 : vector<512xf32> to vector<1x512xf32>
    %eq3A_72 = vector.broadcast %broadcast_in_dim3A_71 : vector<1x512xf32> to vector<1024x512xf32>
    %eq3A_73 = arith.cmpf oeq, %get3A_68, %eq3A_72 : vector<1024x512xf32>
    %jit3A_74 = arith.constant 1024 : i32
    %broadcast_in_dim3A_75 = vector.broadcast %jit3A_74 : i32 to vector<1024x512xi32>
    %select_n3A_76 = arith.select %eq3A_73, %iota3A, %broadcast_in_dim3A_75 : vector<1024x512xi1>, vector<1024x512xi32>
    %reduce_min3A_77 = arith.constant dense<2147483647> : vector<512xi32>
    %reduce_min3A_78 = vector.multi_reduction <minsi>, %select_n3A_76, %reduce_min3A_77 [0] : vector<1024x512xi32> to vector<512xi32>
    %broadcast_in_dim3A_79 = vector.shape_cast %reduce_min3A_78 : vector<512xi32> to vector<1x512xi32>
    %eq3A_80 = vector.broadcast %broadcast_in_dim3A_79 : vector<1x512xi32> to vector<1024x512xi32>
    %eq3A_81 = arith.cmpi eq, %iota3A, %eq3A_80 : vector<1024x512xi32>
    %jit3A_82 = arith.constant 0x7F800000 : f32
    %broadcast_in_dim3A_83 = vector.broadcast %jit3A_82 : f32 to vector<1024x512xf32>
    %select_n3A_84 = arith.select %eq3A_81, %broadcast_in_dim3A_83, %get3A_68 : vector<1024x512xi1>, vector<1024x512xf32>
    %swap3A_85 = arith.constant 0 : index
    %swap3A_86 = arith.constant 0 : index
    %swap3A_87 = vector.load %arg7[%swap3A_85, %swap3A_86] : memref<1024x512xf32, #tpu.memory_space<vmem>>, vector<1024x512xf32>
    tpu.vector_store %arg7[%swap3A_85, %swap3A_86], %select_n3A_84 {strides = array<i32>} : memref<1024x512xf32, #tpu.memory_space<vmem>>, vector<1024x512xf32>,
    %squeeze3A_88 = vector.shape_cast %broadcast_in_dim3A_71 : vector<1x512xf32> to vector<512xf32>
    %swap3A_89 = arith.constant 0 : index
    %swap3A_90 = arith.constant 0 : index
    %swap3A_91 = arith.constant 1 : index
    %swap3A_92 = arith.constant 0 : index
    %swap3A_93 = vector.load %arg4[%swap3A_89, %swap3A_90, %swap3A_91, %swap3A_92] : memref<1x1x16x512xf32, #tpu.memory_space<vmem>>, vector<1x1x1x512xf32>
    %swap3A_94 = vector.shape_cast %swap3A_93 : vector<1x1x1x512xf32> to vector<512xf32>
    %swap3A_95 = vector.shape_cast %squeeze3A_88 : vector<512xf32> to vector<1x1x1x512xf32>
    tpu.vector_store %arg4[%swap3A_89, %swap3A_90, %swap3A_91, %swap3A_92], %swap3A_95 {strides = array<i32>} : memref<1x1x16x512xf32, #tpu.memory_space<vmem>>, vector<1x1x1x512xf32>,
    %squeeze3A_96 = vector.shape_cast %broadcast_in_dim3A_79 : vector<1x512xi32> to vector<512xi32>
    %swap3A_97 = arith.constant 0 : index
    %swap3A_98 = arith.constant 0 : index
    %swap3A_99 = arith.constant 1 : index
    %swap3A_100 = arith.constant 0 : index
    %swap3A_101 = vector.load %arg5[%swap3A_97, %swap3A_98, %swap3A_99, %swap3A_100] : memref<1x1x16x512xi32, #tpu.memory_space<vmem>>, vector<1x1x1x512xi32>
    %swap3A_102 = vector.shape_cast %swap3A_101 : vector<1x1x1x512xi32> to vector<512xi32>
    %swap3A_103 = vector.shape_cast %squeeze3A_96 : vector<512xi32> to vector<1x1x1x512xi32>
    tpu.vector_store %arg5[%swap3A_97, %swap3A_98, %swap3A_99, %swap3A_100], %swap3A_103 {strides = array<i32>} : memref<1x1x16x512xi32, #tpu.memory_space<vmem>>, vector<1x1x1x512xi32>,
    %get3A_104 = arith.constant 0 : index
    %get3A_105 = arith.constant 0 : index
    %get3A_106 = vector.load %arg7[%get3A_104, %get3A_105] : memref<1024x512xf32, #tpu.memory_space<vmem>>, vector<1024x512xf32>
    %reduce_min3A_107 = arith.constant dense<0x7F800000> : vector<512xf32>
    %reduce_min3A_108 = vector.multi_reduction <minimumf>, %get3A_106, %reduce_min3A_107 [0] : vector<1024x512xf32> to vector<512xf32>
    %broadcast_in_dim3A_109 = vector.shape_cast %reduce_min3A_108 : vector<512xf32> to vector<1x512xf32>
    %eq3A_110 = vector.broadcast %broadcast_in_dim3A_109 : vector<1x512xf32> to vector<1024x512xf32>
    %eq3A_111 = arith.cmpf oeq, %get3A_106, %eq3A_110 : vector<1024x512xf32>
    %jit3A_112 = arith.constant 1024 : i32
    %broadcast_in_dim3A_113 = vector.broadcast %jit3A_112 : i32 to vector<1024x512xi32>
    %select_n3A_114 = arith.select %eq3A_111, %iota3A, %broadcast_in_dim3A_113 : vector<1024x512xi1>, vector<1024x512xi32>
    %reduce_min3A_115 = arith.constant dense<2147483647> : vector<512xi32>
    %reduce_min3A_116 = vector.multi_reduction <minsi>, %select_n3A_114, %reduce_min3A_115 [0] : vector<1024x512xi32> to vector<512xi32>
    %broadcast_in_dim3A_117 = vector.shape_cast %reduce_min3A_116 : vector<512xi32> to vector<1x512xi32>
    %eq3A_118 = vector.broadcast %broadcast_in_dim3A_117 : vector<1x512xi32> to vector<1024x512xi32>
    %eq3A_119 = arith.cmpi eq, %iota3A, %eq3A_118 : vector<1024x512xi32>
    %jit3A_120 = arith.constant 0x7F800000 : f32
    %broadcast_in_dim3A_121 = vector.broadcast %jit3A_120 : f32 to vector<1024x512xf32>
    %select_n3A_122 = arith.select %eq3A_119, %broadcast_in_dim3A_121, %get3A_106 : vector<1024x512xi1>, vector<1024x512xf32>
    %swap3A_123 = arith.constant 0 : index
    %swap3A_124 = arith.constant 0 : index
    %swap3A_125 = vector.load %arg7[%swap3A_123, %swap3A_124] : memref<1024x512xf32, #tpu.memory_space<vmem>>, vector<1024x512xf32>
    tpu.vector_store %arg7[%swap3A_123, %swap3A_124], %select_n3A_122 {strides = array<i32>} : memref<1024x512xf32, #tpu.memory_space<vmem>>, vector<1024x512xf32>,
    %squeeze3A_126 = vector.shape_cast %broadcast_in_dim3A_109 : vector<1x512xf32> to vector<512xf32>
    %swap3A_127 = arith.constant 0 : index
    %swap3A_128 = arith.constant 0 : index
    %swap3A_129 = arith.constant 2 : index
    %swap3A_130 = arith.constant 0 : index
    %swap3A_131 = vector.load %arg4[%swap3A_127, %swap3A_128, %swap3A_129, %swap3A_130] : memref<1x1x16x512xf32, #tpu.memory_space<vmem>>, vector<1x1x1x512xf32>
    %swap3A_132 = vector.shape_cast %swap3A_131 : vector<1x1x1x512xf32> to vector<512xf32>
    %swap3A_133 = vector.shape_cast %squeeze3A_126 : vector<512xf32> to vector<1x1x1x512xf32>
    tpu.vector_store %arg4[%swap3A_127, %swap3A_128, %swap3A_129, %swap3A_130], %swap3A_133 {strides = array<i32>} : memref<1x1x16x512xf32, #tpu.memory_space<vmem>>, vector<1x1x1x512xf32>,
    %squeeze3A_134 = vector.shape_cast %broadcast_in_dim3A_117 : vector<1x512xi32> to vector<512xi32>
    %swap3A_135 = arith.constant 0 : index
    %swap3A_136 = arith.constant 0 : index
    %swap3A_137 = arith.constant 2 : index
    %swap3A_138 = arith.constant 0 : index
    %swap3A_139 = vector.load %arg5[%swap3A_135, %swap3A_136, %swap3A_137, %swap3A_138] : memref<1x1x16x512xi32, #tpu.memory_space<vmem>>, vector<1x1x1x512xi32>
    %swap3A_140 = vector.shape_cast %swap3A_139 : vector<1x1x1x512xi32> to vector<512xi32>
    %swap3A_141 = vector.shape_cast %squeeze3A_134 : vector<512xi32> to vector<1x1x1x512xi32>
    tpu.vector_store %arg5[%swap3A_135, %swap3A_136, %swap3A_137, %swap3A_138], %swap3A_141 {strides = array<i32>} : memref<1x1x16x512xi32, #tpu.memory_space<vmem>>, vector<1x1x1x512xi32>,
    %get3A_142 = arith.constant 0 : index
    %get3A_143 = arith.constant 0 : index
    %get3A_144 = vector.load %arg7[%get3A_142, %get3A_143] : memref<1024x512xf32, #tpu.memory_space<vmem>>, vector<1024x512xf32>
    %reduce_min3A_145 = arith.constant dense<0x7F800000> : vector<512xf32>
    %reduce_min3A_146 = vector.multi_reduction <minimumf>, %get3A_144, %reduce_min3A_145 [0] : vector<1024x512xf32> to vector<512xf32>
    %broadcast_in_dim3A_147 = vector.shape_cast %reduce_min3A_146 : vector<512xf32> to vector<1x512xf32>
    %eq3A_148 = vector.broadcast %broadcast_in_dim3A_147 : vector<1x512xf32> to vector<1024x512xf32>
    %eq3A_149 = arith.cmpf oeq, %get3A_144, %eq3A_148 : vector<1024x512xf32>
    %jit3A_150 = arith.constant 1024 : i32
    %broadcast_in_dim3A_151 = vector.broadcast %jit3A_150 : i32 to vector<1024x512xi32>
    %select_n3A_152 = arith.select %eq3A_149, %iota3A, %broadcast_in_dim3A_151 : vector<1024x512xi1>, vector<1024x512xi32>
    %reduce_min3A_153 = arith.constant dense<2147483647> : vector<512xi32>
    %reduce_min3A_154 = vector.multi_reduction <minsi>, %select_n3A_152, %reduce_min3A_153 [0] : vector<1024x512xi32> to vector<512xi32>
    %broadcast_in_dim3A_155 = vector.shape_cast %reduce_min3A_154 : vector<512xi32> to vector<1x512xi32>
    %eq3A_156 = vector.broadcast %broadcast_in_dim3A_155 : vector<1x512xi32> to vector<1024x512xi32>
    %eq3A_157 = arith.cmpi eq, %iota3A, %eq3A_156 : vector<1024x512xi32>
    %jit3A_158 = arith.constant 0x7F800000 : f32
    %broadcast_in_dim3A_159 = vector.broadcast %jit3A_158 : f32 to vector<1024x512xf32>
    %select_n3A_160 = arith.select %eq3A_157, %broadcast_in_dim3A_159, %get3A_144 : vector<1024x512xi1>, vector<1024x512xf32>
    %swap3A_161 = arith.constant 0 : index
    %swap3A_162 = arith.constant 0 : index
    %swap3A_163 = vector.load %arg7[%swap3A_161, %swap3A_162] : memref<1024x512xf32, #tpu.memory_space<vmem>>, vector<1024x512xf32>
    tpu.vector_store %arg7[%swap3A_161, %swap3A_162], %select_n3A_160 {strides = array<i32>} : memref<1024x512xf32, #tpu.memory_space<vmem>>, vector<1024x512xf32>,
    %squeeze3A_164 = vector.shape_cast %broadcast_in_dim3A_147 : vector<1x512xf32> to vector<512xf32>
    %swap3A_165 = arith.constant 0 : index
    %swap3A_166 = arith.constant 0 : index
    %swap3A_167 = arith.constant 3 : index
    %swap3A_168 = arith.constant 0 : index
    %swap3A_169 = vector.load %arg4[%swap3A_165, %swap3A_166, %swap3A_167, %swap3A_168] : memref<1x1x16x512xf32, #tpu.memory_space<vmem>>, vector<1x1x1x512xf32>
    %swap3A_170 = vector.shape_cast %swap3A_169 : vector<1x1x1x512xf32> to vector<512xf32>
    %swap3A_171 = vector.shape_cast %squeeze3A_164 : vector<512xf32> to vector<1x1x1x512xf32>
    tpu.vector_store %arg4[%swap3A_165, %swap3A_166, %swap3A_167, %swap3A_168], %swap3A_171 {strides = array<i32>} : memref<1x1x16x512xf32, #tpu.memory_space<vmem>>, vector<1x1x1x512xf32>,
    %squeeze3A_172 = vector.shape_cast %broadcast_in_dim3A_155 : vector<1x512xi32> to vector<512xi32>
    %swap3A_173 = arith.constant 0 : index
    %swap3A_174 = arith.constant 0 : index
    %swap3A_175 = arith.constant 3 : index
    %swap3A_176 = arith.constant 0 : index
    %swap3A_177 = vector.load %arg5[%swap3A_173, %swap3A_174, %swap3A_175, %swap3A_176] : memref<1x1x16x512xi32, #tpu.memory_space<vmem>>, vector<1x1x1x512xi32>
    %swap3A_178 = vector.shape_cast %swap3A_177 : vector<1x1x1x512xi32> to vector<512xi32>
    %swap3A_179 = vector.shape_cast %squeeze3A_172 : vector<512xi32> to vector<1x1x1x512xi32>
    tpu.vector_store %arg5[%swap3A_173, %swap3A_174, %swap3A_175, %swap3A_176], %swap3A_179 {strides = array<i32>} : memref<1x1x16x512xi32, #tpu.memory_space<vmem>>, vector<1x1x1x512xi32>,
    %get3A_180 = arith.constant 0 : index
    %get3A_181 = arith.constant 0 : index
    %get3A_182 = vector.load %arg7[%get3A_180, %get3A_181] : memref<1024x512xf32, #tpu.memory_space<vmem>>, vector<1024x512xf32>
    %reduce_min3A_183 = arith.constant dense<0x7F800000> : vector<512xf32>
    %reduce_min3A_184 = vector.multi_reduction <minimumf>, %get3A_182, %reduce_min3A_183 [0] : vector<1024x512xf32> to vector<512xf32>
    %broadcast_in_dim3A_185 = vector.shape_cast %reduce_min3A_184 : vector<512xf32> to vector<1x512xf32>
    %eq3A_186 = vector.broadcast %broadcast_in_dim3A_185 : vector<1x512xf32> to vector<1024x512xf32>
    %eq3A_187 = arith.cmpf oeq, %get3A_182, %eq3A_186 : vector<1024x512xf32>
    %jit3A_188 = arith.constant 1024 : i32
    %broadcast_in_dim3A_189 = vector.broadcast %jit3A_188 : i32 to vector<1024x512xi32>
    %select_n3A_190 = arith.select %eq3A_187, %iota3A, %broadcast_in_dim3A_189 : vector<1024x512xi1>, vector<1024x512xi32>
    %reduce_min3A_191 = arith.constant dense<2147483647> : vector<512xi32>
    %reduce_min3A_192 = vector.multi_reduction <minsi>, %select_n3A_190, %reduce_min3A_191 [0] : vector<1024x512xi32> to vector<512xi32>
    %broadcast_in_dim3A_193 = vector.shape_cast %reduce_min3A_192 : vector<512xi32> to vector<1x512xi32>
    %eq3A_194 = vector.broadcast %broadcast_in_dim3A_193 : vector<1x512xi32> to vector<1024x512xi32>
    %eq3A_195 = arith.cmpi eq, %iota3A, %eq3A_194 : vector<1024x512xi32>
    %jit3A_196 = arith.constant 0x7F800000 : f32
    %broadcast_in_dim3A_197 = vector.broadcast %jit3A_196 : f32 to vector<1024x512xf32>
    %select_n3A_198 = arith.select %eq3A_195, %broadcast_in_dim3A_197, %get3A_182 : vector<1024x512xi1>, vector<1024x512xf32>
    %swap3A_199 = arith.constant 0 : index
    %swap3A_200 = arith.constant 0 : index
    %swap3A_201 = vector.load %arg7[%swap3A_199, %swap3A_200] : memref<1024x512xf32, #tpu.memory_space<vmem>>, vector<1024x512xf32>
    tpu.vector_store %arg7[%swap3A_199, %swap3A_200], %select_n3A_198 {strides = array<i32>} : memref<1024x512xf32, #tpu.memory_space<vmem>>, vector<1024x512xf32>,
    %squeeze3A_202 = vector.shape_cast %broadcast_in_dim3A_185 : vector<1x512xf32> to vector<512xf32>
    %swap3A_203 = arith.constant 0 : index
    %swap3A_204 = arith.constant 0 : index
    %swap3A_205 = arith.constant 4 : index
    %swap3A_206 = arith.constant 0 : index
    %swap3A_207 = vector.load %arg4[%swap3A_203, %swap3A_204, %swap3A_205, %swap3A_206] : memref<1x1x16x512xf32, #tpu.memory_space<vmem>>, vector<1x1x1x512xf32>
    %swap3A_208 = vector.shape_cast %swap3A_207 : vector<1x1x1x512xf32> to vector<512xf32>
    %swap3A_209 = vector.shape_cast %squeeze3A_202 : vector<512xf32> to vector<1x1x1x512xf32>
    tpu.vector_store %arg4[%swap3A_203, %swap3A_204, %swap3A_205, %swap3A_206], %swap3A_209 {strides = array<i32>} : memref<1x1x16x512xf32, #tpu.memory_space<vmem>>, vector<1x1x1x512xf32>,
    %squeeze3A_210 = vector.shape_cast %broadcast_in_dim3A_193 : vector<1x512xi32> to vector<512xi32>
    %swap3A_211 = arith.constant 0 : index
    %swap3A_212 = arith.constant 0 : index
    %swap3A_213 = arith.constant 4 : index
    %swap3A_214 = arith.constant 0 : index
    %swap3A_215 = vector.load %arg5[%swap3A_211, %swap3A_212, %swap3A_213, %swap3A_214] : memref<1x1x16x512xi32, #tpu.memory_space<vmem>>, vector<1x1x1x512xi32>
    %swap3A_216 = vector.shape_cast %swap3A_215 : vector<1x1x1x512xi32> to vector<512xi32>
    %swap3A_217 = vector.shape_cast %squeeze3A_210 : vector<512xi32> to vector<1x1x1x512xi32>
    tpu.vector_store %arg5[%swap3A_211, %swap3A_212, %swap3A_213, %swap3A_214], %swap3A_217 {strides = array<i32>} : memref<1x1x16x512xi32, #tpu.memory_space<vmem>>, vector<1x1x1x512xi32>,
    %get3A_218 = arith.constant 0 : index
    %get3A_219 = arith.constant 0 : index
    %get3A_220 = vector.load %arg7[%get3A_218, %get3A_219] : memref<1024x512xf32, #tpu.memory_space<vmem>>, vector<1024x512xf32>
    %reduce_min3A_221 = arith.constant dense<0x7F800000> : vector<512xf32>
    %reduce_min3A_222 = vector.multi_reduction <minimumf>, %get3A_220, %reduce_min3A_221 [0] : vector<1024x512xf32> to vector<512xf32>
    %broadcast_in_dim3A_223 = vector.shape_cast %reduce_min3A_222 : vector<512xf32> to vector<1x512xf32>
    %eq3A_224 = vector.broadcast %broadcast_in_dim3A_223 : vector<1x512xf32> to vector<1024x512xf32>
    %eq3A_225 = arith.cmpf oeq, %get3A_220, %eq3A_224 : vector<1024x512xf32>
    %jit3A_226 = arith.constant 1024 : i32
    %broadcast_in_dim3A_227 = vector.broadcast %jit3A_226 : i32 to vector<1024x512xi32>
    %select_n3A_228 = arith.select %eq3A_225, %iota3A, %broadcast_in_dim3A_227 : vector<1024x512xi1>, vector<1024x512xi32>
    %reduce_min3A_229 = arith.constant dense<2147483647> : vector<512xi32>
    %reduce_min3A_230 = vector.multi_reduction <minsi>, %select_n3A_228, %reduce_min3A_229 [0] : vector<1024x512xi32> to vector<512xi32>
    %broadcast_in_dim3A_231 = vector.shape_cast %reduce_min3A_230 : vector<512xi32> to vector<1x512xi32>
    %eq3A_232 = vector.broadcast %broadcast_in_dim3A_231 : vector<1x512xi32> to vector<1024x512xi32>
    %eq3A_233 = arith.cmpi eq, %iota3A, %eq3A_232 : vector<1024x512xi32>
    %jit3A_234 = arith.constant 0x7F800000 : f32
    %broadcast_in_dim3A_235 = vector.broadcast %jit3A_234 : f32 to vector<1024x512xf32>
    %select_n3A_236 = arith.select %eq3A_233, %broadcast_in_dim3A_235, %get3A_220 : vector<1024x512xi1>, vector<1024x512xf32>
    %swap3A_237 = arith.constant 0 : index
    %swap3A_238 = arith.constant 0 : index
    %swap3A_239 = vector.load %arg7[%swap3A_237, %swap3A_238] : memref<1024x512xf32, #tpu.memory_space<vmem>>, vector<1024x512xf32>
    tpu.vector_store %arg7[%swap3A_237, %swap3A_238], %select_n3A_236 {strides = array<i32>} : memref<1024x512xf32, #tpu.memory_space<vmem>>, vector<1024x512xf32>,
    %squeeze3A_240 = vector.shape_cast %broadcast_in_dim3A_223 : vector<1x512xf32> to vector<512xf32>
    %swap3A_241 = arith.constant 0 : index
    %swap3A_242 = arith.constant 0 : index
    %swap3A_243 = arith.constant 5 : index
    %swap3A_244 = arith.constant 0 : index
    %swap3A_245 = vector.load %arg4[%swap3A_241, %swap3A_242, %swap3A_243, %swap3A_244] : memref<1x1x16x512xf32, #tpu.memory_space<vmem>>, vector<1x1x1x512xf32>
    %swap3A_246 = vector.shape_cast %swap3A_245 : vector<1x1x1x512xf32> to vector<512xf32>
    %swap3A_247 = vector.shape_cast %squeeze3A_240 : vector<512xf32> to vector<1x1x1x512xf32>
    tpu.vector_store %arg4[%swap3A_241, %swap3A_242, %swap3A_243, %swap3A_244], %swap3A_247 {strides = array<i32>} : memref<1x1x16x512xf32, #tpu.memory_space<vmem>>, vector<1x1x1x512xf32>,
    %squeeze3A_248 = vector.shape_cast %broadcast_in_dim3A_231 : vector<1x512xi32> to vector<512xi32>
    %swap3A_249 = arith.constant 0 : index
    %swap3A_250 = arith.constant 0 : index
    %swap3A_251 = arith.constant 5 : index
    %swap3A_252 = arith.constant 0 : index
    %swap3A_253 = vector.load %arg5[%swap3A_249, %swap3A_250, %swap3A_251, %swap3A_252] : memref<1x1x16x512xi32, #tpu.memory_space<vmem>>, vector<1x1x1x512xi32>
    %swap3A_254 = vector.shape_cast %swap3A_253 : vector<1x1x1x512xi32> to vector<512xi32>
    %swap3A_255 = vector.shape_cast %squeeze3A_248 : vector<512xi32> to vector<1x1x1x512xi32>
    tpu.vector_store %arg5[%swap3A_249, %swap3A_250, %swap3A_251, %swap3A_252], %swap3A_255 {strides = array<i32>} : memref<1x1x16x512xi32, #tpu.memory_space<vmem>>, vector<1x1x1x512xi32>,
    %get3A_256 = arith.constant 0 : index
    %get3A_257 = arith.constant 0 : index
    %get3A_258 = vector.load %arg7[%get3A_256, %get3A_257] : memref<1024x512xf32, #tpu.memory_space<vmem>>, vector<1024x512xf32>
    %reduce_min3A_259 = arith.constant dense<0x7F800000> : vector<512xf32>
    %reduce_min3A_260 = vector.multi_reduction <minimumf>, %get3A_258, %reduce_min3A_259 [0] : vector<1024x512xf32> to vector<512xf32>
    %broadcast_in_dim3A_261 = vector.shape_cast %reduce_min3A_260 : vector<512xf32> to vector<1x512xf32>
    %eq3A_262 = vector.broadcast %broadcast_in_dim3A_261 : vector<1x512xf32> to vector<1024x512xf32>
    %eq3A_263 = arith.cmpf oeq, %get3A_258, %eq3A_262 : vector<1024x512xf32>
    %jit3A_264 = arith.constant 1024 : i32
    %broadcast_in_dim3A_265 = vector.broadcast %jit3A_264 : i32 to vector<1024x512xi32>
    %select_n3A_266 = arith.select %eq3A_263, %iota3A, %broadcast_in_dim3A_265 : vector<1024x512xi1>, vector<1024x512xi32>
    %reduce_min3A_267 = arith.constant dense<2147483647> : vector<512xi32>
    %reduce_min3A_268 = vector.multi_reduction <minsi>, %select_n3A_266, %reduce_min3A_267 [0] : vector<1024x512xi32> to vector<512xi32>
    %broadcast_in_dim3A_269 = vector.shape_cast %reduce_min3A_268 : vector<512xi32> to vector<1x512xi32>
    %eq3A_270 = vector.broadcast %broadcast_in_dim3A_269 : vector<1x512xi32> to vector<1024x512xi32>
    %eq3A_271 = arith.cmpi eq, %iota3A, %eq3A_270 : vector<1024x512xi32>
    %jit3A_272 = arith.constant 0x7F800000 : f32
    %broadcast_in_dim3A_273 = vector.broadcast %jit3A_272 : f32 to vector<1024x512xf32>
    %select_n3A_274 = arith.select %eq3A_271, %broadcast_in_dim3A_273, %get3A_258 : vector<1024x512xi1>, vector<1024x512xf32>
    %swap3A_275 = arith.constant 0 : index
    %swap3A_276 = arith.constant 0 : index
    %swap3A_277 = vector.load %arg7[%swap3A_275, %swap3A_276] : memref<1024x512xf32, #tpu.memory_space<vmem>>, vector<1024x512xf32>
    tpu.vector_store %arg7[%swap3A_275, %swap3A_276], %select_n3A_274 {strides = array<i32>} : memref<1024x512xf32, #tpu.memory_space<vmem>>, vector<1024x512xf32>,
    %squeeze3A_278 = vector.shape_cast %broadcast_in_dim3A_261 : vector<1x512xf32> to vector<512xf32>
    %swap3A_279 = arith.constant 0 : index
    %swap3A_280 = arith.constant 0 : index
    %swap3A_281 = arith.constant 6 : index
    %swap3A_282 = arith.constant 0 : index
    %swap3A_283 = vector.load %arg4[%swap3A_279, %swap3A_280, %swap3A_281, %swap3A_282] : memref<1x1x16x512xf32, #tpu.memory_space<vmem>>, vector<1x1x1x512xf32>
    %swap3A_284 = vector.shape_cast %swap3A_283 : vector<1x1x1x512xf32> to vector<512xf32>
    %swap3A_285 = vector.shape_cast %squeeze3A_278 : vector<512xf32> to vector<1x1x1x512xf32>
    tpu.vector_store %arg4[%swap3A_279, %swap3A_280, %swap3A_281, %swap3A_282], %swap3A_285 {strides = array<i32>} : memref<1x1x16x512xf32, #tpu.memory_space<vmem>>, vector<1x1x1x512xf32>,
    %squeeze3A_286 = vector.shape_cast %broadcast_in_dim3A_269 : vector<1x512xi32> to vector<512xi32>
    %swap3A_287 = arith.constant 0 : index
    %swap3A_288 = arith.constant 0 : index
    %swap3A_289 = arith.constant 6 : index
    %swap3A_290 = arith.constant 0 : index
    %swap3A_291 = vector.load %arg5[%swap3A_287, %swap3A_288, %swap3A_289, %swap3A_290] : memref<1x1x16x512xi32, #tpu.memory_space<vmem>>, vector<1x1x1x512xi32>
    %swap3A_292 = vector.shape_cast %swap3A_291 : vector<1x1x1x512xi32> to vector<512xi32>
    %swap3A_293 = vector.shape_cast %squeeze3A_286 : vector<512xi32> to vector<1x1x1x512xi32>
    tpu.vector_store %arg5[%swap3A_287, %swap3A_288, %swap3A_289, %swap3A_290], %swap3A_293 {strides = array<i32>} : memref<1x1x16x512xi32, #tpu.memory_space<vmem>>, vector<1x1x1x512xi32>,
    %get3A_294 = arith.constant 0 : index
    %get3A_295 = arith.constant 0 : index
    %get3A_296 = vector.load %arg7[%get3A_294, %get3A_295] : memref<1024x512xf32, #tpu.memory_space<vmem>>, vector<1024x512xf32>
    %reduce_min3A_297 = arith.constant dense<0x7F800000> : vector<512xf32>
    %reduce_min3A_298 = vector.multi_reduction <minimumf>, %get3A_296, %reduce_min3A_297 [0] : vector<1024x512xf32> to vector<512xf32>
    %broadcast_in_dim3A_299 = vector.shape_cast %reduce_min3A_298 : vector<512xf32> to vector<1x512xf32>
    %eq3A_300 = vector.broadcast %broadcast_in_dim3A_299 : vector<1x512xf32> to vector<1024x512xf32>
    %eq3A_301 = arith.cmpf oeq, %get3A_296, %eq3A_300 : vector<1024x512xf32>
    %jit3A_302 = arith.constant 1024 : i32
    %broadcast_in_dim3A_303 = vector.broadcast %jit3A_302 : i32 to vector<1024x512xi32>
    %select_n3A_304 = arith.select %eq3A_301, %iota3A, %broadcast_in_dim3A_303 : vector<1024x512xi1>, vector<1024x512xi32>
    %reduce_min3A_305 = arith.constant dense<2147483647> : vector<512xi32>
    %reduce_min3A_306 = vector.multi_reduction <minsi>, %select_n3A_304, %reduce_min3A_305 [0] : vector<1024x512xi32> to vector<512xi32>
    %broadcast_in_dim3A_307 = vector.shape_cast %reduce_min3A_306 : vector<512xi32> to vector<1x512xi32>
    %eq3A_308 = vector.broadcast %broadcast_in_dim3A_307 : vector<1x512xi32> to vector<1024x512xi32>
    %eq3A_309 = arith.cmpi eq, %iota3A, %eq3A_308 : vector<1024x512xi32>
    %jit3A_310 = arith.constant 0x7F800000 : f32
    %broadcast_in_dim3A_311 = vector.broadcast %jit3A_310 : f32 to vector<1024x512xf32>
    %select_n3A_312 = arith.select %eq3A_309, %broadcast_in_dim3A_311, %get3A_296 : vector<1024x512xi1>, vector<1024x512xf32>
    %swap3A_313 = arith.constant 0 : index
    %swap3A_314 = arith.constant 0 : index
    %swap3A_315 = vector.load %arg7[%swap3A_313, %swap3A_314] : memref<1024x512xf32, #tpu.memory_space<vmem>>, vector<1024x512xf32>
    tpu.vector_store %arg7[%swap3A_313, %swap3A_314], %select_n3A_312 {strides = array<i32>} : memref<1024x512xf32, #tpu.memory_space<vmem>>, vector<1024x512xf32>,
    %squeeze3A_316 = vector.shape_cast %broadcast_in_dim3A_299 : vector<1x512xf32> to vector<512xf32>
    %swap3A_317 = arith.constant 0 : index
    %swap3A_318 = arith.constant 0 : index
    %swap3A_319 = arith.constant 7 : index
    %swap3A_320 = arith.constant 0 : index
    %swap3A_321 = vector.load %arg4[%swap3A_317, %swap3A_318, %swap3A_319, %swap3A_320] : memref<1x1x16x512xf32, #tpu.memory_space<vmem>>, vector<1x1x1x512xf32>
    %swap3A_322 = vector.shape_cast %swap3A_321 : vector<1x1x1x512xf32> to vector<512xf32>
    %swap3A_323 = vector.shape_cast %squeeze3A_316 : vector<512xf32> to vector<1x1x1x512xf32>
    tpu.vector_store %arg4[%swap3A_317, %swap3A_318, %swap3A_319, %swap3A_320], %swap3A_323 {strides = array<i32>} : memref<1x1x16x512xf32, #tpu.memory_space<vmem>>, vector<1x1x1x512xf32>,
    %squeeze3A_324 = vector.shape_cast %broadcast_in_dim3A_307 : vector<1x512xi32> to vector<512xi32>
    %swap3A_325 = arith.constant 0 : index
    %swap3A_326 = arith.constant 0 : index
    %swap3A_327 = arith.constant 7 : index
    %swap3A_328 = arith.constant 0 : index
    %swap3A_329 = vector.load %arg5[%swap3A_325, %swap3A_326, %swap3A_327, %swap3A_328] : memref<1x1x16x512xi32, #tpu.memory_space<vmem>>, vector<1x1x1x512xi32>
    %swap3A_330 = vector.shape_cast %swap3A_329 : vector<1x1x1x512xi32> to vector<512xi32>
    %swap3A_331 = vector.shape_cast %squeeze3A_324 : vector<512xi32> to vector<1x1x1x512xi32>
    tpu.vector_store %arg5[%swap3A_325, %swap3A_326, %swap3A_327, %swap3A_328], %swap3A_331 {strides = array<i32>} : memref<1x1x16x512xi32, #tpu.memory_space<vmem>>, vector<1x1x1x512xi32>,
    %get3A_332 = arith.constant 0 : index
    %get3A_333 = arith.constant 0 : index
    %get3A_334 = vector.load %arg7[%get3A_332, %get3A_333] : memref<1024x512xf32, #tpu.memory_space<vmem>>, vector<1024x512xf32>
    %reduce_min3A_335 = arith.constant dense<0x7F800000> : vector<512xf32>
    %reduce_min3A_336 = vector.multi_reduction <minimumf>, %get3A_334, %reduce_min3A_335 [0] : vector<1024x512xf32> to vector<512xf32>
    %broadcast_in_dim3A_337 = vector.shape_cast %reduce_min3A_336 : vector<512xf32> to vector<1x512xf32>
    %eq3A_338 = vector.broadcast %broadcast_in_dim3A_337 : vector<1x512xf32> to vector<1024x512xf32>
    %eq3A_339 = arith.cmpf oeq, %get3A_334, %eq3A_338 : vector<1024x512xf32>
    %jit3A_340 = arith.constant 1024 : i32
    %broadcast_in_dim3A_341 = vector.broadcast %jit3A_340 : i32 to vector<1024x512xi32>
    %select_n3A_342 = arith.select %eq3A_339, %iota3A, %broadcast_in_dim3A_341 : vector<1024x512xi1>, vector<1024x512xi32>
    %reduce_min3A_343 = arith.constant dense<2147483647> : vector<512xi32>
    %reduce_min3A_344 = vector.multi_reduction <minsi>, %select_n3A_342, %reduce_min3A_343 [0] : vector<1024x512xi32> to vector<512xi32>
    %broadcast_in_dim3A_345 = vector.shape_cast %reduce_min3A_344 : vector<512xi32> to vector<1x512xi32>
    %eq3A_346 = vector.broadcast %broadcast_in_dim3A_345 : vector<1x512xi32> to vector<1024x512xi32>
    %eq3A_347 = arith.cmpi eq, %iota3A, %eq3A_346 : vector<1024x512xi32>
    %jit3A_348 = arith.constant 0x7F800000 : f32
    %broadcast_in_dim3A_349 = vector.broadcast %jit3A_348 : f32 to vector<1024x512xf32>
    %select_n3A_350 = arith.select %eq3A_347, %broadcast_in_dim3A_349, %get3A_334 : vector<1024x512xi1>, vector<1024x512xf32>
    %swap3A_351 = arith.constant 0 : index
    %swap3A_352 = arith.constant 0 : index
    %swap3A_353 = vector.load %arg7[%swap3A_351, %swap3A_352] : memref<1024x512xf32, #tpu.memory_space<vmem>>, vector<1024x512xf32>
    tpu.vector_store %arg7[%swap3A_351, %swap3A_352], %select_n3A_350 {strides = array<i32>} : memref<1024x512xf32, #tpu.memory_space<vmem>>, vector<1024x512xf32>,
    %squeeze3A_354 = vector.shape_cast %broadcast_in_dim3A_337 : vector<1x512xf32> to vector<512xf32>
    %swap3A_355 = arith.constant 0 : index
    %swap3A_356 = arith.constant 0 : index
    %swap3A_357 = arith.constant 8 : index
    %swap3A_358 = arith.constant 0 : index
    %swap3A_359 = vector.load %arg4[%swap3A_355, %swap3A_356, %swap3A_357, %swap3A_358] : memref<1x1x16x512xf32, #tpu.memory_space<vmem>>, vector<1x1x1x512xf32>
    %swap3A_360 = vector.shape_cast %swap3A_359 : vector<1x1x1x512xf32> to vector<512xf32>
    %swap3A_361 = vector.shape_cast %squeeze3A_354 : vector<512xf32> to vector<1x1x1x512xf32>
    tpu.vector_store %arg4[%swap3A_355, %swap3A_356, %swap3A_357, %swap3A_358], %swap3A_361 {strides = array<i32>} : memref<1x1x16x512xf32, #tpu.memory_space<vmem>>, vector<1x1x1x512xf32>,
    %squeeze3A_362 = vector.shape_cast %broadcast_in_dim3A_345 : vector<1x512xi32> to vector<512xi32>
    %swap3A_363 = arith.constant 0 : index
    %swap3A_364 = arith.constant 0 : index
    %swap3A_365 = arith.constant 8 : index
    %swap3A_366 = arith.constant 0 : index
    %swap3A_367 = vector.load %arg5[%swap3A_363, %swap3A_364, %swap3A_365, %swap3A_366] : memref<1x1x16x512xi32, #tpu.memory_space<vmem>>, vector<1x1x1x512xi32>
    %swap3A_368 = vector.shape_cast %swap3A_367 : vector<1x1x1x512xi32> to vector<512xi32>
    %swap3A_369 = vector.shape_cast %squeeze3A_362 : vector<512xi32> to vector<1x1x1x512xi32>
    tpu.vector_store %arg5[%swap3A_363, %swap3A_364, %swap3A_365, %swap3A_366], %swap3A_369 {strides = array<i32>} : memref<1x1x16x512xi32, #tpu.memory_space<vmem>>, vector<1x1x1x512xi32>,
    %get3A_370 = arith.constant 0 : index
    %get3A_371 = arith.constant 0 : index
    %get3A_372 = vector.load %arg7[%get3A_370, %get3A_371] : memref<1024x512xf32, #tpu.memory_space<vmem>>, vector<1024x512xf32>
    %reduce_min3A_373 = arith.constant dense<0x7F800000> : vector<512xf32>
    %reduce_min3A_374 = vector.multi_reduction <minimumf>, %get3A_372, %reduce_min3A_373 [0] : vector<1024x512xf32> to vector<512xf32>
    %broadcast_in_dim3A_375 = vector.shape_cast %reduce_min3A_374 : vector<512xf32> to vector<1x512xf32>
    %eq3A_376 = vector.broadcast %broadcast_in_dim3A_375 : vector<1x512xf32> to vector<1024x512xf32>
    %eq3A_377 = arith.cmpf oeq, %get3A_372, %eq3A_376 : vector<1024x512xf32>
    %jit3A_378 = arith.constant 1024 : i32
    %broadcast_in_dim3A_379 = vector.broadcast %jit3A_378 : i32 to vector<1024x512xi32>
    %select_n3A_380 = arith.select %eq3A_377, %iota3A, %broadcast_in_dim3A_379 : vector<1024x512xi1>, vector<1024x512xi32>
    %reduce_min3A_381 = arith.constant dense<2147483647> : vector<512xi32>
    %reduce_min3A_382 = vector.multi_reduction <minsi>, %select_n3A_380, %reduce_min3A_381 [0] : vector<1024x512xi32> to vector<512xi32>
    %broadcast_in_dim3A_383 = vector.shape_cast %reduce_min3A_382 : vector<512xi32> to vector<1x512xi32>
    %eq3A_384 = vector.broadcast %broadcast_in_dim3A_383 : vector<1x512xi32> to vector<1024x512xi32>
    %eq3A_385 = arith.cmpi eq, %iota3A, %eq3A_384 : vector<1024x512xi32>
    %jit3A_386 = arith.constant 0x7F800000 : f32
    %broadcast_in_dim3A_387 = vector.broadcast %jit3A_386 : f32 to vector<1024x512xf32>
    %select_n3A_388 = arith.select %eq3A_385, %broadcast_in_dim3A_387, %get3A_372 : vector<1024x512xi1>, vector<1024x512xf32>
    %swap3A_389 = arith.constant 0 : index
    %swap3A_390 = arith.constant 0 : index
    %swap3A_391 = vector.load %arg7[%swap3A_389, %swap3A_390] : memref<1024x512xf32, #tpu.memory_space<vmem>>, vector<1024x512xf32>
    tpu.vector_store %arg7[%swap3A_389, %swap3A_390], %select_n3A_388 {strides = array<i32>} : memref<1024x512xf32, #tpu.memory_space<vmem>>, vector<1024x512xf32>,
    %squeeze3A_392 = vector.shape_cast %broadcast_in_dim3A_375 : vector<1x512xf32> to vector<512xf32>
    %swap3A_393 = arith.constant 0 : index
    %swap3A_394 = arith.constant 0 : index
    %swap3A_395 = arith.constant 9 : index
    %swap3A_396 = arith.constant 0 : index
    %swap3A_397 = vector.load %arg4[%swap3A_393, %swap3A_394, %swap3A_395, %swap3A_396] : memref<1x1x16x512xf32, #tpu.memory_space<vmem>>, vector<1x1x1x512xf32>
    %swap3A_398 = vector.shape_cast %swap3A_397 : vector<1x1x1x512xf32> to vector<512xf32>
    %swap3A_399 = vector.shape_cast %squeeze3A_392 : vector<512xf32> to vector<1x1x1x512xf32>
    tpu.vector_store %arg4[%swap3A_393, %swap3A_394, %swap3A_395, %swap3A_396], %swap3A_399 {strides = array<i32>} : memref<1x1x16x512xf32, #tpu.memory_space<vmem>>, vector<1x1x1x512xf32>,
    %squeeze3A_400 = vector.shape_cast %broadcast_in_dim3A_383 : vector<1x512xi32> to vector<512xi32>
    %swap3A_401 = arith.constant 0 : index
    %swap3A_402 = arith.constant 0 : index
    %swap3A_403 = arith.constant 9 : index
    %swap3A_404 = arith.constant 0 : index
    %swap3A_405 = vector.load %arg5[%swap3A_401, %swap3A_402, %swap3A_403, %swap3A_404] : memref<1x1x16x512xi32, #tpu.memory_space<vmem>>, vector<1x1x1x512xi32>
    %swap3A_406 = vector.shape_cast %swap3A_405 : vector<1x1x1x512xi32> to vector<512xi32>
    %swap3A_407 = vector.shape_cast %squeeze3A_400 : vector<512xi32> to vector<1x1x1x512xi32>
    tpu.vector_store %arg5[%swap3A_401, %swap3A_402, %swap3A_403, %swap3A_404], %swap3A_407 {strides = array<i32>} : memref<1x1x16x512xi32, #tpu.memory_space<vmem>>, vector<1x1x1x512xi32>,
    %get3A_408 = arith.constant 0 : index
    %get3A_409 = arith.constant 0 : index
    %get3A_410 = vector.load %arg7[%get3A_408, %get3A_409] : memref<1024x512xf32, #tpu.memory_space<vmem>>, vector<1024x512xf32>
    %reduce_min3A_411 = arith.constant dense<0x7F800000> : vector<512xf32>
    %reduce_min3A_412 = vector.multi_reduction <minimumf>, %get3A_410, %reduce_min3A_411 [0] : vector<1024x512xf32> to vector<512xf32>
    %broadcast_in_dim3A_413 = vector.shape_cast %reduce_min3A_412 : vector<512xf32> to vector<1x512xf32>
    %eq3A_414 = vector.broadcast %broadcast_in_dim3A_413 : vector<1x512xf32> to vector<1024x512xf32>
    %eq3A_415 = arith.cmpf oeq, %get3A_410, %eq3A_414 : vector<1024x512xf32>
    %jit3A_416 = arith.constant 1024 : i32
    %broadcast_in_dim3A_417 = vector.broadcast %jit3A_416 : i32 to vector<1024x512xi32>
    %select_n3A_418 = arith.select %eq3A_415, %iota3A, %broadcast_in_dim3A_417 : vector<1024x512xi1>, vector<1024x512xi32>
    %reduce_min3A_419 = arith.constant dense<2147483647> : vector<512xi32>
    %reduce_min3A_420 = vector.multi_reduction <minsi>, %select_n3A_418, %reduce_min3A_419 [0] : vector<1024x512xi32> to vector<512xi32>
    %broadcast_in_dim3A_421 = vector.shape_cast %reduce_min3A_420 : vector<512xi32> to vector<1x512xi32>
    %eq3A_422 = vector.broadcast %broadcast_in_dim3A_421 : vector<1x512xi32> to vector<1024x512xi32>
    %eq3A_423 = arith.cmpi eq, %iota3A, %eq3A_422 : vector<1024x512xi32>
    %jit3A_424 = arith.constant 0x7F800000 : f32
    %broadcast_in_dim3A_425 = vector.broadcast %jit3A_424 : f32 to vector<1024x512xf32>
    %select_n3A_426 = arith.select %eq3A_423, %broadcast_in_dim3A_425, %get3A_410 : vector<1024x512xi1>, vector<1024x512xf32>
    %swap3A_427 = arith.constant 0 : index
    %swap3A_428 = arith.constant 0 : index
    %swap3A_429 = vector.load %arg7[%swap3A_427, %swap3A_428] : memref<1024x512xf32, #tpu.memory_space<vmem>>, vector<1024x512xf32>
    tpu.vector_store %arg7[%swap3A_427, %swap3A_428], %select_n3A_426 {strides = array<i32>} : memref<1024x512xf32, #tpu.memory_space<vmem>>, vector<1024x512xf32>,
    %squeeze3A_430 = vector.shape_cast %broadcast_in_dim3A_413 : vector<1x512xf32> to vector<512xf32>
    %swap3A_431 = arith.constant 0 : index
    %swap3A_432 = arith.constant 0 : index
    %swap3A_433 = arith.constant 10 : index
    %swap3A_434 = arith.constant 0 : index
    %swap3A_435 = vector.load %arg4[%swap3A_431, %swap3A_432, %swap3A_433, %swap3A_434] : memref<1x1x16x512xf32, #tpu.memory_space<vmem>>, vector<1x1x1x512xf32>
    %swap3A_436 = vector.shape_cast %swap3A_435 : vector<1x1x1x512xf32> to vector<512xf32>
    %swap3A_437 = vector.shape_cast %squeeze3A_430 : vector<512xf32> to vector<1x1x1x512xf32>
    tpu.vector_store %arg4[%swap3A_431, %swap3A_432, %swap3A_433, %swap3A_434], %swap3A_437 {strides = array<i32>} : memref<1x1x16x512xf32, #tpu.memory_space<vmem>>, vector<1x1x1x512xf32>,
    %squeeze3A_438 = vector.shape_cast %broadcast_in_dim3A_421 : vector<1x512xi32> to vector<512xi32>
    %swap3A_439 = arith.constant 0 : index
    %swap3A_440 = arith.constant 0 : index
    %swap3A_441 = arith.constant 10 : index
    %swap3A_442 = arith.constant 0 : index
    %swap3A_443 = vector.load %arg5[%swap3A_439, %swap3A_440, %swap3A_441, %swap3A_442] : memref<1x1x16x512xi32, #tpu.memory_space<vmem>>, vector<1x1x1x512xi32>
    %swap3A_444 = vector.shape_cast %swap3A_443 : vector<1x1x1x512xi32> to vector<512xi32>
    %swap3A_445 = vector.shape_cast %squeeze3A_438 : vector<512xi32> to vector<1x1x1x512xi32>
    tpu.vector_store %arg5[%swap3A_439, %swap3A_440, %swap3A_441, %swap3A_442], %swap3A_445 {strides = array<i32>} : memref<1x1x16x512xi32, #tpu.memory_space<vmem>>, vector<1x1x1x512xi32>,
    %get3A_446 = arith.constant 0 : index
    %get3A_447 = arith.constant 0 : index
    %get3A_448 = vector.load %arg7[%get3A_446, %get3A_447] : memref<1024x512xf32, #tpu.memory_space<vmem>>, vector<1024x512xf32>
    %reduce_min3A_449 = arith.constant dense<0x7F800000> : vector<512xf32>
    %reduce_min3A_450 = vector.multi_reduction <minimumf>, %get3A_448, %reduce_min3A_449 [0] : vector<1024x512xf32> to vector<512xf32>
    %broadcast_in_dim3A_451 = vector.shape_cast %reduce_min3A_450 : vector<512xf32> to vector<1x512xf32>
    %eq3A_452 = vector.broadcast %broadcast_in_dim3A_451 : vector<1x512xf32> to vector<1024x512xf32>
    %eq3A_453 = arith.cmpf oeq, %get3A_448, %eq3A_452 : vector<1024x512xf32>
    %jit3A_454 = arith.constant 1024 : i32
    %broadcast_in_dim3A_455 = vector.broadcast %jit3A_454 : i32 to vector<1024x512xi32>
    %select_n3A_456 = arith.select %eq3A_453, %iota3A, %broadcast_in_dim3A_455 : vector<1024x512xi1>, vector<1024x512xi32>
    %reduce_min3A_457 = arith.constant dense<2147483647> : vector<512xi32>
    %reduce_min3A_458 = vector.multi_reduction <minsi>, %select_n3A_456, %reduce_min3A_457 [0] : vector<1024x512xi32> to vector<512xi32>
    %broadcast_in_dim3A_459 = vector.shape_cast %reduce_min3A_458 : vector<512xi32> to vector<1x512xi32>
    %eq3A_460 = vector.broadcast %broadcast_in_dim3A_459 : vector<1x512xi32> to vector<1024x512xi32>
    %eq3A_461 = arith.cmpi eq, %iota3A, %eq3A_460 : vector<1024x512xi32>
    %jit3A_462 = arith.constant 0x7F800000 : f32
    %broadcast_in_dim3A_463 = vector.broadcast %jit3A_462 : f32 to vector<1024x512xf32>
    %select_n3A_464 = arith.select %eq3A_461, %broadcast_in_dim3A_463, %get3A_448 : vector<1024x512xi1>, vector<1024x512xf32>
    %swap3A_465 = arith.constant 0 : index
    %swap3A_466 = arith.constant 0 : index
    %swap3A_467 = vector.load %arg7[%swap3A_465, %swap3A_466] : memref<1024x512xf32, #tpu.memory_space<vmem>>, vector<1024x512xf32>
    tpu.vector_store %arg7[%swap3A_465, %swap3A_466], %select_n3A_464 {strides = array<i32>} : memref<1024x512xf32, #tpu.memory_space<vmem>>, vector<1024x512xf32>,
    %squeeze3A_468 = vector.shape_cast %broadcast_in_dim3A_451 : vector<1x512xf32> to vector<512xf32>
    %swap3A_469 = arith.constant 0 : index
    %swap3A_470 = arith.constant 0 : index
    %swap3A_471 = arith.constant 11 : index
    %swap3A_472 = arith.constant 0 : index
    %swap3A_473 = vector.load %arg4[%swap3A_469, %swap3A_470, %swap3A_471, %swap3A_472] : memref<1x1x16x512xf32, #tpu.memory_space<vmem>>, vector<1x1x1x512xf32>
    %swap3A_474 = vector.shape_cast %swap3A_473 : vector<1x1x1x512xf32> to vector<512xf32>
    %swap3A_475 = vector.shape_cast %squeeze3A_468 : vector<512xf32> to vector<1x1x1x512xf32>
    tpu.vector_store %arg4[%swap3A_469, %swap3A_470, %swap3A_471, %swap3A_472], %swap3A_475 {strides = array<i32>} : memref<1x1x16x512xf32, #tpu.memory_space<vmem>>, vector<1x1x1x512xf32>,
    %squeeze3A_476 = vector.shape_cast %broadcast_in_dim3A_459 : vector<1x512xi32> to vector<512xi32>
    %swap3A_477 = arith.constant 0 : index
    %swap3A_478 = arith.constant 0 : index
    %swap3A_479 = arith.constant 11 : index
    %swap3A_480 = arith.constant 0 : index
    %swap3A_481 = vector.load %arg5[%swap3A_477, %swap3A_478, %swap3A_479, %swap3A_480] : memref<1x1x16x512xi32, #tpu.memory_space<vmem>>, vector<1x1x1x512xi32>
    %swap3A_482 = vector.shape_cast %swap3A_481 : vector<1x1x1x512xi32> to vector<512xi32>
    %swap3A_483 = vector.shape_cast %squeeze3A_476 : vector<512xi32> to vector<1x1x1x512xi32>
    tpu.vector_store %arg5[%swap3A_477, %swap3A_478, %swap3A_479, %swap3A_480], %swap3A_483 {strides = array<i32>} : memref<1x1x16x512xi32, #tpu.memory_space<vmem>>, vector<1x1x1x512xi32>,
    %get3A_484 = arith.constant 0 : index
    %get3A_485 = arith.constant 0 : index
    %get3A_486 = vector.load %arg7[%get3A_484, %get3A_485] : memref<1024x512xf32, #tpu.memory_space<vmem>>, vector<1024x512xf32>
    %reduce_min3A_487 = arith.constant dense<0x7F800000> : vector<512xf32>
    %reduce_min3A_488 = vector.multi_reduction <minimumf>, %get3A_486, %reduce_min3A_487 [0] : vector<1024x512xf32> to vector<512xf32>
    %broadcast_in_dim3A_489 = vector.shape_cast %reduce_min3A_488 : vector<512xf32> to vector<1x512xf32>
    %eq3A_490 = vector.broadcast %broadcast_in_dim3A_489 : vector<1x512xf32> to vector<1024x512xf32>
    %eq3A_491 = arith.cmpf oeq, %get3A_486, %eq3A_490 : vector<1024x512xf32>
    %jit3A_492 = arith.constant 1024 : i32
    %broadcast_in_dim3A_493 = vector.broadcast %jit3A_492 : i32 to vector<1024x512xi32>
    %select_n3A_494 = arith.select %eq3A_491, %iota3A, %broadcast_in_dim3A_493 : vector<1024x512xi1>, vector<1024x512xi32>
    %reduce_min3A_495 = arith.constant dense<2147483647> : vector<512xi32>
    %reduce_min3A_496 = vector.multi_reduction <minsi>, %select_n3A_494, %reduce_min3A_495 [0] : vector<1024x512xi32> to vector<512xi32>
    %broadcast_in_dim3A_497 = vector.shape_cast %reduce_min3A_496 : vector<512xi32> to vector<1x512xi32>
    %eq3A_498 = vector.broadcast %broadcast_in_dim3A_497 : vector<1x512xi32> to vector<1024x512xi32>
    %eq3A_499 = arith.cmpi eq, %iota3A, %eq3A_498 : vector<1024x512xi32>
    %jit3A_500 = arith.constant 0x7F800000 : f32
    %broadcast_in_dim3A_501 = vector.broadcast %jit3A_500 : f32 to vector<1024x512xf32>
    %select_n3A_502 = arith.select %eq3A_499, %broadcast_in_dim3A_501, %get3A_486 : vector<1024x512xi1>, vector<1024x512xf32>
    %swap3A_503 = arith.constant 0 : index
    %swap3A_504 = arith.constant 0 : index
    %swap3A_505 = vector.load %arg7[%swap3A_503, %swap3A_504] : memref<1024x512xf32, #tpu.memory_space<vmem>>, vector<1024x512xf32>
    tpu.vector_store %arg7[%swap3A_503, %swap3A_504], %select_n3A_502 {strides = array<i32>} : memref<1024x512xf32, #tpu.memory_space<vmem>>, vector<1024x512xf32>,
    %squeeze3A_506 = vector.shape_cast %broadcast_in_dim3A_489 : vector<1x512xf32> to vector<512xf32>
    %swap3A_507 = arith.constant 0 : index
    %swap3A_508 = arith.constant 0 : index
    %swap3A_509 = arith.constant 12 : index
    %swap3A_510 = arith.constant 0 : index
    %swap3A_511 = vector.load %arg4[%swap3A_507, %swap3A_508, %swap3A_509, %swap3A_510] : memref<1x1x16x512xf32, #tpu.memory_space<vmem>>, vector<1x1x1x512xf32>
    %swap3A_512 = vector.shape_cast %swap3A_511 : vector<1x1x1x512xf32> to vector<512xf32>
    %swap3A_513 = vector.shape_cast %squeeze3A_506 : vector<512xf32> to vector<1x1x1x512xf32>
    tpu.vector_store %arg4[%swap3A_507, %swap3A_508, %swap3A_509, %swap3A_510], %swap3A_513 {strides = array<i32>} : memref<1x1x16x512xf32, #tpu.memory_space<vmem>>, vector<1x1x1x512xf32>,
    %squeeze3A_514 = vector.shape_cast %broadcast_in_dim3A_497 : vector<1x512xi32> to vector<512xi32>
    %swap3A_515 = arith.constant 0 : index
    %swap3A_516 = arith.constant 0 : index
    %swap3A_517 = arith.constant 12 : index
    %swap3A_518 = arith.constant 0 : index
    %swap3A_519 = vector.load %arg5[%swap3A_515, %swap3A_516, %swap3A_517, %swap3A_518] : memref<1x1x16x512xi32, #tpu.memory_space<vmem>>, vector<1x1x1x512xi32>
    %swap3A_520 = vector.shape_cast %swap3A_519 : vector<1x1x1x512xi32> to vector<512xi32>
    %swap3A_521 = vector.shape_cast %squeeze3A_514 : vector<512xi32> to vector<1x1x1x512xi32>
    tpu.vector_store %arg5[%swap3A_515, %swap3A_516, %swap3A_517, %swap3A_518], %swap3A_521 {strides = array<i32>} : memref<1x1x16x512xi32, #tpu.memory_space<vmem>>, vector<1x1x1x512xi32>,
    %get3A_522 = arith.constant 0 : index
    %get3A_523 = arith.constant 0 : index
    %get3A_524 = vector.load %arg7[%get3A_522, %get3A_523] : memref<1024x512xf32, #tpu.memory_space<vmem>>, vector<1024x512xf32>
    %reduce_min3A_525 = arith.constant dense<0x7F800000> : vector<512xf32>
    %reduce_min3A_526 = vector.multi_reduction <minimumf>, %get3A_524, %reduce_min3A_525 [0] : vector<1024x512xf32> to vector<512xf32>
    %broadcast_in_dim3A_527 = vector.shape_cast %reduce_min3A_526 : vector<512xf32> to vector<1x512xf32>
    %eq3A_528 = vector.broadcast %broadcast_in_dim3A_527 : vector<1x512xf32> to vector<1024x512xf32>
    %eq3A_529 = arith.cmpf oeq, %get3A_524, %eq3A_528 : vector<1024x512xf32>
    %jit3A_530 = arith.constant 1024 : i32
    %broadcast_in_dim3A_531 = vector.broadcast %jit3A_530 : i32 to vector<1024x512xi32>
    %select_n3A_532 = arith.select %eq3A_529, %iota3A, %broadcast_in_dim3A_531 : vector<1024x512xi1>, vector<1024x512xi32>
    %reduce_min3A_533 = arith.constant dense<2147483647> : vector<512xi32>
    %reduce_min3A_534 = vector.multi_reduction <minsi>, %select_n3A_532, %reduce_min3A_533 [0] : vector<1024x512xi32> to vector<512xi32>
    %broadcast_in_dim3A_535 = vector.shape_cast %reduce_min3A_534 : vector<512xi32> to vector<1x512xi32>
    %eq3A_536 = vector.broadcast %broadcast_in_dim3A_535 : vector<1x512xi32> to vector<1024x512xi32>
    %eq3A_537 = arith.cmpi eq, %iota3A, %eq3A_536 : vector<1024x512xi32>
    %jit3A_538 = arith.constant 0x7F800000 : f32
    %broadcast_in_dim3A_539 = vector.broadcast %jit3A_538 : f32 to vector<1024x512xf32>
    %select_n3A_540 = arith.select %eq3A_537, %broadcast_in_dim3A_539, %get3A_524 : vector<1024x512xi1>, vector<1024x512xf32>
    %swap3A_541 = arith.constant 0 : index
    %swap3A_542 = arith.constant 0 : index
    %swap3A_543 = vector.load %arg7[%swap3A_541, %swap3A_542] : memref<1024x512xf32, #tpu.memory_space<vmem>>, vector<1024x512xf32>
    tpu.vector_store %arg7[%swap3A_541, %swap3A_542], %select_n3A_540 {strides = array<i32>} : memref<1024x512xf32, #tpu.memory_space<vmem>>, vector<1024x512xf32>,
    %squeeze3A_544 = vector.shape_cast %broadcast_in_dim3A_527 : vector<1x512xf32> to vector<512xf32>
    %swap3A_545 = arith.constant 0 : index
    %swap3A_546 = arith.constant 0 : index
    %swap3A_547 = arith.constant 13 : index
    %swap3A_548 = arith.constant 0 : index
    %swap3A_549 = vector.load %arg4[%swap3A_545, %swap3A_546, %swap3A_547, %swap3A_548] : memref<1x1x16x512xf32, #tpu.memory_space<vmem>>, vector<1x1x1x512xf32>
    %swap3A_550 = vector.shape_cast %swap3A_549 : vector<1x1x1x512xf32> to vector<512xf32>
    %swap3A_551 = vector.shape_cast %squeeze3A_544 : vector<512xf32> to vector<1x1x1x512xf32>
    tpu.vector_store %arg4[%swap3A_545, %swap3A_546, %swap3A_547, %swap3A_548], %swap3A_551 {strides = array<i32>} : memref<1x1x16x512xf32, #tpu.memory_space<vmem>>, vector<1x1x1x512xf32>,
    %squeeze3A_552 = vector.shape_cast %broadcast_in_dim3A_535 : vector<1x512xi32> to vector<512xi32>
    %swap3A_553 = arith.constant 0 : index
    %swap3A_554 = arith.constant 0 : index
    %swap3A_555 = arith.constant 13 : index
    %swap3A_556 = arith.constant 0 : index
    %swap3A_557 = vector.load %arg5[%swap3A_553, %swap3A_554, %swap3A_555, %swap3A_556] : memref<1x1x16x512xi32, #tpu.memory_space<vmem>>, vector<1x1x1x512xi32>
    %swap3A_558 = vector.shape_cast %swap3A_557 : vector<1x1x1x512xi32> to vector<512xi32>
    %swap3A_559 = vector.shape_cast %squeeze3A_552 : vector<512xi32> to vector<1x1x1x512xi32>
    tpu.vector_store %arg5[%swap3A_553, %swap3A_554, %swap3A_555, %swap3A_556], %swap3A_559 {strides = array<i32>} : memref<1x1x16x512xi32, #tpu.memory_space<vmem>>, vector<1x1x1x512xi32>,
    %get3A_560 = arith.constant 0 : index
    %get3A_561 = arith.constant 0 : index
    %get3A_562 = vector.load %arg7[%get3A_560, %get3A_561] : memref<1024x512xf32, #tpu.memory_space<vmem>>, vector<1024x512xf32>
    %reduce_min3A_563 = arith.constant dense<0x7F800000> : vector<512xf32>
    %reduce_min3A_564 = vector.multi_reduction <minimumf>, %get3A_562, %reduce_min3A_563 [0] : vector<1024x512xf32> to vector<512xf32>
    %broadcast_in_dim3A_565 = vector.shape_cast %reduce_min3A_564 : vector<512xf32> to vector<1x512xf32>
    %eq3A_566 = vector.broadcast %broadcast_in_dim3A_565 : vector<1x512xf32> to vector<1024x512xf32>
    %eq3A_567 = arith.cmpf oeq, %get3A_562, %eq3A_566 : vector<1024x512xf32>
    %jit3A_568 = arith.constant 1024 : i32
    %broadcast_in_dim3A_569 = vector.broadcast %jit3A_568 : i32 to vector<1024x512xi32>
    %select_n3A_570 = arith.select %eq3A_567, %iota3A, %broadcast_in_dim3A_569 : vector<1024x512xi1>, vector<1024x512xi32>
    %reduce_min3A_571 = arith.constant dense<2147483647> : vector<512xi32>
    %reduce_min3A_572 = vector.multi_reduction <minsi>, %select_n3A_570, %reduce_min3A_571 [0] : vector<1024x512xi32> to vector<512xi32>
    %broadcast_in_dim3A_573 = vector.shape_cast %reduce_min3A_572 : vector<512xi32> to vector<1x512xi32>
    %eq3A_574 = vector.broadcast %broadcast_in_dim3A_573 : vector<1x512xi32> to vector<1024x512xi32>
    %eq3A_575 = arith.cmpi eq, %iota3A, %eq3A_574 : vector<1024x512xi32>
    %jit3A_576 = arith.constant 0x7F800000 : f32
    %broadcast_in_dim3A_577 = vector.broadcast %jit3A_576 : f32 to vector<1024x512xf32>
    %select_n3A_578 = arith.select %eq3A_575, %broadcast_in_dim3A_577, %get3A_562 : vector<1024x512xi1>, vector<1024x512xf32>
    %swap3A_579 = arith.constant 0 : index
    %swap3A_580 = arith.constant 0 : index
    %swap3A_581 = vector.load %arg7[%swap3A_579, %swap3A_580] : memref<1024x512xf32, #tpu.memory_space<vmem>>, vector<1024x512xf32>
    tpu.vector_store %arg7[%swap3A_579, %swap3A_580], %select_n3A_578 {strides = array<i32>} : memref<1024x512xf32, #tpu.memory_space<vmem>>, vector<1024x512xf32>,
    %squeeze3A_582 = vector.shape_cast %broadcast_in_dim3A_565 : vector<1x512xf32> to vector<512xf32>
    %swap3A_583 = arith.constant 0 : index
    %swap3A_584 = arith.constant 0 : index
    %swap3A_585 = arith.constant 14 : index
    %swap3A_586 = arith.constant 0 : index
    %swap3A_587 = vector.load %arg4[%swap3A_583, %swap3A_584, %swap3A_585, %swap3A_586] : memref<1x1x16x512xf32, #tpu.memory_space<vmem>>, vector<1x1x1x512xf32>
    %swap3A_588 = vector.shape_cast %swap3A_587 : vector<1x1x1x512xf32> to vector<512xf32>
    %swap3A_589 = vector.shape_cast %squeeze3A_582 : vector<512xf32> to vector<1x1x1x512xf32>
    tpu.vector_store %arg4[%swap3A_583, %swap3A_584, %swap3A_585, %swap3A_586], %swap3A_589 {strides = array<i32>} : memref<1x1x16x512xf32, #tpu.memory_space<vmem>>, vector<1x1x1x512xf32>,
    %squeeze3A_590 = vector.shape_cast %broadcast_in_dim3A_573 : vector<1x512xi32> to vector<512xi32>
    %swap3A_591 = arith.constant 0 : index
    %swap3A_592 = arith.constant 0 : index
    %swap3A_593 = arith.constant 14 : index
    %swap3A_594 = arith.constant 0 : index
    %swap3A_595 = vector.load %arg5[%swap3A_591, %swap3A_592, %swap3A_593, %swap3A_594] : memref<1x1x16x512xi32, #tpu.memory_space<vmem>>, vector<1x1x1x512xi32>
    %swap3A_596 = vector.shape_cast %swap3A_595 : vector<1x1x1x512xi32> to vector<512xi32>
    %swap3A_597 = vector.shape_cast %squeeze3A_590 : vector<512xi32> to vector<1x1x1x512xi32>
    tpu.vector_store %arg5[%swap3A_591, %swap3A_592, %swap3A_593, %swap3A_594], %swap3A_597 {strides = array<i32>} : memref<1x1x16x512xi32, #tpu.memory_space<vmem>>, vector<1x1x1x512xi32>,
    %get3A_598 = arith.constant 0 : index
    %get3A_599 = arith.constant 0 : index
    %get3A_600 = vector.load %arg7[%get3A_598, %get3A_599] : memref<1024x512xf32, #tpu.memory_space<vmem>>, vector<1024x512xf32>
    %reduce_min3A_601 = arith.constant dense<0x7F800000> : vector<512xf32>
    %reduce_min3A_602 = vector.multi_reduction <minimumf>, %get3A_600, %reduce_min3A_601 [0] : vector<1024x512xf32> to vector<512xf32>
    %broadcast_in_dim3A_603 = vector.shape_cast %reduce_min3A_602 : vector<512xf32> to vector<1x512xf32>
    %eq3A_604 = vector.broadcast %broadcast_in_dim3A_603 : vector<1x512xf32> to vector<1024x512xf32>
    %eq3A_605 = arith.cmpf oeq, %get3A_600, %eq3A_604 : vector<1024x512xf32>
    %jit3A_606 = arith.constant 1024 : i32
    %broadcast_in_dim3A_607 = vector.broadcast %jit3A_606 : i32 to vector<1024x512xi32>
    %select_n3A_608 = arith.select %eq3A_605, %iota3A, %broadcast_in_dim3A_607 : vector<1024x512xi1>, vector<1024x512xi32>
    %reduce_min3A_609 = arith.constant dense<2147483647> : vector<512xi32>
    %reduce_min3A_610 = vector.multi_reduction <minsi>, %select_n3A_608, %reduce_min3A_609 [0] : vector<1024x512xi32> to vector<512xi32>
    %broadcast_in_dim3A_611 = vector.shape_cast %reduce_min3A_610 : vector<512xi32> to vector<1x512xi32>
    %squeeze3A_612 = vector.shape_cast %broadcast_in_dim3A_603 : vector<1x512xf32> to vector<512xf32>
    %swap3A_613 = arith.constant 0 : index
    %swap3A_614 = arith.constant 0 : index
    %swap3A_615 = arith.constant 15 : index
    %swap3A_616 = arith.constant 0 : index
    %swap3A_617 = vector.load %arg4[%swap3A_613, %swap3A_614, %swap3A_615, %swap3A_616] : memref<1x1x16x512xf32, #tpu.memory_space<vmem>>, vector<1x1x1x512xf32>
    %swap3A_618 = vector.shape_cast %swap3A_617 : vector<1x1x1x512xf32> to vector<512xf32>
    %swap3A_619 = vector.shape_cast %squeeze3A_612 : vector<512xf32> to vector<1x1x1x512xf32>
    tpu.vector_store %arg4[%swap3A_613, %swap3A_614, %swap3A_615, %swap3A_616], %swap3A_619 {strides = array<i32>} : memref<1x1x16x512xf32, #tpu.memory_space<vmem>>, vector<1x1x1x512xf32>,
    %squeeze3A_620 = vector.shape_cast %broadcast_in_dim3A_611 : vector<1x512xi32> to vector<512xi32>
    %swap3A_621 = arith.constant 0 : index
    %swap3A_622 = arith.constant 0 : index
    %swap3A_623 = arith.constant 15 : index
    %swap3A_624 = arith.constant 0 : index
    %swap3A_625 = vector.load %arg5[%swap3A_621, %swap3A_622, %swap3A_623, %swap3A_624] : memref<1x1x16x512xi32, #tpu.memory_space<vmem>>, vector<1x1x1x512xi32>
    %swap3A_626 = vector.shape_cast %swap3A_625 : vector<1x1x1x512xi32> to vector<512xi32>
    %swap3A_627 = vector.shape_cast %squeeze3A_620 : vector<512xi32> to vector<1x1x1x512xi32>
    tpu.vector_store %arg5[%swap3A_621, %swap3A_622, %swap3A_623, %swap3A_624], %swap3A_627 {strides = array<i32>} : memref<1x1x16x512xi32, #tpu.memory_space<vmem>>, vector<1x1x1x512xi32>,
    %jit3A_628 = arith.constant 0.000000e+00 : f32
    %broadcast_in_dim3A_629 = vector.shape_cast %slice3A : vector<1024x1xf32> to vector<1024x1xf32>
    %broadcast_in_dim3A_630 = vector.broadcast %broadcast_in_dim3A_629 : vector<1024x1xf32> to vector<1024x512xf32>
    %broadcast_in_dim3A_631 = vector.broadcast %jit3A_628 : f32 to vector<1024x512xf32>
    %select_n3A_632 = arith.select %eq3A_65, %broadcast_in_dim3A_630, %broadcast_in_dim3A_631 : vector<1024x512xi1>, vector<1024x512xf32>
    %reduce_sum3A = arith.constant dense<0.000000e+00> : vector<512xf32>
    %reduce_sum3A_633 = vector.multi_reduction <add>, %select_n3A_632, %reduce_sum3A [0] : vector<1024x512xf32> to vector<512xf32>
    %broadcast_in_dim3A_634 = vector.shape_cast %reduce_sum3A_633 : vector<512xf32> to vector<1x512xf32>
    %jit3A_635 = arith.constant 0.000000e+00 : f32
    %broadcast_in_dim3A_636 = vector.shape_cast %slice3A_7 : vector<1024x1xf32> to vector<1024x1xf32>
    %broadcast_in_dim3A_637 = vector.broadcast %broadcast_in_dim3A_636 : vector<1024x1xf32> to vector<1024x512xf32>
    %broadcast_in_dim3A_638 = vector.broadcast %jit3A_635 : f32 to vector<1024x512xf32>
    %select_n3A_639 = arith.select %eq3A_65, %broadcast_in_dim3A_637, %broadcast_in_dim3A_638 : vector<1024x512xi1>, vector<1024x512xf32>
    %reduce_sum3A_640 = arith.constant dense<0.000000e+00> : vector<512xf32>
    %reduce_sum3A_641 = vector.multi_reduction <add>, %select_n3A_639, %reduce_sum3A_640 [0] : vector<1024x512xf32> to vector<512xf32>
    %broadcast_in_dim3A_642 = vector.shape_cast %reduce_sum3A_641 : vector<512xf32> to vector<1x512xf32>
    %jit3A_643 = arith.constant 0.000000e+00 : f32
    %broadcast_in_dim3A_644 = vector.shape_cast %slice3A_8 : vector<1024x1xf32> to vector<1024x1xf32>
    %broadcast_in_dim3A_645 = vector.broadcast %broadcast_in_dim3A_644 : vector<1024x1xf32> to vector<1024x512xf32>
    %broadcast_in_dim3A_646 = vector.broadcast %jit3A_643 : f32 to vector<1024x512xf32>
    %select_n3A_647 = arith.select %eq3A_65, %broadcast_in_dim3A_645, %broadcast_in_dim3A_646 : vector<1024x512xi1>, vector<1024x512xf32>
    %reduce_sum3A_648 = arith.constant dense<0.000000e+00> : vector<512xf32>
    %reduce_sum3A_649 = vector.multi_reduction <add>, %select_n3A_647, %reduce_sum3A_648 [0] : vector<1024x512xf32> to vector<512xf32>
    %broadcast_in_dim3A_650 = vector.shape_cast %reduce_sum3A_649 : vector<512xf32> to vector<1x512xf32>
    %swap3A_651 = arith.constant 0 : index
    %swap3A_652 = arith.constant 0 : index
    %swap3A_653 = vector.load %arg8[%swap3A_651, %swap3A_652] : memref<8x512xf32, #tpu.memory_space<vmem>>, vector<1x512xf32>
    tpu.vector_store %arg8[%swap3A_651, %swap3A_652], %broadcast_in_dim3A_634 {strides = array<i32>} : memref<8x512xf32, #tpu.memory_space<vmem>>, vector<1x512xf32>,
    %swap3A_654 = arith.constant 1 : index
    %swap3A_655 = arith.constant 0 : index
    %swap3A_656 = vector.load %arg8[%swap3A_654, %swap3A_655] : memref<8x512xf32, #tpu.memory_space<vmem>>, vector<1x512xf32>
    tpu.vector_store %arg8[%swap3A_654, %swap3A_655], %broadcast_in_dim3A_642 {strides = array<i32>} : memref<8x512xf32, #tpu.memory_space<vmem>>, vector<1x512xf32>,
    %swap3A_657 = arith.constant 2 : index
    %swap3A_658 = arith.constant 0 : index
    %swap3A_659 = vector.load %arg8[%swap3A_657, %swap3A_658] : memref<8x512xf32, #tpu.memory_space<vmem>>, vector<1x512xf32>
    tpu.vector_store %arg8[%swap3A_657, %swap3A_658], %broadcast_in_dim3A_650 {strides = array<i32>} : memref<8x512xf32, #tpu.memory_space<vmem>>, vector<1x512xf32>,
    %swap3A_660 = arith.constant 0 : index
    %swap3A_661 = arith.constant 0 : index
    %swap3A_662 = arith.constant 0 : index
    %swap3A_663 = arith.constant 0 : index
    %swap3A_664 = vector.load %arg6[%swap3A_660, %swap3A_661, %swap3A_662, %swap3A_663] : memref<1x1x3x512xf32, #tpu.memory_space<vmem>>, vector<1x1x1x512xf32>
    %swap3A_665 = vector.shape_cast %swap3A_664 : vector<1x1x1x512xf32> to vector<1x512xf32>
    %swap3A_666 = vector.shape_cast %broadcast_in_dim3A_634 : vector<1x512xf32> to vector<1x1x1x512xf32>
    tpu.vector_store %arg6[%swap3A_660, %swap3A_661, %swap3A_662, %swap3A_663], %swap3A_666 {strides = array<i32>} : memref<1x1x3x512xf32, #tpu.memory_space<vmem>>, vector<1x1x1x512xf32>,
    %swap3A_667 = arith.constant 0 : index
    %swap3A_668 = arith.constant 0 : index
    %swap3A_669 = arith.constant 1 : index
    %swap3A_670 = arith.constant 0 : index
    %swap3A_671 = vector.load %arg6[%swap3A_667, %swap3A_668, %swap3A_669, %swap3A_670] : memref<1x1x3x512xf32, #tpu.memory_space<vmem>>, vector<1x1x1x512xf32>
    %swap3A_672 = vector.shape_cast %swap3A_671 : vector<1x1x1x512xf32> to vector<1x512xf32>
    %swap3A_673 = vector.shape_cast %broadcast_in_dim3A_642 : vector<1x512xf32> to vector<1x1x1x512xf32>
    tpu.vector_store %arg6[%swap3A_667, %swap3A_668, %swap3A_669, %swap3A_670], %swap3A_673 {strides = array<i32>} : memref<1x1x3x512xf32, #tpu.memory_space<vmem>>, vector<1x1x1x512xf32>,
    %swap3A_674 = arith.constant 0 : index
    %swap3A_675 = arith.constant 0 : index
    %swap3A_676 = arith.constant 2 : index
    %swap3A_677 = arith.constant 0 : index
    %swap3A_678 = vector.load %arg6[%swap3A_674, %swap3A_675, %swap3A_676, %swap3A_677] : memref<1x1x3x512xf32, #tpu.memory_space<vmem>>, vector<1x1x1x512xf32>
    %swap3A_679 = vector.shape_cast %swap3A_678 : vector<1x1x1x512xf32> to vector<1x512xf32>
    %swap3A_680 = vector.shape_cast %broadcast_in_dim3A_650 : vector<1x512xf32> to vector<1x1x1x512xf32>
    tpu.vector_store %arg6[%swap3A_674, %swap3A_675, %swap3A_676, %swap3A_677], %swap3A_680 {strides = array<i32>} : memref<1x1x3x512xf32, #tpu.memory_space<vmem>>, vector<1x1x1x512xf32>,
    return
  }
  func.func @transform_0(%arg0: i32, %arg1: i32) -> (i32, i32, i32) {
    %c0_i32 = arith.constant 0 : i32
    %c0_i32_0 = arith.constant 0 : i32
    %c0_i32_1 = arith.constant 0 : i32
    return %arg0, %c0_i32, %c0_i32_0 : i32, i32, i32
  }
  func.func @transform_1(%arg0: i32, %arg1: i32) -> (i32, i32, i32, i32) {
    %jit3A = arith.constant 32 : i32
    %div3A = arith.divsi %arg0, %jit3A : i32
    %sign3A = arith.constant 0 : i32
    %sign3A_0 = arith.cmpi sgt, %arg0, %sign3A : i32
    %sign3A_1 = arith.extui %sign3A_0 : i1 to i32
    %sign3A_2 = arith.constant 0 : i32
    %sign3A_3 = arith.cmpi slt, %arg0, %sign3A_2 : i32
    %sign3A_4 = arith.extui %sign3A_3 : i1 to i32
    %sign3A_5 = arith.subi %sign3A_1, %sign3A_4 : i32
    %sign3A_6 = arith.constant 0 : i32
    %sign3A_7 = arith.cmpi sgt, %jit3A, %sign3A_6 : i32
    %sign3A_8 = arith.extui %sign3A_7 : i1 to i32
    %sign3A_9 = arith.constant 0 : i32
    %sign3A_10 = arith.cmpi slt, %jit3A, %sign3A_9 : i32
    %sign3A_11 = arith.extui %sign3A_10 : i1 to i32
    %sign3A_12 = arith.subi %sign3A_8, %sign3A_11 : i32
    %ne3A = arith.cmpi ne, %sign3A_5, %sign3A_12 : i32
    %rem3A = arith.remsi %arg0, %jit3A : i32
    %ne3A_13 = arith.constant 0 : i32
    %ne3A_14 = arith.cmpi ne, %rem3A, %ne3A_13 : i32
    %and3A = arith.andi %ne3A, %ne3A_14 : i1
    %sub3A = arith.constant 1 : i32
    %sub3A_15 = arith.subi %div3A, %sub3A : i32
    %select_n3A = arith.select %and3A, %sub3A_15, %div3A : i32
    %jit3A_16 = arith.constant 32 : i32
    %eq3A = arith.constant 0 : i32
    %eq3A_17 = arith.cmpi eq, %jit3A_16, %eq3A : i32
    %jit3A_18 = arith.constant 1 : i32
    %select_n3A_19 = arith.select %eq3A_17, %jit3A_18, %jit3A_16 : i32
    %rem3A_20 = arith.remsi %arg0, %select_n3A_19 : i32
    %ne3A_21 = arith.constant 0 : i32
    %ne3A_22 = arith.cmpi ne, %rem3A_20, %ne3A_21 : i32
    %lt3A = arith.constant 0 : i32
    %lt3A_23 = arith.cmpi slt, %rem3A_20, %lt3A : i32
    %lt3A_24 = arith.constant 0 : i32
    %lt3A_25 = arith.cmpi slt, %select_n3A_19, %lt3A_24 : i32
    %ne3A_26 = arith.xori %lt3A_23, %lt3A_25 : i1
    %and3A_27 = arith.andi %ne3A_26, %ne3A_22 : i1
    %add3A = arith.addi %rem3A_20, %select_n3A_19 : i32
    %select_n3A_28 = arith.select %and3A_27, %add3A, %rem3A_20 : i32
    %jit3A_29 = arith.constant 4 : i32
    %div3A_30 = arith.divsi %select_n3A_28, %jit3A_29 : i32
    %sign3A_31 = arith.constant 0 : i32
    %sign3A_32 = arith.cmpi sgt, %select_n3A_28, %sign3A_31 : i32
    %sign3A_33 = arith.extui %sign3A_32 : i1 to i32
    %sign3A_34 = arith.constant 0 : i32
    %sign3A_35 = arith.cmpi slt, %select_n3A_28, %sign3A_34 : i32
    %sign3A_36 = arith.extui %sign3A_35 : i1 to i32
    %sign3A_37 = arith.subi %sign3A_33, %sign3A_36 : i32
    %sign3A_38 = arith.constant 0 : i32
    %sign3A_39 = arith.cmpi sgt, %jit3A_29, %sign3A_38 : i32
    %sign3A_40 = arith.extui %sign3A_39 : i1 to i32
    %sign3A_41 = arith.constant 0 : i32
    %sign3A_42 = arith.cmpi slt, %jit3A_29, %sign3A_41 : i32
    %sign3A_43 = arith.extui %sign3A_42 : i1 to i32
    %sign3A_44 = arith.subi %sign3A_40, %sign3A_43 : i32
    %ne3A_45 = arith.cmpi ne, %sign3A_37, %sign3A_44 : i32
    %rem3A_46 = arith.remsi %select_n3A_28, %jit3A_29 : i32
    %ne3A_47 = arith.constant 0 : i32
    %ne3A_48 = arith.cmpi ne, %rem3A_46, %ne3A_47 : i32
    %and3A_49 = arith.andi %ne3A_45, %ne3A_48 : i1
    %sub3A_50 = arith.constant 1 : i32
    %sub3A_51 = arith.subi %div3A_30, %sub3A_50 : i32
    %select_n3A_52 = arith.select %and3A_49, %sub3A_51, %div3A_30 : i32
    %jit3A_53 = arith.constant 4 : i32
    %eq3A_54 = arith.constant 0 : i32
    %eq3A_55 = arith.cmpi eq, %jit3A_53, %eq3A_54 : i32
    %jit3A_56 = arith.constant 1 : i32
    %select_n3A_57 = arith.select %eq3A_55, %jit3A_56, %jit3A_53 : i32
    %rem3A_58 = arith.remsi %select_n3A_28, %select_n3A_57 : i32
    %ne3A_59 = arith.constant 0 : i32
    %ne3A_60 = arith.cmpi ne, %rem3A_58, %ne3A_59 : i32
    %lt3A_61 = arith.constant 0 : i32
    %lt3A_62 = arith.cmpi slt, %rem3A_58, %lt3A_61 : i32
    %lt3A_63 = arith.constant 0 : i32
    %lt3A_64 = arith.cmpi slt, %select_n3A_57, %lt3A_63 : i32
    %ne3A_65 = arith.xori %lt3A_62, %lt3A_64 : i1
    %and3A_66 = arith.andi %ne3A_65, %ne3A_60 : i1
    %add3A_67 = arith.addi %rem3A_58, %select_n3A_57 : i32
    %select_n3A_68 = arith.select %and3A_66, %add3A_67, %rem3A_58 : i32
    %eq3A_69 = arith.constant 0 : i32
    %eq3A_70 = arith.cmpi eq, %select_n3A, %eq3A_69 : i32
    %sub3A_71 = arith.constant 7 : i32
    %sub3A_72 = arith.subi %sub3A_71, %arg1 : i32
    %select_n3A_73 = arith.select %eq3A_70, %arg1, %sub3A_72 : i32
    %mul3A = arith.constant 8 : i32
    %mul3A_74 = arith.muli %select_n3A_68, %mul3A : i32
    %add3A_75 = arith.addi %mul3A_74, %select_n3A_73 : i32
    %c0_i32 = arith.constant 0 : i32
    %c0_i32_76 = arith.constant 0 : i32
    %c0_i32_77 = arith.constant 0 : i32
    return %select_n3A_52, %add3A_75, %c0_i32, %c0_i32_76 : i32, i32, i32, i32
  }
  func.func @transform_2(%arg0: i32, %arg1: i32) -> (i32, i32, i32, i32) {
    %c0_i32 = arith.constant 0 : i32
    %c0_i32_0 = arith.constant 0 : i32
    %c0_i32_1 = arith.constant 0 : i32
    return %arg0, %arg1, %c0_i32, %c0_i32_0 : i32, i32, i32, i32
  }
  func.func @transform_3(%arg0: i32, %arg1: i32) -> (i32, i32, i32, i32) {
    %c0_i32 = arith.constant 0 : i32
    %c0_i32_0 = arith.constant 0 : i32
    %c0_i32_1 = arith.constant 0 : i32
    return %arg0, %arg1, %c0_i32, %c0_i32_0 : i32, i32, i32, i32
  }
  func.func @transform_4(%arg0: i32, %arg1: i32) -> (i32, i32, i32, i32) {
    %c0_i32 = arith.constant 0 : i32
    %c0_i32_0 = arith.constant 0 : i32
    %c0_i32_1 = arith.constant 0 : i32
    return %arg0, %arg1, %c0_i32, %c0_i32_0 : i32, i32, i32, i32
  }
}

</mosaic_0001>

<sc_bundles>
// kernel: gather_offload_async_start
scs
__scs_entry_jumppad:
0x0: {  	(pc) =	sbr.rel $0x88, $3  }
0x1: {  	(tag) =	ssettag $0x0;
	lr =	simm.s32 $0x1  }
0x2: {  	[smem:$0x3FA0] =	sst lr;
	_ =	strace $0xD0000000  }
0x3: {  	_ = 	snop  }
0x4: {  	_ = 	snop  }
0x5: {  	_ = 	snop  }
0x6: {  	_ = 	snop  }
0x7: {  	_ = 	snop  }
__scs_overlays_trampoline_lowered:
0x8: {  	[smem:$0x3FAF] =	sst s0  }
0x9: {  	[smem:$0x3FB0] =	sst s1  }
0xa: {  	[smem:$0x3FB1] =	sst s2  }
0xb: {  	[smem:$0x3FB2] =	sst s3  }
0xc: {  	[smem:$0x3FB3] =	sst s4  }
0xd: {  	[smem:$0x3FB4] =	sst s5  }
0xe: {  	[smem:$0x3FB5] =	sst s6  }
0xf: {  	[smem:$0x3FB6] =	sst s7  }
0x10: {  	[smem:$0x3FB7] =	sst s8  }
0x11: {  	[smem:$0x3FB8] =	sst s9;
	s0 =	simm.s32 @!p0 $0x0  }
0x12: {  	s1 =	sld [smem:$0x3F9E];
	s0 =	simm.s32 @p0 $0x1  }
0x13: {  	[smem:$0x3FB9] =	sst s0;
	s0 =	simm.s32 @!p1 $0x0  }
0x14: {  	s2 =	sld [smem:$0x3F9D];
	s0 =	simm.s32 @p1 $0x1  }
0x15: {  	[smem:$0x3FBA] =	sst s0;
	s0 =	simm.s32 @!p2 $0x0  }
0x16: {  	s3 =	sld [smem:$0x3FDB];
	s0 =	simm.s32 @p2 $0x1  }
0x17: {  	s4 =	simm.s32 $0x1BF5;
	[smem:$0x3FBC] =	sst s0  }
0x18: {  	s0 =	sld [smem:$0x3F9F];
	_ =	swait.ge [sflag:s4], $0x0  }
0x19: {  	s7 =	sld [smem:$0x3FA0]  }
0x1a: {  	s8 =	sadd.s32 $0xFFFFE003, lr  }
0x1b: {  	s9 =	sadd.s32 $0xFFFFFEF7, lr;
	s5 =	simm.s32 $0xFFFFFFFF;
	p2 =	slt.u32 s8, $0xFFFFF086  }
0x1c: {  	p1 =	slt.u32 s9, $0xF7A;
	s5 =	simm.s32 @!p2 $0x0  }
0x1d: {  	s5 =	simm.s32 @p1 $0x1;
	p0 =	seq.s32 s7, s2  }
0x1e: {  	s7 =	smul.u32 @!p0 $0xF7A, s2;
	p2 =	seq.s32 @!p0 s5, $0x0  }
0x1f: {  	s9 =	smul.u32 $0xF7A, s1;
	s8 =	simm.s32 @!p0 $0x1BF5;
	p2 =	por !p2, p0  }
0x20: {  	[sflag:s8] =	ssyncset.s32 @!p0 $0xFFFFF086;
	s6 =	sadd.s32 @!p0 s3, s7;
	s7 =	simm.s32 @!p0 $0x108  }
0x21: {  	s3 =	sadd.s32 s3, s9;
	s6 =	sadd.s32 @!p0 $0x88, s6;
	s7 =	simm.s32 @p2 $0x1082  }
0x22: {  	[simem:s7], [sflag:s8] =	dma.local @!p0 [hbm:s6], $0xF7A  }
0x23: {  	s9 =	sor.u32 $0xD0000000, s2;
	s6 =	simm.s32 $0x108;
	_ =	swait.ge @!p0 [sflag:s8], $0x0  }
0x24: {  	s3 =	sadd.s32 $0x88, s3;
	s6 =	simm.s32 @!p1 $0x1082;
	[sflag:s4] =	ssyncset.s32 $0xFFFFF086  }
0x25: {  	[simem:s6], [sflag:s4] =	dma.local [hbm:s3], $0xF7A  }
0x26: {  	[smem:$0x3FA0] =	sst s1;
	(tag) =	ssettag s2;
	_ =	strace s9  }
0x27: {  	s1 =	sld [smem:$0x3FB0]  }
0x28: {  	s2 =	sld [smem:$0x3FB1]  }
0x29: {  	s4 =	sld [smem:$0x3FB3]  }
0x2a: {  	p0 =	seq.s32 s5, $0x0;
	s5 =	sld [smem:$0x3FB4]  }
0x2b: {  	s6 =	sld [smem:$0x3FB5]  }
0x2c: {  	s7 =	sld [smem:$0x3FB6]  }
0x2d: {  	s3 =	simm.s32 $0x108;
	s8 =	sld [smem:$0x3FB7]  }
0x2e: {  	s3 =	simm.s32 @!p0 $0x1082;
	s9 =	sld [smem:$0x3FB8]  }
0x2f: {  	lr =	sadd.s32 s0, s3;
	s0 =	sld [smem:$0x3FAF]  }
0x30: {  	s3 =	sld [smem:$0x3FB2]  }
0x31: {  	[smem:$0x3FBB] =	sst s10  }
0x32: {  	s10 =	sld [smem:$0x3FB9];
	_ =	sdelay $0x3  }
0x33: {  	p0 =	seq.s32 s10, $0x1;
	s10 =	sld [smem:$0x3FBB];
	_ =	sdelay $0x3  }
0x34: {  	[smem:$0x3FBB] =	sst s10  }
0x35: {  	s10 =	sld [smem:$0x3FBA];
	_ =	sdelay $0x3  }
0x36: {  	p1 =	seq.s32 s10, $0x1;
	s10 =	sld [smem:$0x3FBB];
	_ =	sdelay $0x3  }
0x37: {  	[smem:$0x3FBB] =	sst s10  }
0x38: {  	s10 =	sld [smem:$0x3FBC]  }
0x39: {  	_ = 	snop;
	(pc) =	sbr.ind lr, $3  }
0x3a: {  	_ = 	snop  }
0x3b: {  	_ = 	snop  }
0x3c: {  	p2 =	seq.s32 s10, $0x1;
	s10 =	sld [smem:$0x3FBB]  }
0x3d: {  	_ =	shalt  }
0x3e: {  	_ =	shalt  }
0x3f: {  	_ =	shalt  }
0x40: {  	_ =	shalt  }
0x41: {  	_ =	shalt  }
0x42: {  	_ =	shalt  }
0x43: {  	_ =	shalt  }
0x44: {  	_ =	shalt  }
0x45: {  	_ =	shalt  }
0x46: {  	_ =	shalt  }
0x47: {  	_ =	shalt  }
0x48: {  	_ =	shalt  }
0x49: {  	_ =	shalt  }
0x4a: {  	_ =	shalt  }
0x4b: {  	_ =	shalt  }
0x4c: {  	_ =	shalt  }
0x4d: {  	_ =	shalt  }
0x4e: {  	_ =	shalt  }
0x4f: {  	_ =	shalt  }
0x50: {  	_ =	shalt  }
0x51: {  	_ =	shalt  }
0x52: {  	_ =	shalt  }
0x53: {  	_ =	shalt  }
0x54: {  	_ =	shalt  }
0x55: {  	_ =	shalt  }
0x56: {  	_ =	shalt  }
0x57: {  	_ =	shalt  }
0x58: {  	_ =	shalt  }
0x59: {  	_ =	shalt  }
0x5a: {  	_ =	shalt  }
0x5b: {  	_ =	shalt  }
0x5c: {  	_ =	shalt  }
0x5d: {  	_ =	shalt  }
0x5e: {  	_ =	shalt  }
0x5f: {  	_ =	shalt  }
0x60: {  	_ =	shalt  }
0x61: {  	_ =	shalt  }
0x62: {  	_ =	shalt  }
0x63: {  	_ =	shalt  }
0x64: {  	_ =	shalt  }
0x65: {  	_ =	shalt  }
0x66: {  	_ =	shalt  }
0x67: {  	_ =	shalt  }
0x68: {  	_ =	shalt  }
0x69: {  	_ =	shalt  }
0x6a: {  	_ =	shalt  }
0x6b: {  	_ =	shalt  }
0x6c: {  	_ =	shalt  }
0x6d: {  	_ =	shalt  }
0x6e: {  	_ =	shalt  }
0x6f: {  	_ =	shalt  }
0x70: {  	_ =	shalt  }
0x71: {  	_ =	shalt  }
0x72: {  	_ =	shalt  }
0x73: {  	_ =	shalt  }
0x74: {  	_ =	shalt  }
0x75: {  	_ =	shalt  }
0x76: {  	_ =	shalt  }
0x77: {  	_ =	shalt  }
0x78: {  	_ =	shalt  }
0x79: {  	_ =	shalt  }
0x7a: {  	_ =	shalt  }
0x7b: {  	_ =	shalt  }
0x7c: {  	_ =	shalt  }
0x7d: {  	_ =	shalt  }
0x7e: {  	_ =	shalt  }
0x7f: {  	_ =	shalt  }
0x80: {  	_ =	shalt  }
0x81: {  	_ =	shalt  }
0x82: {  	_ =	shalt  }
0x83: {  	_ =	shalt  }
0x84: {  	_ =	shalt  }
0x85: {  	_ =	shalt  }
0x86: {  	_ =	shalt  }
0x87: {  	_ =	shalt  }
.Lfunc_end0:
.L_simem_size_0:
called_computation.3_lowered:
.L_overlay_start_0:
0x88: {  	s2 =	sld [smem:$0x3FD9]  }
0x89: {  	s3 =	sld [smem:$0x3FFE];
	_ =	sdelay $0x1  }
0x8a: {  	s1 =	srdreg.scid  }
0x8b: {  	s0 =	sand.u32 $0x1, s1  }
0x8c: {  	s14 =	sshll.u32 s0, $0xA;
	s2 =	sadd.s32 s3, s2  }
0x8d: {  	s2 =	sadd.s32 s2, s14  }
0x8e: {  	[smem:$0x3FC7] =	sst s2  }
0x8f: {  	_ = 	snop  }
0x90: {  	s2 =	sld [smem:$0x3FD0];
	_ =	sdelay $0x2  }
0x91: {  	s15 =	simm.s32 $0xB;
	s4 =	simm.s32 $0x10  }
0x92: {  	[smem:s4], [sflag:s15] =	dma.local [hbm:s2], $0x1  }
0x93: {  	_ =	swait.eq [sflag:s15], $0x1  }
0x94: {  	[sflag:s15] =	ssyncset.done $0x0  }
0x95: {  	s16 =	sld [smem:$0x11];
	[sflag:s15] =	ssyncadd.s32 $0xFFFFFFFF  }
0x96: {  	s17 =	sld [smem:$0x12];
	(tm) =	ssettm $0x1  }
0x97: {  	s18 =	sld [smem:$0x3FFB];
	_ =	sdelay $0x3  }
0x98: {  	_ =	strace s18  }
0x99: {  	s4 =	sld [smem:$0x3FFC];
	_ =	sdelay $0x3  }
0x9a: {  	_ =	strace s4  }
0x9b: {  	s4 =	sld [smem:$0x3FFD];
	_ =	sdelay $0x3  }
0x9c: {  	_ =	strace s4  }
0x9d: {  	_ =	strace $0x8FFFFFFF  }
0x9e: {  	s19 =	sld [smem:$0x3FDB];
	_ =	sdelay $0x1  }
0x9f: {  	s5 =	simm.s32 $_scs_section_size  }
0xa0: {  	s6 =	simm.s32 $_size__tile_overlayer_lowered;
	s7 =	simm.s32 $_tile_overlayer_lowered  }
0xa1: {  	s22 =	simm.s32 $0x1BFF;
	s21 =	sshll.u32 s7, $0x1;
	s4 =	sadd.s32 s5, s19  }
0xa2: {  	s8 =	simm.s32 $0x0;
	s20 =	sshll.u32 s6, $0x1;
	s6 =	sadd.s32 s21, s4  }
0xa3: {  	[timem:s8], [sflag:s22] =	dma.local [hbm:s6], s20  }
0xa4: {  	_ =	swait.ge [sflag:s22], s20  }
0xa5: {  	s5 =	ssub.s32 $0x0, s20;
	[sflag:s22] =	ssyncset.done $0x0  }
0xa6: {  	[sflag:s22] =	ssyncadd.s32 s5;
	_ =	sdelay $0x1  }
0xa7: {  	s23 =	simm.s32 $0x1B8B  }
0xa8: {  	_ =	swait.ge [sflag:s23], $0x1  }
0xa9: {  	[sflag:s23] =	ssyncset.done $0x0  }
0xaa: {  	s25 =	simm.s32 $0x1B8E;
	s24 =	sld [smem:$0x3FFE];
	[sflag:s23] =	ssyncadd.s32 $0xFFFFFFFF  }
0xab: {  	s26 =	simm.s32 $execute0_lowered;
	[smem:$0x3FD2] =	sst s25  }
0xac: {  	s6 =	sshll.u32 s26, $0x1;
	_ =	strace $0x80000046;
	[dreg:$0x1] =	wrdreg $0xFFFFFFFF  }
0xad: {  	s28 =	simm.s32 $_size_execute0_lowered;
	s4 =	sadd.s32 s4, s6;
	[dreg:$0x0] =	wrdreg $0x0  }
0xae: {  	s6 =	sshll.u32 s28, $0x1;
	[dreg:$0x2] =	wrdreg s4  }
0xaf: {  	[dreg:$0x3] =	wrdreg s6  }
0xb0: {  	[dreg:$0x4] =	wrdreg $0xC0  }
0xb1: {  	_ =	task [dreg:s8], $0x5FFFF  }
0xb2: {  	[dreg:$0x1] =	wrdreg $0xFFFFFFFF  }
0xb3: {  	[dreg:$0x0] =	wrdreg $0x60  }
0xb4: {  	[dreg:$0x2] =	wrdreg s24  }
0xb5: {  	[dreg:$0x3] =	wrdreg s16  }
0xb6: {  	[dreg:$0x4] =	wrdreg s17  }
0xb7: {  	[dreg:$0x5] =	wrdreg $0xA  }
0xb8: {  	_ =	task.clear_ibuf [dreg:s8], $0x6FFFF;
	_ =	strace $0x90000046  }
0xb9: {  	s29 =	simm.s32 $0xA;
	_ =	strace $0x80000048  }
0xba: {  	_ =	swait.ge [sflag:s29], $0x1  }
0xbb: {  	[sflag:s29] =	ssyncadd.s32 $0xFFFFFFFF  }
0xbc: {  	_ =	strace $0x90000048  }
0xbd: {  	_ =	sfence  }
0xbe: {  	s30 =	sld [smem:$0x0];
	_ =	sdelay $0x2  }
0xbf: {  	s31 =	sshll.u32 s1, $0xD;
	s1 =	sshrl.u32 s1, $0x2  }
0xc0: {  	s3 =	sand.u32 $0x4000, s31;
	s1 =	sadd.s32 s1, s30  }
0xc1: {  	s0 =	sor.u32 s3, s0;
	s1 =	sshll.u32 s1, $0x11  }
0xc2: {  	s0 =	sor.u32 s1, s0  }
0xc3: {  	s0 =	sadd.s32 $0x8F2B, s0  }
0xc4: {  	[sflag:s0] =	ssyncadd.remote.s32 $0x1  }
0xc5: {  	_ =	sfence.sel $0xFFFF  }
0xc6: {  	[dreg:$0x0] =	wrdreg $0xFFFFFFFF;
	(pc) =	sbr.abs _section_cstart, $3  }
0xc7: {  	[dreg:$0x1] =	wrdreg $0xFFFFFFFF  }
0xc8: {  	_ =	task.clear_ibuf [dreg:s8], $0x2FFFF;
	_ =	strace $0x9FFFFFFF  }
0xc9: {  	(tm) =	ssettm $0x7FFFFFFF  }
tec
execute0_lowered:
.L_overlay_start_1:
0x0: {  	(tag) =	ssettag $0x1  }
0x1: {  	s7 =	rddreg [dreg:$0x0]  }
0x2: {  	s2 =	rddreg [dreg:$0x1]  }
0x3: {  	s3 =	rddreg [dreg:$0x2]  }
0x4: {  	s0 =	rddreg [dreg:$0x3];
	s1 =	srdreg.scid;
	_ =	strace $0x80000047  }
0x5: {  	s4 =	simm.s32 $0x1;
	s9 =	simm.s32 $0x3;
	s5 =	sshll.u32 s1, $0x4  }
.Ltmp0:
0x6: {  	s1 =	stileid.u32;
	s5 =	sand.u32 $0x10, s5;
	(pc) =	sbr.rel .LBB2_1-.Ltmp0, $4  }
0x7: {  	s11 =	simm.s32 $0x0;
	p0 =	por $0x0, $0x0;
	s6 =	sor.u32 s1, s5  }
0x8: {  	[sflag:s4] =	ssyncpa.u1 $0x0;
	s5 =	simm.s32 $0x2;
	s6 =	sshll.u32 s6, $0xA  }
0x9: {  	s7 =	sadd.s32 $0x1200, s7;
	[sflag:s5] =	ssyncpa.u1 $0x0;
	s8 =	sadd.s32 $0x400, s6  }
0xa: {  	vm0 =	vmmov $0xff;
	vm1 =	vcmask $0x3F20;
	[sflag:s9] =	ssyncpa.u1 $0x0;
	s10 =	smov.u32 s6;
	s9 =	simm.s32 $0x0  }
.LBB2_7:
0xb: {  	p1 =	slt.u32 s9, $0x2;
	s11 =	sadd.s32 $0x100, s10  }
0xc: {  	s13 =	smov.u32 s6;
	s9 =	sadd.s32 $0x1, s9;
	p2 =	slt.s32 s11, s8  }
0xd: {  	s13 =	smov.u32 @p2 s11;
	p2 =	sne.s32 s9, $0x6  }
.Ltmp1:
0xe: {  	_ = 	snop;
	(pc) =	sbr.rel @!p2 .LBB2_8-.Ltmp1, $4  }
0xf: {  	s12 =	simm.s32 @!p1 $0x3  }
0x10: {  	_ =	swait.ge @!p1 [sflag:s12], $0x8000  }
0x11: {  	p0 =	por !p0, !p0;
	[sflag:s12] =	ssyncset.done @!p1 $0x0  }
0x12: {  	s11 =	smov.u32 s10;
	s10 =	smov.u32 s13;
	[sflag:s12] =	ssyncadd.s32 @!p1 $0xFFFF8000  }
.LBB2_1:
0x13: {  	p1 =	sgt.u32 s9, $0x3  }
0x14: {  	s12 =	sxor.u32 @!p1 $0xFFFFFFFF, s9  }
0x15: {  	s13 =	sshrl.u32 @!p1 s10, $0x3;
	s12 =	sshll.u32 @!p1 s12, $0x8  }
0x16: {  	s14 =	sand.u32 @!p1 $0x7, s10;
	s13 =	sadd.s32 @!p1 s2, s13;
	s12 =	sand.u32 @!p1 $0x100, s12  }
0x17: {  	[tilespmem:s12], [sflag:$0x2] =	stream.linear.gather @!p1 [hbm4b:s13+s14], $0x100, $0x38;
	[tilespmem:$0x10200] =	vst v63  }
0x18: {  	p1 =	seq.s32 s9, $0x0  }
0x19: {  	p2 =	seq.s32 @!p1 s9, $0x5  }
0x1a: {  	p1 =	por p1, p2  }
.Ltmp2:
0x1b: {  	_ = 	snop;
	(pc) =	sbr.rel @p1 .LBB2_7-.Ltmp2, $1  }
0x1c: {  	_ =	sdelay $0x3  }
0x1d: {  	s12 =	simm.s32 $0x1  }
0x1e: {  	_ =	swait.ge [sflag:s5], $0x100;
	s12 =	simm.s32 @!p0 $0x0  }
0x1f: {  	[sflag:s5] =	ssyncset.done $0x0;
	s14 =	sshll.u32 s12, $0x8  }
0x20: {  	[sflag:s5] =	ssyncadd.s32 $0xFFFFFF00;
	s13 =	sadd.s32 $0x0, s14  }
0x21: {  	v0 =	vld.msk [tilespmem:s13+$0x0 ss:$0x1], $0xffff;
	_ =	sdelay $0x4  }
0x22: {  	vm2 =	veq.s32 v0, $0x80000000  }
0x23: {  	v1 =	vshll.u32 v0, $0x16;
	v2 =	vshll.u32 v0, $0xE;
	v0 =	vshrl.u32 v0, $0x1  }
0x24: {  	v1 =	vand.u32 $0x1C00000, v1;
	v2 =	vand.u32 $0x3E0000, v2;
	v0 =	vand.u32 $0x1FF80, v0  }
0x25: {  	v1 =	vor.u32 v2, v1;
	v0 =	vsel vm2, $0xFFFFFF80, v0  }
0x26: {  	v1 =	vsel vm2, $0xFFBE0000, v1;
	v2 =	vand.u32 $0xFFFFFC00, v0  }
0x27: {  	v0 =	vand.u32 $0x380, v0;
	v1 =	vadd.s32 v2, v1  }
0x28: {  	v0 =	vor.u32 v0, v1  }
0x29: {  	v0 =	vshrl.u32 v0, $0x3;
	_ =	sdelay $0x2  }
0x2a: {  	s12 =	sshll.u32 s12, $0xF  }
0x2b: {  	s12 =	sor.u32 $0x200, s12  }
0x2c: {  	[tilespmem:s12], [sflag:$0x1] =	stream.indirect_vreg.gather [hbm:s7], $0x80, v0, vm0, $0x38;
	[tilespmem:$0x10200] =	vst v63  }
0x2d: {  	s15 =	sadd.s32 $0x10, s14;
	s13 =	sadd.s32 $0x400, s12  }
0x2e: {  	[tilespmem:s13], [sflag:$0x1] =	stream.indirect_vreg.gather [hbm:s7], $0x80, v0, vm1, $0x38;
	[tilespmem:$0x10200] =	vst v63  }
0x2f: {  	s16 =	simm.s32 $0x80;
	v0 =	vld.msk [tilespmem:s15+$0x0 ss:$0x1], $0xffff;
	s15 =	smov.u32 s12  }
.LBB2_3:
0x30: {  	p1 =	sne.s32 s16, $0x3C0;
	_ =	sdelay $0x4  }
0x31: {  	vm2 =	veq.s32 v0, $0x80000000  }
0x32: {  	v1 =	vshll.u32 v0, $0x16;
	v2 =	vshll.u32 v0, $0xE;
	v0 =	vshrl.u32 v0, $0x1  }
0x33: {  	v1 =	vand.u32 $0x1C00000, v1;
	v2 =	vand.u32 $0x3E0000, v2;
	v0 =	vand.u32 $0x1FF80, v0  }
0x34: {  	v1 =	vor.u32 v2, v1;
	v0 =	vsel vm2, $0xFFFFFF80, v0  }
0x35: {  	v1 =	vsel vm2, $0xFFBE0000, v1;
	v2 =	vand.u32 $0xFFFFFC00, v0  }
0x36: {  	v0 =	vand.u32 $0x380, v0;
	v1 =	vadd.s32 v2, v1  }
0x37: {  	v0 =	vor.u32 v0, v1  }
0x38: {  	v0 =	vshrl.u32 v0, $0x3;
	_ =	sdelay $0x3  }
.Ltmp3:
0x39: {  	s17 =	sshra.s32 s16, $0x2;
	s15 =	sadd.s32 $0x800, s15;
	(pc) =	sbr.rel @p1 .LBB2_3-.Ltmp3, $4  }
0x3a: {  	[tilespmem:s15], [sflag:$0x1] =	stream.indirect_vreg.gather [hbm:s7], $0x80, v0, vm0, $0x38;
	[tilespmem:$0x10200] =	vst v63  }
0x3b: {  	s17 =	sadd.s32 s17, s14;
	s18 =	sadd.s32 $0x400, s15  }
0x3c: {  	[tilespmem:s18], [sflag:$0x1] =	stream.indirect_vreg.gather [hbm:s7], $0x80, v0, vm1, $0x38;
	[tilespmem:$0x10200] =	vst v63  }
0x3d: {  	s16 =	sadd.s32 $0x40, s16;
	v0 =	vld.msk [tilespmem:s17+$0x0 ss:$0x1], $0xffff  }
0x3e: {  	_ =	sdelay $0x3  }
0x3f: {  	vm2 =	veq.s32 v0, $0x80000000  }
0x40: {  	v1 =	vshll.u32 v0, $0x16;
	v2 =	vshll.u32 v0, $0xE;
	v62 =	vshrl.u32 v0, $0x1  }
0x41: {  	v1 =	vand.u32 $0x1C00000, v1;
	v2 =	vand.u32 $0x3E0000, v2;
	v0 =	vand.u32 $0x1FF80, v62  }
0x42: {  	v1 =	vor.u32 v2, v1;
	v0 =	vsel vm2, $0xFFFFFF80, v0  }
0x43: {  	v1 =	vsel vm2, $0xFFBE0000, v1;
	v63 =	vand.u32 $0xFFFFFC00, v0  }
0x44: {  	v0 =	vand.u32 $0x380, v0;
	v1 =	vadd.s32 v63, v1  }
0x45: {  	v0 =	vor.u32 v0, v1  }
0x46: {  	v0 =	vshrl.u32 v0, $0x3;
	_ =	sdelay $0x3  }
0x47: {  	s14 =	sadd.s32 $0x800, s15  }
0x48: {  	[tilespmem:s14], [sflag:$0x1] =	stream.indirect_vreg.gather [hbm:s7], $0x80, v0, vm0, $0x38;
	[tilespmem:$0x10200] =	vst v63  }
0x49: {  	s14 =	sadd.s32 $0x400, s14  }
0x4a: {  	[tilespmem:s14], [sflag:$0x1] =	stream.indirect_vreg.gather [hbm:s7], $0x80, v0, vm1, $0x38;
	[tilespmem:$0x10200] =	vst v63  }
0x4b: {  	s11 =	sshll.u32 s11, $0x4;
	_ =	swait.ge [sflag:s4], $0x8000  }
0x4c: {  	s11 =	sadd.s32 s11, s3;
	[sflag:s4] =	ssyncset.done $0x0  }
0x4d: {  	s15 =	sadd.s32 $0x0, s11;
	s14 =	simm.s32 $0x80;
	[sflag:s4] =	ssyncadd.s32 $0xFFFF8000  }
.LBB2_5:
0x4e: {  	[hbm:s15] =	stream.linear.scatter [tilespmem:s12], [sflag:$0x3], $0x400, $0x38;
	[tilespmem:$0x10200] =	vst v63  }
0x4f: {  	s15 =	smov.u32 s14;
	s12 =	smov.u32 s13;
	p1 =	sne.s32 s14, $0xF80  }
.Ltmp4:
0x50: {  	s14 =	sadd.s32 $0x80, s14;
	(pc) =	sbr.rel @p1 .LBB2_5-.Ltmp4, $2  }
0x51: {  	_ =	sdelay $0x2  }
0x52: {  	s13 =	sadd.s32 $0x400, s13;
	s15 =	sadd.s32 s15, s11  }
.Ltmp5:
0x53: {  	(pc) =	sbr.rel .LBB2_7-.Ltmp5, $2  }
0x54: {  	_ =	sdelay $0x2  }
0x55: {  	[hbm:s15] =	stream.linear.scatter [tilespmem:s12], [sflag:$0x3], $0x400, $0x38;
	[tilespmem:$0x10200] =	vst v63  }
.LBB2_8:
0x56: {  	_ =	sfence.sel $0x180000  }
0x57: {  	s2 =	simm.s32 $0x2;
	[bflag:$0x0] =	sbarrier.arrive $0xFFFF  }
0x58: {  	s30 =	simm.s32 $0x3;
	[sflag:s2] =	ssyncpa.u1 $0x1  }
0x59: {  	s31 =	simm.s32 $0x1;
	[sflag:s30] =	ssyncpa.u1 $0x1  }
0x5a: {  	[sflag:s31] =	ssyncpa.u1 $0x1  }
0x5b: {  	p0 =	sne.s32 s1, $0x0;
	_ =	strace $0x90000047  }
0x5c: {  	s0 =	sadd.s32 @!p0 $0x100000, s0;
	[bflag:$0x2] =	sbarrier.arrive $0xFFFF  }
0x5d: {  	[sflag:s0] =	ssyncadd.tile.s32 @!p0 $0x1;
	_ =	shalt  }
.Lfunc_end2:
_tile_overlayer_lowered:
.L_overlay_start_2:
0x5e: {  	(tag) =	ssettag $0x2  }
0x5f: {  	s0 =	rddreg [dreg:$0x0];
	s2 =	stileid.u32  }
0x60: {  	s1 =	rddreg [dreg:$0x1];
	p0 =	sne.s32 s2, $0x0  }
0x61: {  	s3 =	rddreg [dreg:$0x2];
	[bflag:$0x3] =	sbarrier.arrive $0xFFFF;
	s2 =	simm.s32 @!p0 $0x1C01  }
0x62: {  	[timem:s3], [sflag:s2] =	dma.local @!p0 [hbm:s0], s1  }
0x63: {  	s0 =	simm.s32 @!p0 $0x1  }
0x64: {  	_ =	swait.ge @!p0 [sflag:s0], s1  }
0x65: {  	s1 =	ssub.s32 @!p0 $0x0, s1;
	[sflag:s0] =	ssyncset.done @!p0 $0x0  }
0x66: {  	[sflag:s0] =	ssyncadd.s32 @!p0 s1  }
0x67: {  	[bflag:$0x3] =	sbarrier.arrive $0xFFFF  }
0x68: {  	_ =	shalt  }

// kernel: kernel.4.cloned.1.call-start
scs
__scs_entry_jumppad:
0x0: {  	(pc) =	sbr.rel $0x88, $3  }
0x1: {  	(tag) =	ssettag $0x0;
	lr =	simm.s32 $0x1  }
0x2: {  	[smem:$0x3FA0] =	sst lr;
	_ =	strace $0xD0000000  }
0x3: {  	_ = 	snop  }
0x4: {  	_ = 	snop  }
0x5: {  	_ = 	snop  }
0x6: {  	_ = 	snop  }
0x7: {  	_ = 	snop  }
__scs_overlays_trampoline_lowered:
0x8: {  	[smem:$0x3FAF] =	sst s0  }
0x9: {  	[smem:$0x3FB0] =	sst s1  }
0xa: {  	[smem:$0x3FB1] =	sst s2  }
0xb: {  	[smem:$0x3FB2] =	sst s3  }
0xc: {  	[smem:$0x3FB3] =	sst s4  }
0xd: {  	[smem:$0x3FB4] =	sst s5  }
0xe: {  	[smem:$0x3FB5] =	sst s6  }
0xf: {  	[smem:$0x3FB6] =	sst s7  }
0x10: {  	[smem:$0x3FB7] =	sst s8  }
0x11: {  	[smem:$0x3FB8] =	sst s9;
	s0 =	simm.s32 @!p0 $0x0  }
0x12: {  	s1 =	sld [smem:$0x3F9E];
	s0 =	simm.s32 @p0 $0x1  }
0x13: {  	[smem:$0x3FB9] =	sst s0;
	s0 =	simm.s32 @!p1 $0x0  }
0x14: {  	s2 =	sld [smem:$0x3F9D];
	s0 =	simm.s32 @p1 $0x1  }
0x15: {  	[smem:$0x3FBA] =	sst s0;
	s0 =	simm.s32 @!p2 $0x0  }
0x16: {  	s3 =	sld [smem:$0x3FDB];
	s0 =	simm.s32 @p2 $0x1  }
0x17: {  	s4 =	simm.s32 $0x1BF5;
	[smem:$0x3FBC] =	sst s0  }
0x18: {  	s0 =	sld [smem:$0x3F9F];
	_ =	swait.ge [sflag:s4], $0x0  }
0x19: {  	s7 =	sld [smem:$0x3FA0]  }
0x1a: {  	s8 =	sadd.s32 $0xFFFFE003, lr  }
0x1b: {  	s9 =	sadd.s32 $0xFFFFFEF7, lr;
	s5 =	simm.s32 $0xFFFFFFFF;
	p2 =	slt.u32 s8, $0xFFFFF086  }
0x1c: {  	p1 =	slt.u32 s9, $0xF7A;
	s5 =	simm.s32 @!p2 $0x0  }
0x1d: {  	s5 =	simm.s32 @p1 $0x1;
	p0 =	seq.s32 s7, s2  }
0x1e: {  	s7 =	smul.u32 @!p0 $0xF7A, s2;
	p2 =	seq.s32 @!p0 s5, $0x0  }
0x1f: {  	s9 =	smul.u32 $0xF7A, s1;
	s8 =	simm.s32 @!p0 $0x1BF5;
	p2 =	por !p2, p0  }
0x20: {  	[sflag:s8] =	ssyncset.s32 @!p0 $0xFFFFF086;
	s6 =	sadd.s32 @!p0 s3, s7;
	s7 =	simm.s32 @!p0 $0x108  }
0x21: {  	s3 =	sadd.s32 s3, s9;
	s6 =	sadd.s32 @!p0 $0x88, s6;
	s7 =	simm.s32 @p2 $0x1082  }
0x22: {  	[simem:s7], [sflag:s8] =	dma.local @!p0 [hbm:s6], $0xF7A  }
0x23: {  	s9 =	sor.u32 $0xD0000000, s2;
	s6 =	simm.s32 $0x108;
	_ =	swait.ge @!p0 [sflag:s8], $0x0  }
0x24: {  	s3 =	sadd.s32 $0x88, s3;
	s6 =	simm.s32 @!p1 $0x1082;
	[sflag:s4] =	ssyncset.s32 $0xFFFFF086  }
0x25: {  	[simem:s6], [sflag:s4] =	dma.local [hbm:s3], $0xF7A  }
0x26: {  	[smem:$0x3FA0] =	sst s1;
	(tag) =	ssettag s2;
	_ =	strace s9  }
0x27: {  	s1 =	sld [smem:$0x3FB0]  }
0x28: {  	s2 =	sld [smem:$0x3FB1]  }
0x29: {  	s4 =	sld [smem:$0x3FB3]  }
0x2a: {  	p0 =	seq.s32 s5, $0x0;
	s5 =	sld [smem:$0x3FB4]  }
0x2b: {  	s6 =	sld [smem:$0x3FB5]  }
0x2c: {  	s7 =	sld [smem:$0x3FB6]  }
0x2d: {  	s3 =	simm.s32 $0x108;
	s8 =	sld [smem:$0x3FB7]  }
0x2e: {  	s3 =	simm.s32 @!p0 $0x1082;
	s9 =	sld [smem:$0x3FB8]  }
0x2f: {  	lr =	sadd.s32 s0, s3;
	s0 =	sld [smem:$0x3FAF]  }
0x30: {  	s3 =	sld [smem:$0x3FB2]  }
0x31: {  	[smem:$0x3FBB] =	sst s10  }
0x32: {  	s10 =	sld [smem:$0x3FB9];
	_ =	sdelay $0x3  }
0x33: {  	p0 =	seq.s32 s10, $0x1;
	s10 =	sld [smem:$0x3FBB];
	_ =	sdelay $0x3  }
0x34: {  	[smem:$0x3FBB] =	sst s10  }
0x35: {  	s10 =	sld [smem:$0x3FBA];
	_ =	sdelay $0x3  }
0x36: {  	p1 =	seq.s32 s10, $0x1;
	s10 =	sld [smem:$0x3FBB];
	_ =	sdelay $0x3  }
0x37: {  	[smem:$0x3FBB] =	sst s10  }
0x38: {  	s10 =	sld [smem:$0x3FBC]  }
0x39: {  	_ = 	snop;
	(pc) =	sbr.ind lr, $3  }
0x3a: {  	_ = 	snop  }
0x3b: {  	_ = 	snop  }
0x3c: {  	p2 =	seq.s32 s10, $0x1;
	s10 =	sld [smem:$0x3FBB]  }
0x3d: {  	_ =	shalt  }
0x3e: {  	_ =	shalt  }
0x3f: {  	_ =	shalt  }
0x40: {  	_ =	shalt  }
0x41: {  	_ =	shalt  }
0x42: {  	_ =	shalt  }
0x43: {  	_ =	shalt  }
0x44: {  	_ =	shalt  }
0x45: {  	_ =	shalt  }
0x46: {  	_ =	shalt  }
0x47: {  	_ =	shalt  }
0x48: {  	_ =	shalt  }
0x49: {  	_ =	shalt  }
0x4a: {  	_ =	shalt  }
0x4b: {  	_ =	shalt  }
0x4c: {  	_ =	shalt  }
0x4d: {  	_ =	shalt  }
0x4e: {  	_ =	shalt  }
0x4f: {  	_ =	shalt  }
0x50: {  	_ =	shalt  }
0x51: {  	_ =	shalt  }
0x52: {  	_ =	shalt  }
0x53: {  	_ =	shalt  }
0x54: {  	_ =	shalt  }
0x55: {  	_ =	shalt  }
0x56: {  	_ =	shalt  }
0x57: {  	_ =	shalt  }
0x58: {  	_ =	shalt  }
0x59: {  	_ =	shalt  }
0x5a: {  	_ =	shalt  }
0x5b: {  	_ =	shalt  }
0x5c: {  	_ =	shalt  }
0x5d: {  	_ =	shalt  }
0x5e: {  	_ =	shalt  }
0x5f: {  	_ =	shalt  }
0x60: {  	_ =	shalt  }
0x61: {  	_ =	shalt  }
0x62: {  	_ =	shalt  }
0x63: {  	_ =	shalt  }
0x64: {  	_ =	shalt  }
0x65: {  	_ =	shalt  }
0x66: {  	_ =	shalt  }
0x67: {  	_ =	shalt  }
0x68: {  	_ =	shalt  }
0x69: {  	_ =	shalt  }
0x6a: {  	_ =	shalt  }
0x6b: {  	_ =	shalt  }
0x6c: {  	_ =	shalt  }
0x6d: {  	_ =	shalt  }
0x6e: {  	_ =	shalt  }
0x6f: {  	_ =	shalt  }
0x70: {  	_ =	shalt  }
0x71: {  	_ =	shalt  }
0x72: {  	_ =	shalt  }
0x73: {  	_ =	shalt  }
0x74: {  	_ =	shalt  }
0x75: {  	_ =	shalt  }
0x76: {  	_ =	shalt  }
0x77: {  	_ =	shalt  }
0x78: {  	_ =	shalt  }
0x79: {  	_ =	shalt  }
0x7a: {  	_ =	shalt  }
0x7b: {  	_ =	shalt  }
0x7c: {  	_ =	shalt  }
0x7d: {  	_ =	shalt  }
0x7e: {  	_ =	shalt  }
0x7f: {  	_ =	shalt  }
0x80: {  	_ =	shalt  }
0x81: {  	_ =	shalt  }
0x82: {  	_ =	shalt  }
0x83: {  	_ =	shalt  }
0x84: {  	_ =	shalt  }
0x85: {  	_ =	shalt  }
0x86: {  	_ =	shalt  }
0x87: {  	_ =	shalt  }
.Lfunc_end0:
.L_simem_size_0:
called_computation.4_lowered:
.L_overlay_start_0:
0x88: {  	s2 =	sld [smem:$0x3FD9]  }
0x89: {  	s3 =	sld [smem:$0x3FFE];
	_ =	sdelay $0x1  }
0x8a: {  	s1 =	srdreg.scid  }
0x8b: {  	s0 =	sand.u32 $0x1, s1  }
0x8c: {  	s14 =	sshll.u32 s0, $0xA;
	s2 =	sadd.s32 s3, s2  }
0x8d: {  	s2 =	sadd.s32 s2, s14  }
0x8e: {  	[smem:$0x3FC7] =	sst s2  }
0x8f: {  	_ = 	snop  }
0x90: {  	s2 =	sld [smem:$0x3FD0];
	_ =	sdelay $0x2  }
0x91: {  	s15 =	simm.s32 $0xB;
	s4 =	simm.s32 $0x10  }
0x92: {  	[smem:s4], [sflag:s15] =	dma.local [hbm:s2], $0x1  }
0x93: {  	_ =	swait.eq [sflag:s15], $0x1  }
0x94: {  	[sflag:s15] =	ssyncset.done $0x0  }
0x95: {  	s16 =	sld [smem:$0x10];
	[sflag:s15] =	ssyncadd.s32 $0xFFFFFFFF  }
0x96: {  	s17 =	sld [smem:$0x12];
	(tm) =	ssettm $0x1  }
0x97: {  	s18 =	sld [smem:$0x3FFB];
	_ =	sdelay $0x3  }
0x98: {  	_ =	strace s18  }
0x99: {  	s4 =	sld [smem:$0x3FFC];
	_ =	sdelay $0x3  }
0x9a: {  	_ =	strace s4  }
0x9b: {  	s4 =	sld [smem:$0x3FFD];
	_ =	sdelay $0x3  }
0x9c: {  	_ =	strace s4  }
0x9d: {  	_ =	strace $0x8FFFFFFF  }
0x9e: {  	s19 =	sld [smem:$0x3FDB];
	_ =	sdelay $0x1  }
0x9f: {  	s5 =	simm.s32 $_scs_section_size  }
0xa0: {  	s6 =	simm.s32 $_size__tile_overlayer_lowered;
	s7 =	simm.s32 $_tile_overlayer_lowered  }
0xa1: {  	s22 =	simm.s32 $0x1BFF;
	s21 =	sshll.u32 s7, $0x1;
	s4 =	sadd.s32 s5, s19  }
0xa2: {  	s8 =	simm.s32 $0x0;
	s20 =	sshll.u32 s6, $0x1;
	s6 =	sadd.s32 s21, s4  }
0xa3: {  	[timem:s8], [sflag:s22] =	dma.local [hbm:s6], s20  }
0xa4: {  	_ =	swait.ge [sflag:s22], s20  }
0xa5: {  	s5 =	ssub.s32 $0x0, s20;
	[sflag:s22] =	ssyncset.done $0x0  }
0xa6: {  	[sflag:s22] =	ssyncadd.s32 s5;
	_ =	sdelay $0x1  }
0xa7: {  	s23 =	simm.s32 $0x1B8B  }
0xa8: {  	_ =	swait.ge [sflag:s23], $0x1  }
0xa9: {  	[sflag:s23] =	ssyncset.done $0x0  }
0xaa: {  	s25 =	simm.s32 $0x1B8E;
	s24 =	sld [smem:$0x3FFE];
	[sflag:s23] =	ssyncadd.s32 $0xFFFFFFFF  }
0xab: {  	s26 =	simm.s32 $execute0_lowered;
	[smem:$0x3FD2] =	sst s25  }
0xac: {  	s6 =	sshll.u32 s26, $0x1;
	_ =	strace $0x8000004C;
	[dreg:$0x1] =	wrdreg $0xFFFFFFFF  }
0xad: {  	s28 =	simm.s32 $_size_execute0_lowered;
	s4 =	sadd.s32 s4, s6;
	[dreg:$0x0] =	wrdreg $0x0  }
0xae: {  	s6 =	sshll.u32 s28, $0x1;
	[dreg:$0x2] =	wrdreg s4  }
0xaf: {  	[dreg:$0x3] =	wrdreg s6  }
0xb0: {  	[dreg:$0x4] =	wrdreg $0xC0  }
0xb1: {  	_ =	task [dreg:s8], $0x5FFFF  }
0xb2: {  	[dreg:$0x1] =	wrdreg $0xFFFFFFFF  }
0xb3: {  	[dreg:$0x0] =	wrdreg $0x60  }
0xb4: {  	[dreg:$0x2] =	wrdreg s16  }
0xb5: {  	[dreg:$0x3] =	wrdreg s17  }
0xb6: {  	[dreg:$0x4] =	wrdreg s24  }
0xb7: {  	[dreg:$0x5] =	wrdreg $0x9  }
0xb8: {  	_ =	task.clear_ibuf [dreg:s8], $0x6FFFF;
	_ =	strace $0x9000004C  }
0xb9: {  	s29 =	simm.s32 $0x9;
	_ =	strace $0x8000004E  }
0xba: {  	_ =	swait.ge [sflag:s29], $0x1  }
0xbb: {  	[sflag:s29] =	ssyncadd.s32 $0xFFFFFFFF  }
0xbc: {  	_ =	strace $0x9000004E  }
0xbd: {  	_ =	sfence  }
0xbe: {  	s30 =	sld [smem:$0x0];
	_ =	sdelay $0x2  }
0xbf: {  	s31 =	sshll.u32 s1, $0xD;
	s1 =	sshrl.u32 s1, $0x2  }
0xc0: {  	s3 =	sand.u32 $0x4000, s31;
	s1 =	sadd.s32 s1, s30  }
0xc1: {  	s0 =	sor.u32 s3, s0;
	s1 =	sshll.u32 s1, $0x11  }
0xc2: {  	s0 =	sor.u32 s1, s0  }
0xc3: {  	s0 =	sadd.s32 $0x8F2B, s0  }
0xc4: {  	[sflag:s0] =	ssyncadd.remote.s32 $0x1  }
0xc5: {  	_ =	sfence.sel $0xFFFF  }
0xc6: {  	[dreg:$0x0] =	wrdreg $0xFFFFFFFF;
	(pc) =	sbr.abs _section_cstart, $3  }
0xc7: {  	[dreg:$0x1] =	wrdreg $0xFFFFFFFF  }
0xc8: {  	_ =	task.clear_ibuf [dreg:s8], $0x2FFFF;
	_ =	strace $0x9FFFFFFF  }
0xc9: {  	(tm) =	ssettm $0x7FFFFFFF  }
tec
execute0_lowered:
.L_overlay_start_1:
0x0: {  	(tag) =	ssettag $0x1  }
0x1: {  	s1 =	rddreg [dreg:$0x0]  }
0x2: {  	s0 =	srdreg.scid;
	s2 =	rddreg [dreg:$0x1]  }
0x3: {  	s7 =	stileid.u32;
	s4 =	rddreg [dreg:$0x2];
	s3 =	simm.s32 $0x0  }
0x4: {  	s18 =	simm.s32 $0x1000;
	s20 =	simm.s32 $0x100;
	s21 =	simm.s32 $0x1800  }
0x5: {  	s22 =	simm.s32 $0x180;
	s23 =	simm.s32 $0x2000;
	s24 =	simm.s32 $0x200  }
0x6: {  	s25 =	simm.s32 $0x2800;
	s26 =	simm.s32 $0x280;
	s31 =	simm.s32 $0x3000  }
0x7: {  	s8 =	simm.s32 $0x800;
	s9 =	simm.s32 $0x300;
	[smem:$0x7FF] =	sst s3  }
0x8: {  	s10 =	simm.s32 $0x3800;
	_ =	strace $0x8000004D;
	[dreg:$0x5] =	wrdreg s18  }
0x9: {  	s11 =	simm.s32 $0x380;
	s12 =	simm.s32 $0x4000;
	[dreg:$0x6] =	wrdreg s20  }
0xa: {  	s13 =	simm.s32 $0x400;
	s14 =	simm.s32 $0x4800;
	[dreg:$0x7] =	wrdreg s21  }
0xb: {  	s15 =	simm.s32 $0x480;
	s28 =	simm.s32 $0x780;
	[dreg:$0x8] =	wrdreg s22  }
0xc: {  	s29 =	simm.s32 $0x8000;
	s30 =	simm.s32 $0x1;
	[dreg:$0x9] =	wrdreg s23  }
0xd: {  	s0 =	sand.u32 $0x1, s0;
	s5 =	sshll.u32 s7, $0x12;
	[dreg:$0xa] =	wrdreg s24  }
0xe: {  	s16 =	sshll.u32 s7, $0x13;
	s7 =	simm.s32 $0x80;
	[dreg:$0xb] =	wrdreg s25  }
0xf: {  	s6 =	sshll.u32 s0, $0x11;
	s4 =	sadd.s32 s16, s4;
	[dreg:$0xc] =	wrdreg s26  }
0x10: {  	s17 =	ssub.s32 $0x2, s0;
	s0 =	sshll.u32 s0, $0x12;
	[dreg:$0xd] =	wrdreg s31  }
0x11: {  	s16 =	simm.s32 $0x5000;
	s18 =	simm.s32 $0x5800;
	s20 =	simm.s32 $0x6000  }
0x12: {  	s21 =	simm.s32 $0x600;
	s22 =	simm.s32 $0x6800;
	s23 =	simm.s32 $0x680  }
0x13: {  	s24 =	simm.s32 $0x7000;
	s25 =	simm.s32 $0x700;
	s26 =	simm.s32 $0x7800  }
0x14: {  	s5 =	sor.u32 s6, s5;
	s19 =	sshrl.u32 s17, $0x1;
	s0 =	sadd.s32 s0, s4  }
0x15: {  	s6 =	simm.s32 $0x2;
	s5 =	sshrl.u32 s5, $0x3;
	s0 =	sadd.s32 $0xA1200, s0  }
0x16: {  	s2 =	sadd.s32 s5, s2;
	s5 =	ssub.s32 s17, s19;
	[dreg:$0xf] =	wrdreg s0  }
0x17: {  	s17 =	simm.s32 $0x500;
	[dreg:$0x4] =	wrdreg s2;
	s5 =	smax.u32 s5, $0x1  }
0x18: {  	s19 =	simm.s32 $0x580;
	s2 =	simm.s32 $0x0;
	[dreg:$0xe] =	wrdreg s5  }
.LBB2_1:
0x19: {  	s0 =	rddreg [dreg:$0x4]  }
0x1a: {  	[dreg:$0x10] =	wrdreg s2;
	s0 =	sadd.s32 $0x0, s0  }
0x1b: {  	[tilespmem:s3], [sflag:$0x2] =	stream.linear.gather [hbm4b:s0+s3], $0x800, $0x38;
	[tilespmem:$0x8800] =	vst v63  }
0x1c: {  	_ =	swait.ge [sflag:s6], $0x800  }
0x1d: {  	s0 =	rddreg [dreg:$0x6]  }
0x1e: {  	[sflag:s6] =	ssyncset.done $0x0;
	s31 =	rddreg [dreg:$0x5]  }
0x1f: {  	s5 =	rddreg [dreg:$0x7];
	[sflag:s6] =	ssyncadd.s32 $0xFFFFF800  }
0x20: {  	[tilespmem:s8], [sflag:$0x1] =	stream.indirect.gather [hbm4b:s1+s7], $0x10, s3, s7, $0xb8;
	[tilespmem:$0x8800] =	vst v63  }
0x21: {  	s4 =	rddreg [dreg:$0x9]  }
0x22: {  	[tilespmem:s31], [sflag:$0x1] =	stream.indirect.gather [hbm4b:s1+s7], $0x10, s7, s7, $0xb8;
	[tilespmem:$0x8800] =	vst v63  }
0x23: {  	s31 =	rddreg [dreg:$0x8]  }
0x24: {  	[tilespmem:s5], [sflag:$0x1] =	stream.indirect.gather [hbm4b:s1+s7], $0x10, s0, s7, $0xb8;
	[tilespmem:$0x8800] =	vst v63  }
0x25: {  	s0 =	rddreg [dreg:$0xb]  }
0x26: {  	s5 =	rddreg [dreg:$0xa]  }
0x27: {  	[tilespmem:s4], [sflag:$0x1] =	stream.indirect.gather [hbm4b:s1+s7], $0x10, s31, s7, $0xb8;
	[tilespmem:$0x8800] =	vst v63  }
0x28: {  	s4 =	rddreg [dreg:$0xd]  }
0x29: {  	[tilespmem:s0], [sflag:$0x1] =	stream.indirect.gather [hbm4b:s1+s7], $0x10, s5, s7, $0xb8;
	[tilespmem:$0x8800] =	vst v63  }
0x2a: {  	s31 =	rddreg [dreg:$0xc]  }
0x2b: {  	[tilespmem:s4], [sflag:$0x1] =	stream.indirect.gather [hbm4b:s1+s7], $0x10, s31, s7, $0xb8;
	[tilespmem:$0x8800] =	vst v63  }
0x2c: {  	_ = 	snop  }
0x2d: {  	[tilespmem:s10], [sflag:$0x1] =	stream.indirect.gather [hbm4b:s1+s7], $0x10, s9, s7, $0xb8;
	[tilespmem:$0x8800] =	vst v63  }
0x2e: {  	_ = 	snop  }
0x2f: {  	[tilespmem:s12], [sflag:$0x1] =	stream.indirect.gather [hbm4b:s1+s7], $0x10, s11, s7, $0xb8;
	[tilespmem:$0x8800] =	vst v63  }
0x30: {  	_ = 	snop  }
0x31: {  	[tilespmem:s14], [sflag:$0x1] =	stream.indirect.gather [hbm4b:s1+s7], $0x10, s13, s7, $0xb8;
	[tilespmem:$0x8800] =	vst v63  }
0x32: {  	_ = 	snop  }
0x33: {  	[tilespmem:s16], [sflag:$0x1] =	stream.indirect.gather [hbm4b:s1+s7], $0x10, s15, s7, $0xb8;
	[tilespmem:$0x8800] =	vst v63  }
0x34: {  	_ = 	snop  }
0x35: {  	[tilespmem:s18], [sflag:$0x1] =	stream.indirect.gather [hbm4b:s1+s7], $0x10, s17, s7, $0xb8;
	[tilespmem:$0x8800] =	vst v63  }
0x36: {  	_ = 	snop  }
0x37: {  	[tilespmem:s20], [sflag:$0x1] =	stream.indirect.gather [hbm4b:s1+s7], $0x10, s19, s7, $0xb8;
	[tilespmem:$0x8800] =	vst v63  }
0x38: {  	_ = 	snop  }
0x39: {  	[tilespmem:s22], [sflag:$0x1] =	stream.indirect.gather [hbm4b:s1+s7], $0x10, s21, s7, $0xb8;
	[tilespmem:$0x8800] =	vst v63  }
0x3a: {  	_ = 	snop  }
0x3b: {  	[tilespmem:s24], [sflag:$0x1] =	stream.indirect.gather [hbm4b:s1+s7], $0x10, s23, s7, $0xb8;
	[tilespmem:$0x8800] =	vst v63  }
0x3c: {  	_ = 	snop  }
0x3d: {  	[tilespmem:s26], [sflag:$0x1] =	stream.indirect.gather [hbm4b:s1+s7], $0x10, s25, s7, $0xb8;
	[tilespmem:$0x8800] =	vst v63  }
0x3e: {  	_ = 	snop  }
0x3f: {  	[tilespmem:s29], [sflag:$0x1] =	stream.indirect.gather [hbm4b:s1+s7], $0x10, s28, s7, $0xb8;
	[tilespmem:$0x8800] =	vst v63  }
0x40: {  	_ =	swait.ge [sflag:s30], $0x800  }
0x41: {  	[sflag:s30] =	ssyncset.done $0x0  }
0x42: {  	[sflag:s30] =	ssyncadd.s32 $0xFFFFF800  }
0x43: {  	_ =	swait.ge [sflag:s30], $0x800  }
0x44: {  	[sflag:s30] =	ssyncset.done $0x0  }
0x45: {  	[sflag:s30] =	ssyncadd.s32 $0xFFFFF800  }
0x46: {  	_ =	swait.ge [sflag:s30], $0x800  }
0x47: {  	[sflag:s30] =	ssyncset.done $0x0  }
0x48: {  	[sflag:s30] =	ssyncadd.s32 $0xFFFFF800  }
0x49: {  	_ =	swait.ge [sflag:s30], $0x800  }
0x4a: {  	[sflag:s30] =	ssyncset.done $0x0  }
0x4b: {  	[sflag:s30] =	ssyncadd.s32 $0xFFFFF800  }
0x4c: {  	_ =	swait.ge [sflag:s30], $0x800  }
0x4d: {  	[sflag:s30] =	ssyncset.done $0x0  }
0x4e: {  	[sflag:s30] =	ssyncadd.s32 $0xFFFFF800  }
0x4f: {  	_ =	swait.ge [sflag:s30], $0x800  }
0x50: {  	[sflag:s30] =	ssyncset.done $0x0  }
0x51: {  	[sflag:s30] =	ssyncadd.s32 $0xFFFFF800  }
0x52: {  	_ =	swait.ge [sflag:s30], $0x800  }
0x53: {  	[sflag:s30] =	ssyncset.done $0x0  }
0x54: {  	[sflag:s30] =	ssyncadd.s32 $0xFFFFF800  }
0x55: {  	_ =	swait.ge [sflag:s30], $0x800  }
0x56: {  	[sflag:s30] =	ssyncset.done $0x0  }
0x57: {  	[sflag:s30] =	ssyncadd.s32 $0xFFFFF800  }
0x58: {  	_ =	swait.ge [sflag:s30], $0x800  }
0x59: {  	[sflag:s30] =	ssyncset.done $0x0  }
0x5a: {  	[sflag:s30] =	ssyncadd.s32 $0xFFFFF800  }
0x5b: {  	_ =	swait.ge [sflag:s30], $0x800  }
0x5c: {  	[sflag:s30] =	ssyncset.done $0x0  }
0x5d: {  	[sflag:s30] =	ssyncadd.s32 $0xFFFFF800  }
0x5e: {  	_ =	swait.ge [sflag:s30], $0x800  }
0x5f: {  	[sflag:s30] =	ssyncset.done $0x0  }
0x60: {  	[sflag:s30] =	ssyncadd.s32 $0xFFFFF800  }
0x61: {  	_ =	swait.ge [sflag:s30], $0x800  }
0x62: {  	[sflag:s30] =	ssyncset.done $0x0  }
0x63: {  	[sflag:s30] =	ssyncadd.s32 $0xFFFFF800  }
0x64: {  	_ =	swait.ge [sflag:s30], $0x800  }
0x65: {  	[sflag:s30] =	ssyncset.done $0x0  }
0x66: {  	[sflag:s30] =	ssyncadd.s32 $0xFFFFF800  }
0x67: {  	_ =	swait.ge [sflag:s30], $0x800  }
0x68: {  	[sflag:s30] =	ssyncset.done $0x0  }
0x69: {  	[sflag:s30] =	ssyncadd.s32 $0xFFFFF800  }
0x6a: {  	_ =	swait.ge [sflag:s30], $0x800  }
0x6b: {  	[sflag:s30] =	ssyncset.done $0x0  }
0x6c: {  	[sflag:s30] =	ssyncadd.s32 $0xFFFFF800  }
0x6d: {  	_ =	swait.ge [sflag:s30], $0x800  }
0x6e: {  	[sflag:s30] =	ssyncset.done $0x0;
	s5 =	rddreg [dreg:$0xf]  }
0x6f: {  	s2 =	simm.s32 $0x100;
	[sflag:s30] =	ssyncadd.s32 $0xFFFFF800;
	s0 =	sadd.s32 $0x1000, s5  }
.LBB2_2:
0x70: {  	[hbm4b:s5+s3] =	stream.linear.scatter [tilespmem:s8], [sflag:$0x2], $0x8000, $0x38;
	[tilespmem:$0x8800] =	vst v63  }
0x71: {  	_ =	swait.ge [sflag:s6], $0x8000  }
0x72: {  	s4 =	smov.u32 s2;
	s31 =	rddreg [dreg:$0x4];
	[sflag:s6] =	ssyncset.done $0x0  }
0x73: {  	[sflag:s6] =	ssyncadd.s32 $0xFFFF8000;
	s4 =	sadd.s32 s4, s31  }
0x74: {  	[tilespmem:s3], [sflag:$0x2] =	stream.linear.gather [hbm4b:s4+s3], $0x800, $0x38;
	[tilespmem:$0x8800] =	vst v63  }
0x75: {  	_ =	swait.ge [sflag:s6], $0x800  }
0x76: {  	s4 =	rddreg [dreg:$0xd]  }
0x77: {  	s31 =	rddreg [dreg:$0xb]  }
0x78: {  	[sflag:s6] =	ssyncset.done $0x0;
	s9 =	rddreg [dreg:$0x6]  }
0x79: {  	s10 =	rddreg [dreg:$0x5];
	[sflag:s6] =	ssyncadd.s32 $0xFFFFF800  }
0x7a: {  	[tilespmem:s8], [sflag:$0x1] =	stream.indirect.gather [hbm4b:s1+s7], $0x10, s3, s7, $0xb8;
	[tilespmem:$0x8800] =	vst v63  }
0x7b: {  	s11 =	rddreg [dreg:$0x7]  }
0x7c: {  	[tilespmem:s10], [sflag:$0x1] =	stream.indirect.gather [hbm4b:s1+s7], $0x10, s7, s7, $0xb8;
	[tilespmem:$0x8800] =	vst v63  }
0x7d: {  	s12 =	rddreg [dreg:$0x9]  }
0x7e: {  	[tilespmem:s11], [sflag:$0x1] =	stream.indirect.gather [hbm4b:s1+s7], $0x10, s9, s7, $0xb8;
	[tilespmem:$0x8800] =	vst v63  }
0x7f: {  	s10 =	rddreg [dreg:$0x8]  }
0x80: {  	[tilespmem:s12], [sflag:$0x1] =	stream.indirect.gather [hbm4b:s1+s7], $0x10, s10, s7, $0xb8;
	[tilespmem:$0x8800] =	vst v63  }
0x81: {  	s9 =	rddreg [dreg:$0xa]  }
0x82: {  	[tilespmem:s31], [sflag:$0x1] =	stream.indirect.gather [hbm4b:s1+s7], $0x10, s9, s7, $0xb8;
	[tilespmem:$0x8800] =	vst v63  }
0x83: {  	s10 =	rddreg [dreg:$0xc]  }
0x84: {  	[tilespmem:s4], [sflag:$0x1] =	stream.indirect.gather [hbm4b:s1+s7], $0x10, s10, s7, $0xb8;
	[tilespmem:$0x8800] =	vst v63  }
0x85: {  	s9 =	simm.s32 $0x300;
	s10 =	simm.s32 $0x3800  }
0x86: {  	[tilespmem:s10], [sflag:$0x1] =	stream.indirect.gather [hbm4b:s1+s7], $0x10, s9, s7, $0xb8;
	[tilespmem:$0x8800] =	vst v63  }
0x87: {  	s11 =	simm.s32 $0x380;
	s12 =	simm.s32 $0x4000  }
0x88: {  	[tilespmem:s12], [sflag:$0x1] =	stream.indirect.gather [hbm4b:s1+s7], $0x10, s11, s7, $0xb8;
	[tilespmem:$0x8800] =	vst v63  }
0x89: {  	_ = 	snop  }
0x8a: {  	[tilespmem:s14], [sflag:$0x1] =	stream.indirect.gather [hbm4b:s1+s7], $0x10, s13, s7, $0xb8;
	[tilespmem:$0x8800] =	vst v63  }
0x8b: {  	_ = 	snop  }
0x8c: {  	[tilespmem:s16], [sflag:$0x1] =	stream.indirect.gather [hbm4b:s1+s7], $0x10, s15, s7, $0xb8;
	[tilespmem:$0x8800] =	vst v63  }
0x8d: {  	_ = 	snop  }
0x8e: {  	[tilespmem:s18], [sflag:$0x1] =	stream.indirect.gather [hbm4b:s1+s7], $0x10, s17, s7, $0xb8;
	[tilespmem:$0x8800] =	vst v63  }
0x8f: {  	_ = 	snop  }
0x90: {  	[tilespmem:s20], [sflag:$0x1] =	stream.indirect.gather [hbm4b:s1+s7], $0x10, s19, s7, $0xb8;
	[tilespmem:$0x8800] =	vst v63  }
0x91: {  	_ = 	snop  }
0x92: {  	[tilespmem:s22], [sflag:$0x1] =	stream.indirect.gather [hbm4b:s1+s7], $0x10, s21, s7, $0xb8;
	[tilespmem:$0x8800] =	vst v63  }
0x93: {  	_ = 	snop  }
0x94: {  	[tilespmem:s24], [sflag:$0x1] =	stream.indirect.gather [hbm4b:s1+s7], $0x10, s23, s7, $0xb8;
	[tilespmem:$0x8800] =	vst v63  }
0x95: {  	_ = 	snop  }
0x96: {  	[tilespmem:s26], [sflag:$0x1] =	stream.indirect.gather [hbm4b:s1+s7], $0x10, s25, s7, $0xb8;
	[tilespmem:$0x8800] =	vst v63  }
0x97: {  	_ = 	snop  }
0x98: {  	[tilespmem:s29], [sflag:$0x1] =	stream.indirect.gather [hbm4b:s1+s7], $0x10, s28, s7, $0xb8;
	[tilespmem:$0x8800] =	vst v63  }
0x99: {  	_ =	swait.ge [sflag:s30], $0x800  }
0x9a: {  	[sflag:s30] =	ssyncset.done $0x0  }
0x9b: {  	[sflag:s30] =	ssyncadd.s32 $0xFFFFF800  }
0x9c: {  	_ =	swait.ge [sflag:s30], $0x800  }
0x9d: {  	[sflag:s30] =	ssyncset.done $0x0  }
0x9e: {  	[sflag:s30] =	ssyncadd.s32 $0xFFFFF800  }
0x9f: {  	_ =	swait.ge [sflag:s30], $0x800  }
0xa0: {  	[sflag:s30] =	ssyncset.done $0x0  }
0xa1: {  	[sflag:s30] =	ssyncadd.s32 $0xFFFFF800  }
0xa2: {  	_ =	swait.ge [sflag:s30], $0x800  }
0xa3: {  	[sflag:s30] =	ssyncset.done $0x0  }
0xa4: {  	[sflag:s30] =	ssyncadd.s32 $0xFFFFF800  }
0xa5: {  	_ =	swait.ge [sflag:s30], $0x800  }
0xa6: {  	[sflag:s30] =	ssyncset.done $0x0  }
0xa7: {  	[sflag:s30] =	ssyncadd.s32 $0xFFFFF800  }
0xa8: {  	_ =	swait.ge [sflag:s30], $0x800  }
0xa9: {  	[sflag:s30] =	ssyncset.done $0x0  }
0xaa: {  	[sflag:s30] =	ssyncadd.s32 $0xFFFFF800  }
0xab: {  	_ =	swait.ge [sflag:s30], $0x800  }
0xac: {  	[sflag:s30] =	ssyncset.done $0x0  }
0xad: {  	[sflag:s30] =	ssyncadd.s32 $0xFFFFF800  }
0xae: {  	_ =	swait.ge [sflag:s30], $0x800  }
0xaf: {  	[sflag:s30] =	ssyncset.done $0x0  }
0xb0: {  	[sflag:s30] =	ssyncadd.s32 $0xFFFFF800  }
0xb1: {  	_ =	swait.ge [sflag:s30], $0x800  }
0xb2: {  	[sflag:s30] =	ssyncset.done $0x0  }
0xb3: {  	[sflag:s30] =	ssyncadd.s32 $0xFFFFF800  }
0xb4: {  	_ =	swait.ge [sflag:s30], $0x800  }
0xb5: {  	[sflag:s30] =	ssyncset.done $0x0  }
0xb6: {  	[sflag:s30] =	ssyncadd.s32 $0xFFFFF800  }
0xb7: {  	_ =	swait.ge [sflag:s30], $0x800  }
0xb8: {  	[sflag:s30] =	ssyncset.done $0x0  }
0xb9: {  	[sflag:s30] =	ssyncadd.s32 $0xFFFFF800  }
0xba: {  	_ =	swait.ge [sflag:s30], $0x800  }
0xbb: {  	[sflag:s30] =	ssyncset.done $0x0  }
0xbc: {  	[sflag:s30] =	ssyncadd.s32 $0xFFFFF800  }
0xbd: {  	_ =	swait.ge [sflag:s30], $0x800  }
0xbe: {  	[sflag:s30] =	ssyncset.done $0x0  }
0xbf: {  	[sflag:s30] =	ssyncadd.s32 $0xFFFFF800  }
0xc0: {  	_ =	swait.ge [sflag:s30], $0x800  }
0xc1: {  	[sflag:s30] =	ssyncset.done $0x0  }
0xc2: {  	[sflag:s30] =	ssyncadd.s32 $0xFFFFF800  }
0xc3: {  	p0 =	sne.s32 s2, $0x3F00;
	_ =	swait.ge [sflag:s30], $0x800  }
.Ltmp0:
0xc4: {  	[sflag:s30] =	ssyncset.done $0x0;
	(pc) =	sbr.rel @p0 .LBB2_2-.Ltmp0, $4  }
0xc5: {  	[sflag:s30] =	ssyncadd.s32 $0xFFFFF800  }
0xc6: {  	_ =	swait.ge [sflag:s30], $0x800  }
0xc7: {  	s5 =	smov.u32 s0;
	[sflag:s30] =	ssyncset.done $0x0  }
0xc8: {  	s2 =	sadd.s32 $0x100, s2;
	s0 =	sadd.s32 $0x1000, s0;
	[sflag:s30] =	ssyncadd.s32 $0xFFFFF800  }
0xc9: {  	[hbm4b:s5+s3] =	stream.linear.scatter [tilespmem:s8], [sflag:$0x2], $0x8000, $0x38;
	[tilespmem:$0x8800] =	vst v63  }
0xca: {  	_ =	swait.ge [sflag:s6], $0x8000  }
0xcb: {  	s2 =	rddreg [dreg:$0x10]  }
0xcc: {  	s0 =	rddreg [dreg:$0xe];
	s2 =	sadd.s32 $0x1, s2  }
0xcd: {  	p0 =	sne.s32 s2, s0  }
.Ltmp1:
0xce: {  	_ = 	snop;
	(pc) =	sbr.rel @p0 .LBB2_1-.Ltmp1, $3  }
0xcf: {  	_ =	sdelay $0x1  }
0xd0: {  	[sflag:s6] =	ssyncset.done $0x0  }
0xd1: {  	[sflag:s6] =	ssyncadd.s32 $0xFFFF8000  }
0xd2: {  	_ =	sfence.sel $0x180000  }
0xd3: {  	[bflag:$0x0] =	sbarrier.arrive $0xFFFF  }
0xd4: {  	_ =	strace $0x9000004D  }
0xd5: {  	s0 =	stileid.u32;
	[bflag:$0x2] =	sbarrier.arrive $0xFFFF  }
0xd6: {  	p0 =	sne.s32 s0, $0x0;
	s0 =	rddreg [dreg:$0x3]  }
0xd7: {  	s0 =	sadd.s32 @!p0 $0x100000, s0  }
0xd8: {  	[sflag:s0] =	ssyncadd.tile.s32 @!p0 $0x1;
	_ =	shalt  }
.Lfunc_end2:
_tile_overlayer_lowered:
.L_overlay_start_2:
0xd9: {  	(tag) =	ssettag $0x2  }
0xda: {  	s0 =	rddreg [dreg:$0x0];
	s2 =	stileid.u32  }
0xdb: {  	s1 =	rddreg [dreg:$0x1];
	p0 =	sne.s32 s2, $0x0  }
0xdc: {  	s3 =	rddreg [dreg:$0x2];
	[bflag:$0x3] =	sbarrier.arrive $0xFFFF;
	s2 =	simm.s32 @!p0 $0x1C02  }
0xdd: {  	[timem:s3], [sflag:s2] =	dma.local @!p0 [hbm:s0], s1  }
0xde: {  	s0 =	simm.s32 @!p0 $0x2  }
0xdf: {  	_ =	swait.ge @!p0 [sflag:s0], s1  }
0xe0: {  	s1 =	ssub.s32 @!p0 $0x0, s1;
	[sflag:s0] =	ssyncset.done @!p0 $0x0  }
0xe1: {  	[sflag:s0] =	ssyncadd.s32 @!p0 s1  }
0xe2: {  	[bflag:$0x3] =	sbarrier.arrive $0xFFFF  }
0xe3: {  	_ =	shalt  }

// kernel: sparse-core-data-format-call.1.cloned.1.call-start
scs
called_computation.1_lowered:
.L_overlay_start_0:
0x0: {  	s2 =	sld [smem:$0x3FD9]  }
0x1: {  	s3 =	sld [smem:$0x3FFE];
	_ =	sdelay $0x1  }
0x2: {  	s1 =	srdreg.scid  }
0x3: {  	s0 =	sand.u32 $0x1, s1  }
0x4: {  	s15 =	sshll.u32 s0, $0xA;
	s2 =	sadd.s32 s3, s2  }
0x5: {  	s2 =	sadd.s32 s2, s15  }
0x6: {  	[smem:$0x3FC7] =	sst s2  }
0x7: {  	_ = 	snop  }
0x8: {  	s2 =	sld [smem:$0x3FD0];
	_ =	sdelay $0x2  }
0x9: {  	s16 =	simm.s32 $0xB;
	s4 =	simm.s32 $0x10  }
0xa: {  	[smem:s4], [sflag:s16] =	dma.local [hbm:s2], $0x1  }
0xb: {  	_ =	swait.eq [sflag:s16], $0x1  }
0xc: {  	[sflag:s16] =	ssyncset.done $0x0  }
0xd: {  	[sflag:s16] =	ssyncadd.s32 $0xFFFFFFFF  }
0xe: {  	s17 =	sld [smem:$0x10];
	(tm) =	ssettm $0x1  }
0xf: {  	s18 =	sld [smem:$0x3FFB];
	_ =	sdelay $0x3  }
0x10: {  	_ =	strace s18  }
0x11: {  	s3 =	sld [smem:$0x3FFC];
	_ =	sdelay $0x3  }
0x12: {  	_ =	strace s3  }
0x13: {  	s3 =	sld [smem:$0x3FFD];
	_ =	sdelay $0x3  }
0x14: {  	_ =	strace s3  }
0x15: {  	_ =	strace $0x8FFFFFFF  }
0x16: {  	s19 =	sld [smem:$0x3FDB];
	_ =	sdelay $0x1  }
0x17: {  	s20 =	simm.s32 $_scs_section_size  }
0x18: {  	s5 =	simm.s32 $_size__tile_overlayer_lowered;
	s6 =	simm.s32 $_tile_overlayer_lowered  }
0x19: {  	s23 =	simm.s32 $0x1BFF;
	s22 =	sshll.u32 s6, $0x1;
	s3 =	sadd.s32 s20, s19  }
0x1a: {  	s7 =	simm.s32 $0x0;
	s21 =	sshll.u32 s5, $0x1;
	s5 =	sadd.s32 s22, s3  }
0x1b: {  	[timem:s7], [sflag:s23] =	dma.local [hbm:s5], s21  }
0x1c: {  	_ =	swait.ge [sflag:s23], s21  }
0x1d: {  	s4 =	ssub.s32 $0x0, s21;
	[sflag:s23] =	ssyncset.done $0x0  }
0x1e: {  	[sflag:s23] =	ssyncadd.s32 s4;
	_ =	sdelay $0x1  }
0x1f: {  	s24 =	simm.s32 $0x1B8B  }
0x20: {  	_ =	swait.ge [sflag:s24], $0x1  }
0x21: {  	[sflag:s24] =	ssyncset.done $0x0  }
0x22: {  	s26 =	simm.s32 $0x1B8E;
	s25 =	sld [smem:$0x3FFE];
	[sflag:s24] =	ssyncadd.s32 $0xFFFFFFFF  }
0x23: {  	s27 =	simm.s32 $execute0_lowered;
	[smem:$0x3FD2] =	sst s26  }
0x24: {  	s5 =	sshll.u32 s27, $0x1;
	_ =	strace $0x8000004F;
	[dreg:$0x1] =	wrdreg $0xFFFFFFFF  }
0x25: {  	s28 =	simm.s32 $_size_execute0_lowered;
	s3 =	sadd.s32 s3, s5;
	[dreg:$0x0] =	wrdreg $0x0  }
0x26: {  	s5 =	sshll.u32 s28, $0x1;
	[dreg:$0x2] =	wrdreg s3  }
0x27: {  	[dreg:$0x3] =	wrdreg s5  }
0x28: {  	[dreg:$0x4] =	wrdreg $0xC0  }
0x29: {  	_ =	task [dreg:s7], $0x5FFFF  }
0x2a: {  	[dreg:$0x1] =	wrdreg $0xFFFFFFFF  }
0x2b: {  	[dreg:$0x0] =	wrdreg $0x60  }
0x2c: {  	[dreg:$0x2] =	wrdreg s25  }
0x2d: {  	[dreg:$0x3] =	wrdreg s17  }
0x2e: {  	[dreg:$0x4] =	wrdreg $0xA  }
0x2f: {  	_ =	task.clear_ibuf [dreg:s7], $0x5FFFF;
	_ =	strace $0x9000004F  }
0x30: {  	s29 =	simm.s32 $0xA;
	_ =	strace $0x80000051  }
0x31: {  	_ =	swait.ge [sflag:s29], $0x1  }
0x32: {  	[sflag:s29] =	ssyncadd.s32 $0xFFFFFFFF  }
0x33: {  	_ =	strace $0x90000051  }
0x34: {  	_ =	sfence  }
0x35: {  	s30 =	sld [smem:$0x0];
	_ =	sdelay $0x2  }
0x36: {  	s31 =	sshll.u32 s1, $0xD;
	s1 =	sshrl.u32 s1, $0x2  }
0x37: {  	s3 =	sand.u32 $0x4000, s31;
	s1 =	sadd.s32 s1, s30  }
0x38: {  	s0 =	sor.u32 s3, s0;
	s1 =	sshll.u32 s1, $0x11  }
0x39: {  	s0 =	sor.u32 s1, s0  }
0x3a: {  	s0 =	sadd.s32 $0x8F2B, s0  }
0x3b: {  	[sflag:s0] =	ssyncadd.remote.s32 $0x1  }
0x3c: {  	_ =	sfence.sel $0xFFFF  }
0x3d: {  	[dreg:$0x0] =	wrdreg $0xFFFFFFFF;
	(pc) =	sbr.abs _section_cstart, $3  }
0x3e: {  	[dreg:$0x1] =	wrdreg $0xFFFFFFFF  }
0x3f: {  	_ =	task.clear_ibuf [dreg:s7], $0x2FFFF;
	_ =	strace $0x9FFFFFFF  }
0x40: {  	(tm) =	ssettm $0x7FFFFFFF  }
0x41: {  	_ =	shalt  }
tec
execute0_lowered:
.L_overlay_start_1:
0x0: {  	(tag) =	ssettag $0x1  }
0x1: {  	s1 =	rddreg [dreg:$0x0]  }
0x2: {  	s2 =	rddreg [dreg:$0x1]  }
0x3: {  	s0 =	rddreg [dreg:$0x2];
	s4 =	srdreg.scid  }
0x4: {  	_ =	strace $0x80000050;
	s7 =	simm.s32 $0x2;
	s15 =	simm.s32 $0x0  }
0x5: {  	s16 =	simm.s32 $0x0;
	s17 =	simm.s32 $0x0;
	s8 =	simm.s32 $0x0  }
0x6: {  	s10 =	simm.s32 $0x0;
	s12 =	simm.s32 $0x0;
	s11 =	simm.s32 $0x0  }
.Ltmp0:
0x7: {  	s3 =	sadd.s32 $0x48A1200, s1;
	s4 =	sshll.u32 s4, $0x4;
	(pc) =	sbr.rel .LBB1_1-.Ltmp0, $4  }
0x8: {  	s1 =	stileid.u32;
	s5 =	sand.u32 $0x10, s4;
	s4 =	simm.s32 $0x1  }
0x9: {  	s9 =	simm.s32 $0x0;
	s6 =	sor.u32 s1, s5;
	[sflag:s4] =	ssyncpa.u1 $0x0  }
0xa: {  	s5 =	sand.u32 $0x7, s1;
	s6 =	sshrl.u32 s6, $0x3;
	[sflag:s7] =	ssyncpa.u1 $0x0  }
0xb: {  	s7 =	simm.s32 $0x2000;
	s14 =	smov.u32 s5;
	s13 =	smov.u32 s6  }
.LBB1_7:
0xc: {  	p0 =	slt.u32 s9, $0x2;
	s18 =	smov.u32 s17  }
0xd: {  	p1 =	sgt.s32 @!p0 s17, $0x7;
	s19 =	sshra.s32 @!p0 s17, $0x1F;
	s20 =	sshra.s32 @!p0 s16, $0x1F  }
0xe: {  	p1 =	por !p1, p0;
	s17 =	sand.u32 @!p0 s19, s17;
	s19 =	smov.u32 s16  }
0xf: {  	s18 =	simm.s32 @p1 $0x7;
	p1 =	sgt.s32 @!p0 s16, $0x1F;
	s16 =	sand.u32 @!p0 s20, s16  }
0x10: {  	s20 =	sshra.s32 @!p0 s15, $0x1F;
	s17 =	ssub.s32 @!p0 s18, s17;
	p2 =	por !p1, p0  }
0x11: {  	s18 =	sadd.s32 @!p0 $0xFFFFFFF9, s17;
	s19 =	simm.s32 @p2 $0x1F;
	s17 =	ssub.s32 @!p0 $0x8, s17  }
0x12: {  	p2 =	sgt.s32 @!p0 s15, $0x380;
	p1 =	sgt.s32 @!p0 s18, $0x0;
	s16 =	ssub.s32 @!p0 s19, s16  }
0x13: {  	p2 =	por !p2, p0;
	s19 =	smov.u32 s15;
	s15 =	sand.u32 @!p0 s20, s15  }
0x14: {  	s17 =	smul.u32 @!p0 $0x30, s17;
	s18 =	sadd.s32 @!p0 $0xFFFFFFE1, s16;
	s19 =	simm.s32 @p2 $0x380  }
0x15: {  	s16 =	ssub.s32 @!p0 $0x20, s16;
	p2 =	sgt.s32 @!p0 s18, $0x0;
	s15 =	ssub.s32 @!p0 s19, s15  }
0x16: {  	p1 =	por !p1, p0;
	p2 =	por !p2, p0;
	s18 =	sadd.s32 @!p0 $0xFFFFFC80, s15  }
0x17: {  	s17 =	simm.s32 @!p1 $0x0;
	s16 =	simm.s32 @!p2 $0x0;
	p2 =	sgt.s32 @!p0 s18, $0x7F  }
0x18: {  	s15 =	ssub.s32 @!p0 $0x400, s15;
	p1 =	por !p2, p0;
	s16 =	smul.u32 @!p0 s16, s17  }
0x19: {  	s19 =	smov.u32 s13;
	s18 =	sadd.s32 $0x80, s11;
	s15 =	simm.s32 @!p1 $0x0  }
0x1a: {  	p1 =	sgt.s32 s18, $0x3FF;
	s15 =	smul.u32 @!p0 s15, s16;
	s16 =	sadd.s32 $0x4, s13  }
0x1b: {  	s19 =	smov.u32 @p1 s16  }
0x1c: {  	s21 =	smov.u32 s14;
	s16 =	sadd.s32 $0x8, s14;
	p2 =	sgt.s32 s19, $0x1F  }
0x1d: {  	s9 =	sadd.s32 $0x1, s9;
	s21 =	smov.u32 @p2 s16  }
0x1e: {  	s20 =	simm.s32 @!p0 $0x2;
	s18 =	simm.s32 @p1 $0x0;
	p1 =	sgt.s32 s21, $0x7  }
0x1f: {  	s17 =	smov.u32 s12;
	s21 =	smov.u32 @p1 s5;
	p1 =	sne.s32 s9, $0x42  }
.Ltmp1:
0x20: {  	s12 =	smov.u32 s14;
	s15 =	sand.u32 @!p0 $0x3FFFFFF0, s15;
	(pc) =	sbr.rel @!p1 .LBB1_8-.Ltmp1, $4  }
0x21: {  	_ =	swait.ge @!p0 [sflag:s20], s15;
	s22 =	ssub.s32 @!p0 $0x0, s15;
	s15 =	smov.u32 s8  }
0x22: {  	s16 =	smov.u32 s10;
	s19 =	smov.u32 @p2 s6;
	s8 =	smov.u32 s11  }
0x23: {  	s10 =	smov.u32 s13;
	s11 =	smov.u32 s18;
	[sflag:s20] =	ssyncset.done @!p0 $0x0  }
0x24: {  	s13 =	smov.u32 s19;
	[sflag:s20] =	ssyncadd.s32 @!p0 s22;
	s14 =	smov.u32 s21  }
.LBB1_1:
0x25: {  	p0 =	sgt.u32 s9, $0x3F  }
0x26: {  	s18 =	sxor.u32 @!p0 $0xFFFFFFFF, s9;
	s19 =	sshll.u32 @!p0 s14, $0x17  }
0x27: {  	s20 =	sshll.u32 @!p0 s13, $0x12;
	s18 =	sshll.u32 @!p0 s18, $0xE;
	s19 =	sadd.s32 @!p0 s3, s19  }
0x28: {  	s21 =	sshll.u32 @!p0 s11, $0x8;
	s18 =	sand.u32 @!p0 $0x4000, s18;
	s19 =	sadd.s32 @!p0 s20, s19  }
0x29: {  	s20 =	simm.s32 @!p0 $0x8;
	s19 =	sadd.s32 @!p0 s21, s19;
	s21 =	simm.s32 @!p0 $0x80  }
0x2a: {  	[tilespmem:s18], [sflag:$0x1] =	stream.strided.gather @!p0 [hbm4b:s19+s20], $0x4000, s21, s20, $0x38;
	[tilespmem:$0x10100] =	vst v63  }
0x2b: {  	p0 =	seq.s32 s9, $0x0  }
0x2c: {  	p1 =	seq.s32 @!p0 s9, $0x41  }
0x2d: {  	p0 =	por p0, p1  }
.Ltmp2:
0x2e: {  	_ = 	snop;
	(pc) =	sbr.rel @p0 .LBB1_7-.Ltmp2, $1  }
0x2f: {  	_ =	sdelay $0x3  }
0x30: {  	s18 =	sand.u32 $0x1, s9  }
0x31: {  	_ =	swait.ge [sflag:s4], $0x4000;
	s19 =	smul.u32 $0x10200, s18  }
0x32: {  	[sflag:s4] =	ssyncset.done $0x0  }
0x33: {  	[sflag:s4] =	ssyncadd.s32 $0xFFFFC000;
	s20 =	sshrl.u32 s19, $0x2  }
0x34: {  	s19 =	sshll.u32 s18, $0xE;
	s18 =	sor.u32 $0x8000, s20;
	s20 =	simm.s32 $0x0  }
.LBB1_3:
0x35: {  	s21 =	sshll.u32 s20, $0x7  }
0x36: {  	s21 =	sand.u32 $0x3FFFFF80, s21  }
0x37: {  	s21 =	sadd.s32 s21, s19  }
0x38: {  	v0 =	vmov s21;
	_ =	sdelay $0x1  }
0x39: {  	p0 =	por $0x1, $0x1;
	s21 =	simm.s32 $0x0  }
.LBB1_4:
0x3a: {  	s22 =	sshll.u32 s21, $0x3  }
0x3b: {  	s22 =	sand.u32 $0x3FFFFFF8, s22  }
0x3c: {  	s31 =	smul.u32 $0x204, s21;
	v1 =	vld.idx.msk [tilespmem:v0+s22+$0x0 ss:$0x1], $0xff;
	_ =	sdelay $0x1  }
0x3d: {  	s21 =	sshra.s32 s31, $0x2  }
0x3e: {  	s21 =	sadd.s32 s21, s18  }
0x3f: {  	s21 =	sadd.s32 s20, s21  }
0x40: {  	[tilespmem:s21+$0x0 ss:$0x810] =	vst.msk $0xff, v1  }
0x41: {  	v1 =	vld.idx.msk [tilespmem:v0+s22+$0x8 ss:$0x1], $0xff;
	_ =	sdelay $0x4  }
0x42: {  	[tilespmem:s21+$0x81 ss:$0x810] =	vst.msk $0xff, v1  }
0x43: {  	v1 =	vld.idx.msk [tilespmem:v0+s22+$0x10 ss:$0x1], $0xff;
	_ =	sdelay $0x4  }
0x44: {  	[tilespmem:s21+$0x102 ss:$0x810] =	vst.msk $0xff, v1  }
0x45: {  	v1 =	vld.idx.msk [tilespmem:v0+s22+$0x18 ss:$0x1], $0xff;
	_ =	sdelay $0x4  }
0x46: {  	[tilespmem:s21+$0x183 ss:$0x810] =	vst.msk $0xff, v1  }
0x47: {  	v1 =	vld.idx.msk [tilespmem:v0+s22+$0x20 ss:$0x1], $0xff;
	_ =	sdelay $0x4  }
0x48: {  	[tilespmem:s21+$0x204 ss:$0x810] =	vst.msk $0xff, v1  }
0x49: {  	v1 =	vld.idx.msk [tilespmem:v0+s22+$0x28 ss:$0x1], $0xff;
	_ =	sdelay $0x4  }
0x4a: {  	[tilespmem:s21+$0x285 ss:$0x810] =	vst.msk $0xff, v1  }
0x4b: {  	v1 =	vld.idx.msk [tilespmem:v0+s22+$0x30 ss:$0x1], $0xff;
	_ =	sdelay $0x4  }
0x4c: {  	[tilespmem:s21+$0x306 ss:$0x810] =	vst.msk $0xff, v1  }
0x4d: {  	p1 =	por p0, p0;
	v1 =	vld.idx.msk [tilespmem:v0+s22+$0x38 ss:$0x1], $0xff  }
.Ltmp3:
0x4e: {  	_ = 	snop;
	(pc) =	sbr.rel @p1 .LBB1_4-.Ltmp3, $2  }
0x4f: {  	_ =	sdelay $0x2  }
0x50: {  	p0 =	por $0x0, $0x0;
	[tilespmem:s21+$0x387 ss:$0x810] =	vst.msk $0xff, v1;
	s21 =	simm.s32 $0x8  }
0x51: {  	s20 =	sadd.s32 $0x1, s20  }
0x52: {  	p0 =	sne.s32 s20, $0x80  }
.Ltmp4:
0x53: {  	_ = 	snop;
	(pc) =	sbr.rel @p0 .LBB1_3-.Ltmp4, $1  }
0x54: {  	_ =	sdelay $0x3  }
0x55: {  	p0 =	sgt.s32 s12, $0x7;
	s19 =	smov.u32 s12  }
0x56: {  	s20 =	sshra.s32 s12, $0x1F;
	s21 =	sshra.s32 s10, $0x1F;
	s25 =	smul.u32 $0x30000, s12  }
0x57: {  	p1 =	sgt.s32 s8, $0x380;
	s23 =	sshra.s32 s8, $0x1F;
	s26 =	smul.u32 $0x1800, s10  }
0x58: {  	s27 =	sand.u32 $0x780, s8;
	s29 =	sshrl.u32 s8, $0x3;
	s19 =	simm.s32 @!p0 $0x7  }
0x59: {  	s20 =	sand.u32 s20, s12;
	p0 =	sgt.s32 s10, $0x1F;
	s21 =	sand.u32 s21, s10  }
0x5a: {  	s24 =	sand.u32 s23, s8;
	s19 =	ssub.s32 s19, s20;
	s20 =	smov.u32 s10  }
0x5b: {  	s22 =	sadd.s32 $0xFFFFFFF9, s19;
	s20 =	simm.s32 @!p0 $0x1F;
	s19 =	ssub.s32 $0x8, s19  }
0x5c: {  	p0 =	sgt.s32 s22, $0x0;
	s20 =	ssub.s32 s20, s21;
	s22 =	smov.u32 s8  }
0x5d: {  	s19 =	smul.u32 $0x30, s19;
	s21 =	sadd.s32 $0xFFFFFFE1, s20;
	s22 =	simm.s32 @!p1 $0x380  }
0x5e: {  	s20 =	ssub.s32 $0x20, s20;
	p1 =	sgt.s32 s21, $0x0;
	s21 =	ssub.s32 s22, s24  }
0x5f: {  	s19 =	simm.s32 @p0 $0x0;
	s20 =	simm.s32 @p1 $0x0;
	s22 =	sadd.s32 $0xFFFFFC80, s21  }
0x60: {  	s19 =	smul.u32 s20, s19;
	p0 =	sgt.s32 s22, $0x7F;
	s20 =	ssub.s32 $0x400, s21  }
.Ltmp5:
0x61: {  	s28 =	sadd.s32 s2, s25;
	s20 =	simm.s32 @p0 $0x0;
	(pc) =	sbr.rel .LBB1_7-.Ltmp5, $4  }
0x62: {  	s30 =	sand.u32 $0x7, s8;
	s19 =	smul.u32 s20, s19;
	s20 =	sadd.s32 s26, s28  }
0x63: {  	s21 =	sand.u32 $0xF, s29;
	s22 =	sshll.u32 s30, $0x12;
	s20 =	sadd.s32 s27, s20  }
0x64: {  	s31 =	sor.u32 $0x400, s22;
	s19 =	sand.u32 $0x3FFFFFF0, s19;
	s20 =	sadd.s32 s21, s20  }
0x65: {  	[hbm4b:s20+s31] =	stream.strided.scatter [tilespmem:s18], [sflag:$0x2], s19, s7, s31, $0x20;
	[tilespmem:$0x10100] =	vst v63  }
.LBB1_8:
0x66: {  	_ =	sfence.sel $0x180000  }
0x67: {  	s2 =	simm.s32 $0x1;
	[bflag:$0x0] =	sbarrier.arrive $0xFFFF  }
0x68: {  	s31 =	simm.s32 $0x2;
	[sflag:s2] =	ssyncpa.u1 $0x1  }
0x69: {  	[sflag:s31] =	ssyncpa.u1 $0x1  }
0x6a: {  	p0 =	sne.s32 s1, $0x0;
	_ =	strace $0x90000050  }
0x6b: {  	s0 =	sadd.s32 @!p0 $0x100000, s0;
	[bflag:$0x2] =	sbarrier.arrive $0xFFFF  }
0x6c: {  	[sflag:s0] =	ssyncadd.tile.s32 @!p0 $0x1;
	_ =	shalt  }
.Lfunc_end1:
_tile_overlayer_lowered:
.L_overlay_start_2:
0x6d: {  	(tag) =	ssettag $0x2  }
0x6e: {  	s0 =	rddreg [dreg:$0x0];
	s2 =	stileid.u32  }
0x6f: {  	s1 =	rddreg [dreg:$0x1];
	p0 =	sne.s32 s2, $0x0  }
0x70: {  	s3 =	rddreg [dreg:$0x2];
	[bflag:$0x3] =	sbarrier.arrive $0xFFFF;
	s2 =	simm.s32 @!p0 $0x1C01  }
0x71: {  	[timem:s3], [sflag:s2] =	dma.local @!p0 [hbm:s0], s1  }
0x72: {  	s0 =	simm.s32 @!p0 $0x1  }
0x73: {  	_ =	swait.ge @!p0 [sflag:s0], s1  }
0x74: {  	s1 =	ssub.s32 @!p0 $0x0, s1;
	[sflag:s0] =	ssyncset.done @!p0 $0x0  }
0x75: {  	[sflag:s0] =	ssyncadd.s32 @!p0 s1  }
0x76: {  	[bflag:$0x3] =	sbarrier.arrive $0xFFFF  }
0x77: {  	_ =	shalt  }

// kernel: sparse-core-data-format-call.2.cloned.1.call-start
scs
called_computation.2_lowered:
.L_overlay_start_0:
0x0: {  	s2 =	sld [smem:$0x3FD9]  }
0x1: {  	s3 =	sld [smem:$0x3FFE];
	_ =	sdelay $0x1  }
0x2: {  	s1 =	srdreg.scid  }
0x3: {  	s0 =	sand.u32 $0x1, s1  }
0x4: {  	s16 =	sshll.u32 s0, $0xA;
	s2 =	sadd.s32 s3, s2  }
0x5: {  	s2 =	sadd.s32 s2, s16  }
0x6: {  	[smem:$0x3FC7] =	sst s2  }
0x7: {  	_ = 	snop  }
0x8: {  	s2 =	sld [smem:$0x3FD0];
	_ =	sdelay $0x2  }
0x9: {  	s17 =	simm.s32 $0xB;
	s4 =	simm.s32 $0x10  }
0xa: {  	[smem:s4], [sflag:s17] =	dma.local [hbm:s2], $0x1  }
0xb: {  	_ =	swait.eq [sflag:s17], $0x1  }
0xc: {  	[sflag:s17] =	ssyncset.done $0x0  }
0xd: {  	[sflag:s17] =	ssyncadd.s32 $0xFFFFFFFF  }
0xe: {  	s18 =	sld [smem:$0x10];
	(tm) =	ssettm $0x1  }
0xf: {  	s19 =	sld [smem:$0x3FFB];
	_ =	sdelay $0x3  }
0x10: {  	_ =	strace s19  }
0x11: {  	s2 =	sld [smem:$0x3FFC];
	_ =	sdelay $0x3  }
0x12: {  	_ =	strace s2  }
0x13: {  	s2 =	sld [smem:$0x3FFD];
	_ =	sdelay $0x3  }
0x14: {  	_ =	strace s2  }
0x15: {  	_ =	strace $0x8FFFFFFF  }
0x16: {  	s20 =	sld [smem:$0x3FDB];
	_ =	sdelay $0x1  }
0x17: {  	s21 =	simm.s32 $_scs_section_size  }
0x18: {  	s5 =	simm.s32 $_size__tile_overlayer_lowered;
	s6 =	simm.s32 $_tile_overlayer_lowered  }
0x19: {  	s7 =	simm.s32 $0x1BFF;
	s22 =	sshll.u32 s6, $0x1;
	s4 =	sadd.s32 s21, s20  }
0x1a: {  	s23 =	simm.s32 $0x0;
	s5 =	sshll.u32 s5, $0x1;
	s6 =	sadd.s32 s22, s4  }
0x1b: {  	[timem:s23], [sflag:s7] =	dma.local [hbm:s6], s5  }
0x1c: {  	_ =	swait.ge [sflag:s7], s5  }
0x1d: {  	s5 =	ssub.s32 $0x0, s5;
	[sflag:s7] =	ssyncset.done $0x0  }
0x1e: {  	[sflag:s7] =	ssyncadd.s32 s5;
	_ =	sdelay $0x1  }
0x1f: {  	s24 =	simm.s32 $0x1B8B  }
0x20: {  	_ =	swait.ge [sflag:s24], $0x1  }
0x21: {  	[sflag:s24] =	ssyncset.done $0x0  }
0x22: {  	[sflag:s24] =	ssyncadd.s32 $0xFFFFFFFF  }
0x23: {  	s5 =	sld [smem:$0x0]  }
0x24: {  	s6 =	sand.u32 $0xFFFFFFFE, s1  }
0x25: {  	p0 =	sne.s32 s1, s6  }
0x26: {  	s6 =	sshll.u32 @p0 s6, $0xE  }
0x27: {  	s6 =	sadd.s32 @p0 $0x11B8D, s6;
	s7 =	sshll.u32 @p0 s5, $0x11  }
0x28: {  	s6 =	sor.u32 @p0 s7, s6  }
0x29: {  	[sflag:s6] =	ssyncadd.remote.s32 @p0 $0x1;
	_ =	sdelay $0x1  }
0x2a: {  	s6 =	simm.s32 @p0 $0x1B8D  }
0x2b: {  	_ =	swait.eq @p0 [sflag:s6], $0x1  }
0x2c: {  	[sflag:s6] =	ssyncadd.s32 @p0 $0xFFFFFFFF  }
0x2d: {  	s7 =	sshll.u32 @!p0 s1, $0xE  }
0x2e: {  	s7 =	sor.u32 @!p0 $0x4000, s7;
	s6 =	simm.s32 @!p0 $0x1B8D  }
0x2f: {  	s5 =	sshll.u32 @!p0 s5, $0x11;
	s7 =	sadd.s32 @!p0 $0x11B8D, s7;
	_ =	swait.eq @!p0 [sflag:s6], $0x1  }
0x30: {  	s5 =	sor.u32 @!p0 s5, s7;
	[sflag:s6] =	ssyncadd.s32 @!p0 $0xFFFFFFFF  }
0x31: {  	s26 =	simm.s32 $0x1B8E;
	s25 =	sld [smem:$0x3FFE];
	[sflag:s5] =	ssyncadd.remote.s32 @!p0 $0x1  }
0x32: {  	s27 =	simm.s32 $execute0_lowered;
	[smem:$0x3FD2] =	sst s26  }
0x33: {  	s6 =	sshll.u32 s27, $0x1;
	_ =	strace $0x80000049;
	[dreg:$0x1] =	wrdreg $0xFFFFFFFF  }
0x34: {  	s28 =	simm.s32 $_size_execute0_lowered;
	s4 =	sadd.s32 s4, s6;
	[dreg:$0x0] =	wrdreg $0x0  }
0x35: {  	s6 =	sshll.u32 s28, $0x1;
	[dreg:$0x2] =	wrdreg s4  }
0x36: {  	[dreg:$0x3] =	wrdreg s6  }
0x37: {  	[dreg:$0x4] =	wrdreg $0xC0  }
0x38: {  	_ =	task [dreg:s23], $0x5FFFF  }
0x39: {  	[dreg:$0x1] =	wrdreg $0xFFFFFFFF  }
0x3a: {  	[dreg:$0x0] =	wrdreg $0x60  }
0x3b: {  	[dreg:$0x2] =	wrdreg s18  }
0x3c: {  	[dreg:$0x3] =	wrdreg s25  }
0x3d: {  	[dreg:$0x4] =	wrdreg $0x9  }
0x3e: {  	_ =	task.clear_ibuf [dreg:s23], $0x5FFFF;
	_ =	strace $0x90000049  }
0x3f: {  	s29 =	simm.s32 $0x9;
	_ =	strace $0x8000004B  }
0x40: {  	_ =	swait.ge [sflag:s29], $0x1  }
0x41: {  	[sflag:s29] =	ssyncadd.s32 $0xFFFFFFFF  }
0x42: {  	_ =	strace $0x9000004B  }
0x43: {  	_ =	sfence  }
0x44: {  	s30 =	sld [smem:$0x0];
	_ =	sdelay $0x2  }
0x45: {  	s31 =	sshll.u32 s1, $0xD;
	s1 =	sshrl.u32 s1, $0x2  }
0x46: {  	s4 =	sand.u32 $0x4000, s31;
	s1 =	sadd.s32 s1, s30  }
0x47: {  	s0 =	sor.u32 s4, s0;
	s1 =	sshll.u32 s1, $0x11  }
0x48: {  	s0 =	sor.u32 s1, s0  }
0x49: {  	s0 =	sadd.s32 $0x8F2B, s0  }
0x4a: {  	[sflag:s0] =	ssyncadd.remote.s32 $0x1  }
0x4b: {  	_ =	sfence.sel $0xFFFF  }
0x4c: {  	[dreg:$0x0] =	wrdreg $0xFFFFFFFF;
	(pc) =	sbr.abs _section_cstart, $3  }
0x4d: {  	[dreg:$0x1] =	wrdreg $0xFFFFFFFF  }
0x4e: {  	_ =	task.clear_ibuf [dreg:s23], $0x2FFFF;
	_ =	strace $0x9FFFFFFF  }
0x4f: {  	(tm) =	ssettm $0x7FFFFFFF  }
tec
execute0_lowered:
.L_overlay_start_1:
0x0: {  	(tag) =	ssettag $0x1  }
0x1: {  	s0 =	srdreg.scid  }
0x2: {  	s0 =	sshll.u32 s0, $0x4  }
0x3: {  	s1 =	stileid.u32;
	s4 =	rddreg [dreg:$0x0];
	s0 =	sand.u32 $0x10, s0  }
0x4: {  	s31 =	rddreg [dreg:$0x1];
	_ =	strace $0x8000004A;
	s0 =	sor.u32 s1, s0  }
0x5: {  	s3 =	simm.s32 $0x1;
	s5 =	simm.s32 $0x2;
	s6 =	sshll.u32 s0, $0xA  }
0x6: {  	s13 =	simm.s32 $0x0;
	s12 =	simm.s32 $0x0;
	s0 =	ssub.s32 $0x80000, s6  }
0x7: {  	s10 =	simm.s32 $0x0;
	s1 =	sadd.s32 $0x401200, s31;
	s2 =	sand.u32 $0x7C00, s0  }
.Ltmp0:
0x8: {  	p0 =	sne.s32 s2, $0x0;
	s2 =	simm.s32 $0x1;
	(pc) =	sbr.rel .LBB1_1-.Ltmp0, $4  }
0x9: {  	[dreg:$0x4] =	wrdreg s1;
	s0 =	sshrl.u32 s0, $0xF;
	s2 =	simm.s32 @!p0 $0x0  }
0xa: {  	s11 =	simm.s32 $0x0;
	[dreg:$0x3] =	wrdreg s6;
	s7 =	sadd.s32 s2, s0  }
0xb: {  	[sflag:s3] =	ssyncpa.u1 $0x0;
	s8 =	sadd.s32 $0x1, s7;
	[dreg:$0x5] =	wrdreg s7  }
0xc: {  	[sflag:s5] =	ssyncpa.u1 $0x0;
	s9 =	smov.u32 s6;
	[dreg:$0x6] =	wrdreg s8  }
.LBB1_7:
0xd: {  	s0 =	sadd.s32 $0x8000, s9  }
0xe: {  	s2 =	sadd.s32 $0x10, s10;
	s3 =	smov.u32 s10;
	p1 =	sgt.s32 s0, $0x7FFFF  }
0xf: {  	s3 =	smov.u32 @p1 s2  }
0x10: {  	s0 =	smov.u32 @p1 s6;
	p1 =	sgt.s32 s3, $0xF  }
0x11: {  	s3 =	simm.s32 @p1 $0x0;
	p1 =	sne.s32 s11, s8  }
.Ltmp1:
0x12: {  	p0 =	slt.u32 s11, $0x2;
	(pc) =	sbr.rel @!p1 .LBB1_8-.Ltmp1, $4  }
0x13: {  	s1 =	simm.s32 @!p0 $0x2  }
0x14: {  	s13 =	smov.u32 s9;
	_ =	swait.ge @!p0 [sflag:s1], $0x4000  }
0x15: {  	s12 =	smov.u32 s10;
	[sflag:s1] =	ssyncset.done @!p0 $0x0;
	s9 =	smov.u32 s0  }
0x16: {  	s11 =	sadd.s32 $0x1, s11;
	[sflag:s1] =	ssyncadd.s32 @!p0 $0xFFFFC000;
	s10 =	smov.u32 s3  }
.LBB1_1:
0x17: {  	p0 =	sge.u32 s11, s7;
	s31 =	sadd.s32 $0xFFFFFFFF, s11  }
0x18: {  	s0 =	sand.u32 @!p0 $0x78, s9;
	s1 =	sshll.u32 @!p0 s10, $0x13;
	s2 =	sshll.u32 @!p0 s10, $0x7  }
0x19: {  	s5 =	sshll.u32 @!p0 s9, $0x3;
	s1 =	sand.u32 @!p0 $0x400000, s1;
	s2 =	sand.u32 @!p0 $0x380, s2  }
0x1a: {  	s1 =	sadd.s32 @!p0 s1, s5;
	s5 =	sand.u32 @!p0 $0x7FC00, s5;
	s0 =	sor.u32 @!p0 s2, s0  }
0x1b: {  	s2 =	sxor.u32 @!p0 $0xFFFFFFFF, s11;
	s1 =	sand.u32 @!p0 $0x780000, s1;
	s0 =	sor.u32 @!p0 s5, s0  }
0x1c: {  	s2 =	sshll.u32 @!p0 s2, $0xE;
	s0 =	sor.u32 @!p0 s1, s0;
	s1 =	sand.u32 @!p0 $0x7, s9  }
0x1d: {  	s5 =	simm.s32 @!p0 $0x400000;
	s0 =	sshrl.u32 @!p0 s0, $0x3;
	s1 =	sshll.u32 @!p0 s1, $0x12  }
0x1e: {  	s2 =	sand.u32 @!p0 $0x4000, s2;
	s0 =	sadd.s32 @!p0 s4, s0;
	s1 =	sor.u32 @!p0 $0x2000, s1  }
0x1f: {  	[tilespmem:s2], [sflag:$0x1] =	stream.strided.gather @!p0 [hbm4b:s0+s1], $0x4000, s5, s1, $0x38;
	[tilespmem:$0x10800] =	vst v63  }
0x20: {  	p0 =	sge.u32 s31, s7  }
.Ltmp2:
0x21: {  	_ = 	snop;
	(pc) =	sbr.rel @p0 .LBB1_7-.Ltmp2, $1  }
0x22: {  	_ =	sdelay $0x3  }
0x23: {  	[dreg:$0x9] =	wrdreg s13  }
0x24: {  	[dreg:$0x8] =	wrdreg s12;
	s0 =	sand.u32 $0x1, s11  }
0x25: {  	[dreg:$0x7] =	wrdreg s9;
	s2 =	simm.s32 $0x1;
	s1 =	smul.u32 $0x11000, s0  }
0x26: {  	_ =	swait.ge [sflag:s2], $0x4000  }
0x27: {  	s16 =	simm.s32 $0x0;
	[sflag:s2] =	ssyncset.done $0x0;
	s1 =	sshrl.u32 s1, $0x2  }
0x28: {  	s15 =	sshll.u32 s0, $0xE;
	[sflag:s2] =	ssyncadd.s32 $0xFFFFC000;
	s14 =	sor.u32 $0x8000, s1  }
.LBB1_3:
0x29: {  	s0 =	sshll.u32 s16, $0xA  }
0x2a: {  	s1 =	sshll.u32 s16, $0x7;
	s0 =	sand.u32 $0x2000, s0  }
0x2b: {  	s1 =	sand.u32 $0x380, s1;
	s0 =	sadd.s32 s0, s15  }
0x2c: {  	s0 =	sadd.s32 s1, s0  }
0x2d: {  	s17 =	sadd.s32 s16, s14;
	p0 =	por $0x1, $0x1;
	s18 =	simm.s32 $0x0;
	v0 =	vmov s0  }
.LBB1_4:
0x2e: {  	s0 =	smul.u32 $0x44, s18;
	s1 =	sshll.u32 s18, $0x3;
	s2 =	sor.u32 $0x80, s18  }
0x2f: {  	s24 =	sor.u32 $0x90, s18;
	s28 =	sor.u32 $0xA0, s18;
	s6 =	sor.u32 $0xB0, s18  }
0x30: {  	s12 =	sor.u32 $0xC0, s18;
	s13 =	sor.u32 $0xD0, s18;
	s22 =	smul.u32 $0x44, s2  }
0x31: {  	p1 =	por p0, p0;
	s29 =	sand.u32 $0x3FFFFFF8, s1;
	s26 =	smul.u32 $0x44, s24  }
0x32: {  	s23 =	sshll.u32 s2, $0x3;
	s27 =	sshll.u32 s24, $0x3;
	s5 =	smul.u32 $0x44, s28  }
0x33: {  	s4 =	sshll.u32 s28, $0x3;
	s8 =	smul.u32 $0x44, s6;
	s9 =	sshll.u32 s6, $0x3  }
0x34: {  	s24 =	smul.u32 $0x44, s12;
	s2 =	sshll.u32 s12, $0x3;
	s28 =	sor.u32 $0xE0, s18  }
0x35: {  	s0 =	sshra.s32 s0, $0x2;
	s30 =	sand.u32 $0x3FFFFFF8, s23;
	s31 =	sand.u32 $0x1400, s27  }
0x36: {  	s1 =	sand.u32 $0x1400, s4;
	s27 =	sshll.u32 s13, $0x3;
	s4 =	sor.u32 $0x100, s18  }
0x37: {  	s0 =	sadd.s32 s0, s14;
	s25 =	sshra.s32 s22, $0x2;
	s3 =	sshra.s32 s26, $0x2  }
0x38: {  	s7 =	sshra.s32 s5, $0x2;
	s5 =	sshra.s32 s8, $0x2;
	s8 =	sand.u32 $0x1400, s2  }
0x39: {  	s26 =	sshra.s32 s24, $0x2;
	s2 =	sand.u32 $0x1400, s27;
	s27 =	sor.u32 $0xF0, s18  }
0x3a: {  	s6 =	smul.u32 $0x44, s4;
	s4 =	sshll.u32 s4, $0x3;
	v55 =	vld.idx.msk [tilespmem:v0+s31+$0x10 ss:$0x1], $0xffff;
	s31 =	sor.u32 $0x140, s18  }
0x3b: {  	s19 =	sadd.s32 s16, s0;
	s20 =	sadd.s32 s25, s17;
	s21 =	sadd.s32 s3, s17  }
0x3c: {  	s22 =	sadd.s32 s7, s17;
	s0 =	sand.u32 $0x1400, s9;
	s25 =	smul.u32 $0x44, s13  }
0x3d: {  	v1 =	vld.idx.msk [tilespmem:v0+s29+$0x0 ss:$0x1], $0xffff;
	s23 =	sadd.s32 s5, s17;
	s24 =	sadd.s32 s26, s17;
	s26 =	smul.u32 $0x44, s28  }
0x3e: {  	v2 =	vld.idx.msk [tilespmem:v0+s29+$0x10 ss:$0x1], $0xffff;
	s5 =	sshll.u32 s28, $0x3;
	s28 =	smul.u32 $0x44, s27;
	s27 =	sshll.u32 s27, $0x3  }
0x3f: {  	v3 =	vld.idx.msk [tilespmem:v0+s29+$0x20 ss:$0x1], $0xffff;
	s4 =	sand.u32 $0x3FFFFFF8, s4;
	s13 =	sor.u32 $0x120, s18;
	s5 =	sand.u32 $0x1400, s5  }
0x40: {  	v4 =	vld.idx.msk [tilespmem:v0+s29+$0x30 ss:$0x1], $0xffff;
	s7 =	sand.u32 $0x1400, s27;
	s12 =	smul.u32 $0x44, s13;
	s9 =	sshll.u32 s13, $0x3  }
0x41: {  	v5 =	vld.idx.msk [tilespmem:v0+s29+$0x40 ss:$0x1], $0xffff;
	s13 =	sor.u32 $0x130, s18;
	s25 =	sshra.s32 s25, $0x2;
	s26 =	sshra.s32 s26, $0x2  }
0x42: {  	v54 =	vld.idx.msk [tilespmem:v0+s30+$0x0 ss:$0x1], $0xffff;
	s3 =	sshra.s32 s28, $0x2;
	s28 =	sshra.s32 s6, $0x2;
	s25 =	sadd.s32 s25, s17;
	[tilespmem:s19+$0x0 ss:$0x11] =	vst.msk $0xffff, v1  }
0x43: {  	s26 =	sadd.s32 s26, s17;
	s27 =	sadd.s32 s3, s17;
	s3 =	sor.u32 $0x110, s18;
	v1 =	vld.idx.msk [tilespmem:v0+s29+$0x50 ss:$0x1], $0xffff;
	[tilespmem:s19+$0x110 ss:$0x11] =	vst.msk $0xffff, v2  }
0x44: {  	s28 =	sadd.s32 s28, s17;
	v2 =	vld.idx.msk [tilespmem:v0+s29+$0x60 ss:$0x1], $0xffff;
	[tilespmem:s19+$0x220 ss:$0x11] =	vst.msk $0xffff, v3;
	s12 =	sshra.s32 s12, $0x2;
	s6 =	smul.u32 $0x44, s3  }
0x45: {  	v3 =	vld.idx.msk [tilespmem:v0+s29+$0x70 ss:$0x1], $0xffff;
	[tilespmem:s19+$0x330 ss:$0x11] =	vst.msk $0xffff, v4;
	s3 =	sshll.u32 s3, $0x3;
	s30 =	sadd.s32 s12, s17;
	s12 =	smul.u32 $0x44, s31  }
0x46: {  	[tilespmem:s21+$0x0 ss:$0x11] =	vst.msk $0xffff, v55;
	s21 =	sor.u32 $0x170, s18;
	s3 =	sand.u32 $0x1800, s3;
	s6 =	sshra.s32 s6, $0x2  }
0x47: {  	v56 =	vld.idx.msk [tilespmem:v0+s2+$0x50 ss:$0x1], $0xffff;
	[tilespmem:s19+$0x440 ss:$0x11] =	vst.msk $0xffff, v5;
	s12 =	sshra.s32 s12, $0x2;
	s29 =	sadd.s32 s6, s17;
	s6 =	sand.u32 $0x1800, s9  }
0x48: {  	s9 =	smul.u32 $0x44, s13;
	s13 =	sshll.u32 s13, $0x3;
	s2 =	sadd.s32 s12, s17;
	[tilespmem:s19+$0x550 ss:$0x11] =	vst.msk $0xffff, v1;
	v1 =	vld.idx.msk [tilespmem:v0+s1+$0x20 ss:$0x1], $0xffff  }
0x49: {  	s1 =	sand.u32 $0x1800, s13;
	[tilespmem:s19+$0x660 ss:$0x11] =	vst.msk $0xffff, v2;
	v2 =	vld.idx.msk [tilespmem:v0+s0+$0x30 ss:$0x1], $0xffff;
	s13 =	sshll.u32 s31, $0x3;
	s31 =	sor.u32 $0x150, s18  }
0x4a: {  	[tilespmem:s19+$0x770 ss:$0x11] =	vst.msk $0xffff, v3;
	v3 =	vld.idx.msk [tilespmem:v0+s8+$0x40 ss:$0x1], $0xffff;
	s9 =	sshra.s32 s9, $0x2;
	s8 =	sand.u32 $0x1800, s13;
	s19 =	smul.u32 $0x44, s31  }
0x4b: {  	[tilespmem:s20+$0x0 ss:$0x11] =	vst.msk $0xffff, v54;
	s20 =	sshll.u32 s31, $0x3;
	s31 =	sor.u32 $0x160, s18;
	s0 =	sadd.s32 s9, s17  }
0x4c: {  	v57 =	vld.idx.msk [tilespmem:v0+s5+$0x60 ss:$0x1], $0xffff;
	s5 =	sand.u32 $0x1800, s20;
	s12 =	sshra.s32 s19, $0x2;
	s19 =	smul.u32 $0x44, s31  }
0x4d: {  	s20 =	sshll.u32 s31, $0x3;
	s31 =	sor.u32 $0x180, s18;
	[tilespmem:s22+$0x0 ss:$0x11] =	vst.msk $0xffff, v1;
	v1 =	vld.idx.msk [tilespmem:v0+s7+$0x70 ss:$0x1], $0xffff;
	s7 =	sadd.s32 s12, s17  }
0x4e: {  	[tilespmem:s23+$0x0 ss:$0x11] =	vst.msk $0xffff, v2;
	v2 =	vld.idx.msk [tilespmem:v0+s4+$0x0 ss:$0x1], $0xffff;
	s4 =	sand.u32 $0x1800, s20;
	s22 =	sshra.s32 s19, $0x2;
	s23 =	smul.u32 $0x44, s21  }
0x4f: {  	[tilespmem:s24+$0x0 ss:$0x11] =	vst.msk $0xffff, v3;
	v3 =	vld.idx.msk [tilespmem:v0+s3+$0x10 ss:$0x1], $0xffff;
	s24 =	sshll.u32 s21, $0x3;
	s20 =	smul.u32 $0x44, s31;
	s21 =	sshll.u32 s31, $0x3  }
0x50: {  	[tilespmem:s25+$0x0 ss:$0x11] =	vst.msk $0xffff, v56;
	v58 =	vld.idx.msk [tilespmem:v0+s6+$0x20 ss:$0x1], $0xffff;
	s3 =	sadd.s32 s22, s17;
	s6 =	sand.u32 $0x1800, s24;
	s22 =	sor.u32 $0x190, s18  }
0x51: {  	[tilespmem:s26+$0x0 ss:$0x11] =	vst.msk $0xffff, v57;
	v59 =	vld.idx.msk [tilespmem:v0+s1+$0x30 ss:$0x1], $0xffff;
	s19 =	sshra.s32 s23, $0x2;
	s23 =	sand.u32 $0x3FFFFFF8, s21;
	s24 =	sshra.s32 s20, $0x2  }
0x52: {  	s25 =	smul.u32 $0x44, s22;
	s1 =	sadd.s32 s19, s17;
	s19 =	sor.u32 $0x1B0, s18;
	[tilespmem:s27+$0x0 ss:$0x11] =	vst.msk $0xffff, v1;
	v1 =	vld.idx.msk [tilespmem:v0+s8+$0x40 ss:$0x1], $0xffff  }
0x53: {  	s26 =	sshll.u32 s22, $0x3;
	s22 =	sshll.u32 s19, $0x3;
	[tilespmem:s28+$0x0 ss:$0x11] =	vst.msk $0xffff, v2;
	v2 =	vld.idx.msk [tilespmem:v0+s5+$0x50 ss:$0x1], $0xffff;
	s5 =	sadd.s32 s24, s17  }
0x54: {  	s27 =	sor.u32 $0x1A0, s18;
	[tilespmem:s29+$0x0 ss:$0x11] =	vst.msk $0xffff, v3;
	v3 =	vld.idx.msk [tilespmem:v0+s4+$0x60 ss:$0x1], $0xffff;
	s28 =	sand.u32 $0x1C00, s26;
	s29 =	sshra.s32 s25, $0x2  }
0x55: {  	[tilespmem:s30+$0x0 ss:$0x11] =	vst.msk $0xffff, v58;
	v60 =	vld.idx.msk [tilespmem:v0+s6+$0x70 ss:$0x1], $0xffff;
	s24 =	sand.u32 $0x1C00, s22;
	s25 =	sor.u32 $0x1C0, s18;
	s26 =	smul.u32 $0x44, s19  }
0x56: {  	[tilespmem:s0+$0x0 ss:$0x11] =	vst.msk $0xffff, v59;
	v61 =	vld.idx.msk [tilespmem:v0+s23+$0x0 ss:$0x1], $0xffff;
	s31 =	smul.u32 $0x44, s27;
	s6 =	sadd.s32 s29, s17;
	s13 =	sshll.u32 s27, $0x3  }
0x57: {  	s27 =	sshll.u32 s25, $0x3;
	s19 =	smul.u32 $0x44, s25;
	s20 =	sand.u32 $0x1C00, s13;
	[tilespmem:s2+$0x0 ss:$0x11] =	vst.msk $0xffff, v1;
	v1 =	vld.idx.msk [tilespmem:v0+s28+$0x10 ss:$0x1], $0xffff  }
0x58: {  	s29 =	sand.u32 $0x1C00, s27;
	s21 =	sshra.s32 s31, $0x2;
	[tilespmem:s7+$0x0 ss:$0x11] =	vst.msk $0xffff, v2;
	v2 =	vld.idx.msk [tilespmem:v0+s20+$0x20 ss:$0x1], $0xffff;
	s28 =	sor.u32 $0x1D0, s18  }
0x59: {  	s31 =	sor.u32 $0x1E0, s18;
	s23 =	sadd.s32 s21, s17;
	[tilespmem:s3+$0x0 ss:$0x11] =	vst.msk $0xffff, v3;
	v3 =	vld.idx.msk [tilespmem:v0+s24+$0x30 ss:$0x1], $0xffff;
	s30 =	sshll.u32 s28, $0x3  }
0x5a: {  	[tilespmem:s1+$0x0 ss:$0x11] =	vst.msk $0xffff, v60;
	v62 =	vld.idx.msk [tilespmem:v0+s29+$0x40 ss:$0x1], $0xffff;
	s13 =	sshll.u32 s31, $0x3;
	s18 =	sor.u32 $0x1F0, s18;
	s12 =	sand.u32 $0x1C00, s30  }
0x5b: {  	[tilespmem:s5+$0x0 ss:$0x11] =	vst.msk $0xffff, v61;
	s20 =	sand.u32 $0x1C00, s13;
	s24 =	smul.u32 $0x44, s31;
	s21 =	sshll.u32 s18, $0x3;
	v63 =	vld.idx.msk [tilespmem:v0+s12+$0x50 ss:$0x1], $0xffff  }
0x5c: {  	s0 =	sshra.s32 s26, $0x2;
	s22 =	smul.u32 $0x44, s28;
	s3 =	sand.u32 $0x1C00, s21;
	[tilespmem:s6+$0x0 ss:$0x11] =	vst.msk $0xffff, v1;
	v1 =	vld.idx.msk [tilespmem:v0+s20+$0x60 ss:$0x1], $0xffff  }
0x5d: {  	s0 =	sadd.s32 s0, s17;
	s26 =	smul.u32 $0x44, s18;
	[tilespmem:s23+$0x0 ss:$0x11] =	vst.msk $0xffff, v2;
	v2 =	vld.idx.msk [tilespmem:v0+s3+$0x70 ss:$0x1], $0xffff;
	s23 =	sshra.s32 s19, $0x2  }
.Ltmp3:
0x5e: {  	s1 =	sshra.s32 s22, $0x2;
	[tilespmem:s0+$0x0 ss:$0x11] =	vst.msk $0xffff, v3;
	s25 =	sadd.s32 s23, s17;
	(pc) =	sbr.rel @p1 .LBB1_4-.Ltmp3, $4  }
0x5f: {  	s28 =	sshra.s32 s24, $0x2;
	s27 =	sadd.s32 s1, s17;
	[tilespmem:s25+$0x0 ss:$0x11] =	vst.msk $0xffff, v62  }
0x60: {  	s29 =	sadd.s32 s28, s17;
	s30 =	sshra.s32 s26, $0x2;
	[tilespmem:s27+$0x0 ss:$0x11] =	vst.msk $0xffff, v63  }
0x61: {  	s31 =	sadd.s32 s30, s17;
	[tilespmem:s29+$0x0 ss:$0x11] =	vst.msk $0xffff, v1  }
0x62: {  	p0 =	por $0x0, $0x0;
	s18 =	simm.s32 $0x200;
	[tilespmem:s31+$0x0 ss:$0x11] =	vst.msk $0xffff, v2  }
0x63: {  	s16 =	sadd.s32 $0x1, s16  }
0x64: {  	p0 =	sne.s32 s16, $0x10  }
.Ltmp4:
0x65: {  	_ = 	snop;
	(pc) =	sbr.rel @p0 .LBB1_3-.Ltmp4, $1  }
0x66: {  	_ =	sdelay $0x3  }
0x67: {  	s0 =	rddreg [dreg:$0x9]  }
0x68: {  	s3 =	rddreg [dreg:$0x8]  }
0x69: {  	s29 =	rddreg [dreg:$0x4]  }
0x6a: {  	s31 =	simm.s32 $0x80;
	s4 =	rddreg [dreg:$0x0]  }
0x6b: {  	s6 =	rddreg [dreg:$0x3];
	s0 =	sshll.u32 s0, $0x7;
	s1 =	sshll.u32 s3, $0x3  }
0x6c: {  	s7 =	rddreg [dreg:$0x5];
	s2 =	sand.u32 $0x3FFFC00, s0;
	s1 =	sand.u32 $0x3FFFC00, s1  }
0x6d: {  	s8 =	rddreg [dreg:$0x6];
	s0 =	sand.u32 $0x380, s0;
	s1 =	sadd.s32 s1, s2  }
.Ltmp5:
0x6e: {  	s27 =	sshrl.u32 s3, $0x3;
	s0 =	sor.u32 s0, s1;
	(pc) =	sbr.rel .LBB1_7-.Ltmp5, $4  }
0x6f: {  	s28 =	sand.u32 $0x7, s3;
	s1 =	sand.u32 $0xF, s27;
	s0 =	sshrl.u32 s0, $0x3  }
0x70: {  	s2 =	sshll.u32 s28, $0x12;
	s1 =	sadd.s32 s29, s1;
	s0 =	sand.u32 $0x7FFFF0, s0  }
0x71: {  	s9 =	rddreg [dreg:$0x7];
	s30 =	sor.u32 $0x10, s2;
	s0 =	sadd.s32 s0, s1  }
0x72: {  	[hbm4b:s0+s30] =	stream.strided.scatter [tilespmem:s14], [sflag:$0x2], $0x4000, s31, s30, $0x8;
	[tilespmem:$0x10800] =	vst v63  }
.LBB1_8:
0x73: {  	_ =	sfence.sel $0x180000  }
0x74: {  	s0 =	simm.s32 $0x1;
	[bflag:$0x0] =	sbarrier.arrive $0xFFFF  }
0x75: {  	s30 =	simm.s32 $0x2;
	[sflag:s0] =	ssyncpa.u1 $0x1  }
0x76: {  	[sflag:s30] =	ssyncpa.u1 $0x1  }
0x77: {  	_ =	strace $0x9000004A  }
0x78: {  	s31 =	stileid.u32;
	[bflag:$0x2] =	sbarrier.arrive $0xFFFF  }
0x79: {  	p0 =	sne.s32 s31, $0x0;
	s0 =	rddreg [dreg:$0x2]  }
0x7a: {  	s0 =	sadd.s32 @!p0 $0x100000, s0  }
0x7b: {  	[sflag:s0] =	ssyncadd.tile.s32 @!p0 $0x1;
	_ =	shalt  }
.Lfunc_end1:
_tile_overlayer_lowered:
.L_overlay_start_2:
0x7c: {  	(tag) =	ssettag $0x2  }
0x7d: {  	s0 =	rddreg [dreg:$0x0];
	s2 =	stileid.u32  }
0x7e: {  	s1 =	rddreg [dreg:$0x1];
	p0 =	sne.s32 s2, $0x0  }
0x7f: {  	s3 =	rddreg [dreg:$0x2];
	[bflag:$0x3] =	sbarrier.arrive $0xFFFF;
	s2 =	simm.s32 @!p0 $0x1C01  }
0x80: {  	[timem:s3], [sflag:s2] =	dma.local @!p0 [hbm:s0], s1  }
0x81: {  	s0 =	simm.s32 @!p0 $0x1  }
0x82: {  	_ =	swait.ge @!p0 [sflag:s0], s1  }
0x83: {  	s1 =	ssub.s32 @!p0 $0x0, s1;
	[sflag:s0] =	ssyncset.done @!p0 $0x0  }
0x84: {  	[sflag:s0] =	ssyncadd.s32 @!p0 s1  }
0x85: {  	[bflag:$0x3] =	sbarrier.arrive $0xFFFF  }
0x86: {  	_ =	shalt  }

// kernel: sparse-core-data-format-call.cloned.1.call-start
scs
called_computation_lowered:
.L_overlay_start_0:
0x0: {  	s2 =	sld [smem:$0x3FD9]  }
0x1: {  	s3 =	sld [smem:$0x3FFE];
	_ =	sdelay $0x1  }
0x2: {  	s1 =	srdreg.scid  }
0x3: {  	s0 =	sand.u32 $0x1, s1  }
0x4: {  	s16 =	sshll.u32 s0, $0xA;
	s2 =	sadd.s32 s3, s2  }
0x5: {  	s2 =	sadd.s32 s2, s16  }
0x6: {  	[smem:$0x3FC7] =	sst s2  }
0x7: {  	_ = 	snop  }
0x8: {  	s2 =	sld [smem:$0x3FD0];
	_ =	sdelay $0x2  }
0x9: {  	s17 =	simm.s32 $0xB;
	s4 =	simm.s32 $0x10  }
0xa: {  	[smem:s4], [sflag:s17] =	dma.local [hbm:s2], $0x1  }
0xb: {  	_ =	swait.eq [sflag:s17], $0x1  }
0xc: {  	[sflag:s17] =	ssyncset.done $0x0  }
0xd: {  	[sflag:s17] =	ssyncadd.s32 $0xFFFFFFFF  }
0xe: {  	s18 =	sld [smem:$0x11];
	(tm) =	ssettm $0x1  }
0xf: {  	s19 =	sld [smem:$0x3FFB];
	_ =	sdelay $0x3  }
0x10: {  	_ =	strace s19  }
0x11: {  	s2 =	sld [smem:$0x3FFC];
	_ =	sdelay $0x3  }
0x12: {  	_ =	strace s2  }
0x13: {  	s2 =	sld [smem:$0x3FFD];
	_ =	sdelay $0x3  }
0x14: {  	_ =	strace s2  }
0x15: {  	_ =	strace $0x8FFFFFFF  }
0x16: {  	s20 =	sld [smem:$0x3FDB];
	_ =	sdelay $0x1  }
0x17: {  	s21 =	simm.s32 $_scs_section_size  }
0x18: {  	s5 =	simm.s32 $_size__tile_overlayer_lowered;
	s6 =	simm.s32 $_tile_overlayer_lowered  }
0x19: {  	s7 =	simm.s32 $0x1BFF;
	s22 =	sshll.u32 s6, $0x1;
	s4 =	sadd.s32 s21, s20  }
0x1a: {  	s23 =	simm.s32 $0x0;
	s5 =	sshll.u32 s5, $0x1;
	s6 =	sadd.s32 s22, s4  }
0x1b: {  	[timem:s23], [sflag:s7] =	dma.local [hbm:s6], s5  }
0x1c: {  	_ =	swait.ge [sflag:s7], s5  }
0x1d: {  	s5 =	ssub.s32 $0x0, s5;
	[sflag:s7] =	ssyncset.done $0x0  }
0x1e: {  	[sflag:s7] =	ssyncadd.s32 s5;
	_ =	sdelay $0x1  }
0x1f: {  	s24 =	simm.s32 $0x1B8B  }
0x20: {  	_ =	swait.ge [sflag:s24], $0x1  }
0x21: {  	[sflag:s24] =	ssyncset.done $0x0  }
0x22: {  	[sflag:s24] =	ssyncadd.s32 $0xFFFFFFFF  }
0x23: {  	s5 =	sld [smem:$0x0]  }
0x24: {  	s6 =	sand.u32 $0xFFFFFFFE, s1  }
0x25: {  	p0 =	sne.s32 s1, s6  }
0x26: {  	s6 =	sshll.u32 @p0 s6, $0xE  }
0x27: {  	s6 =	sadd.s32 @p0 $0x11B8D, s6;
	s7 =	sshll.u32 @p0 s5, $0x11  }
0x28: {  	s6 =	sor.u32 @p0 s7, s6  }
0x29: {  	[sflag:s6] =	ssyncadd.remote.s32 @p0 $0x1;
	_ =	sdelay $0x1  }
0x2a: {  	s6 =	simm.s32 @p0 $0x1B8D  }
0x2b: {  	_ =	swait.eq @p0 [sflag:s6], $0x1  }
0x2c: {  	[sflag:s6] =	ssyncadd.s32 @p0 $0xFFFFFFFF  }
0x2d: {  	s7 =	sshll.u32 @!p0 s1, $0xE  }
0x2e: {  	s7 =	sor.u32 @!p0 $0x4000, s7;
	s6 =	simm.s32 @!p0 $0x1B8D  }
0x2f: {  	s5 =	sshll.u32 @!p0 s5, $0x11;
	s7 =	sadd.s32 @!p0 $0x11B8D, s7;
	_ =	swait.eq @!p0 [sflag:s6], $0x1  }
0x30: {  	s5 =	sor.u32 @!p0 s5, s7;
	[sflag:s6] =	ssyncadd.s32 @!p0 $0xFFFFFFFF  }
0x31: {  	s26 =	simm.s32 $0x1B8E;
	s25 =	sld [smem:$0x3FFE];
	[sflag:s5] =	ssyncadd.remote.s32 @!p0 $0x1  }
0x32: {  	s27 =	simm.s32 $execute0_lowered;
	[smem:$0x3FD2] =	sst s26  }
0x33: {  	s6 =	sshll.u32 s27, $0x1;
	_ =	strace $0x80000052;
	[dreg:$0x1] =	wrdreg $0xFFFFFFFF  }
0x34: {  	s28 =	simm.s32 $_size_execute0_lowered;
	s4 =	sadd.s32 s4, s6;
	[dreg:$0x0] =	wrdreg $0x0  }
0x35: {  	s6 =	sshll.u32 s28, $0x1;
	[dreg:$0x2] =	wrdreg s4  }
0x36: {  	[dreg:$0x3] =	wrdreg s6  }
0x37: {  	[dreg:$0x4] =	wrdreg $0xC0  }
0x38: {  	_ =	task [dreg:s23], $0x5FFFF  }
0x39: {  	[dreg:$0x1] =	wrdreg $0xFFFFFFFF  }
0x3a: {  	[dreg:$0x0] =	wrdreg $0x60  }
0x3b: {  	[dreg:$0x2] =	wrdreg s25  }
0x3c: {  	[dreg:$0x3] =	wrdreg s18  }
0x3d: {  	[dreg:$0x4] =	wrdreg $0x9  }
0x3e: {  	_ =	task.clear_ibuf [dreg:s23], $0x5FFFF;
	_ =	strace $0x90000052  }
0x3f: {  	s29 =	simm.s32 $0x9;
	_ =	strace $0x80000054  }
0x40: {  	_ =	swait.ge [sflag:s29], $0x1  }
0x41: {  	[sflag:s29] =	ssyncadd.s32 $0xFFFFFFFF  }
0x42: {  	_ =	strace $0x90000054  }
0x43: {  	_ =	sfence  }
0x44: {  	s30 =	sld [smem:$0x0];
	_ =	sdelay $0x2  }
0x45: {  	s31 =	sshll.u32 s1, $0xD;
	s1 =	sshrl.u32 s1, $0x2  }
0x46: {  	s4 =	sand.u32 $0x4000, s31;
	s1 =	sadd.s32 s1, s30  }
0x47: {  	s0 =	sor.u32 s4, s0;
	s1 =	sshll.u32 s1, $0x11  }
0x48: {  	s0 =	sor.u32 s1, s0  }
0x49: {  	s0 =	sadd.s32 $0x8F2B, s0  }
0x4a: {  	[sflag:s0] =	ssyncadd.remote.s32 $0x1  }
0x4b: {  	_ =	sfence.sel $0xFFFF  }
0x4c: {  	[dreg:$0x0] =	wrdreg $0xFFFFFFFF;
	(pc) =	sbr.abs _section_cstart, $3  }
0x4d: {  	[dreg:$0x1] =	wrdreg $0xFFFFFFFF  }
0x4e: {  	_ =	task.clear_ibuf [dreg:s23], $0x2FFFF;
	_ =	strace $0x9FFFFFFF  }
0x4f: {  	(tm) =	ssettm $0x7FFFFFFF  }
tec
execute0_lowered:
.L_overlay_start_1:
0x0: {  	(tag) =	ssettag $0x1  }
0x1: {  	s1 =	rddreg [dreg:$0x0]  }
0x2: {  	s2 =	rddreg [dreg:$0x1]  }
0x3: {  	s0 =	rddreg [dreg:$0x2];
	s4 =	srdreg.scid  }
0x4: {  	_ =	strace $0x80000053;
	s7 =	simm.s32 $0x2;
	s15 =	simm.s32 $0x0  }
0x5: {  	s16 =	simm.s32 $0x0;
	s17 =	simm.s32 $0x0;
	s8 =	simm.s32 $0x0  }
0x6: {  	s10 =	simm.s32 $0x0;
	s12 =	simm.s32 $0x0;
	s11 =	simm.s32 $0x0  }
.Ltmp0:
0x7: {  	s3 =	sadd.s32 $0x88A1200, s1;
	s4 =	sshll.u32 s4, $0x4;
	(pc) =	sbr.rel .LBB1_1-.Ltmp0, $4  }
0x8: {  	s1 =	stileid.u32;
	s5 =	sand.u32 $0x10, s4;
	s4 =	simm.s32 $0x1  }
0x9: {  	s9 =	simm.s32 $0x0;
	s6 =	sor.u32 s1, s5;
	[sflag:s4] =	ssyncpa.u1 $0x0  }
0xa: {  	s5 =	sand.u32 $0x7, s1;
	s6 =	sshrl.u32 s6, $0x3;
	[sflag:s7] =	ssyncpa.u1 $0x0  }
0xb: {  	s7 =	simm.s32 $0x2000;
	s14 =	smov.u32 s5;
	s13 =	smov.u32 s6  }
.LBB1_7:
0xc: {  	p0 =	slt.u32 s9, $0x2;
	s18 =	smov.u32 s17  }
0xd: {  	p1 =	sgt.s32 @!p0 s17, $0x7;
	s19 =	sshra.s32 @!p0 s17, $0x1F;
	s20 =	sshra.s32 @!p0 s16, $0x1F  }
0xe: {  	p1 =	por !p1, p0;
	s17 =	sand.u32 @!p0 s19, s17;
	s19 =	smov.u32 s16  }
0xf: {  	s18 =	simm.s32 @p1 $0x7;
	p1 =	sgt.s32 @!p0 s16, $0x1F;
	s16 =	sand.u32 @!p0 s20, s16  }
0x10: {  	s20 =	sshra.s32 @!p0 s15, $0x1F;
	s17 =	ssub.s32 @!p0 s18, s17;
	p2 =	por !p1, p0  }
0x11: {  	s18 =	sadd.s32 @!p0 $0xFFFFFFF9, s17;
	s19 =	simm.s32 @p2 $0x1F;
	s17 =	ssub.s32 @!p0 $0x8, s17  }
0x12: {  	p2 =	sgt.s32 @!p0 s15, $0x380;
	p1 =	sgt.s32 @!p0 s18, $0x0;
	s16 =	ssub.s32 @!p0 s19, s16  }
0x13: {  	p2 =	por !p2, p0;
	s19 =	smov.u32 s15;
	s15 =	sand.u32 @!p0 s20, s15  }
0x14: {  	s17 =	smul.u32 @!p0 $0x30, s17;
	s18 =	sadd.s32 @!p0 $0xFFFFFFE1, s16;
	s19 =	simm.s32 @p2 $0x380  }
0x15: {  	s16 =	ssub.s32 @!p0 $0x20, s16;
	p2 =	sgt.s32 @!p0 s18, $0x0;
	s15 =	ssub.s32 @!p0 s19, s15  }
0x16: {  	p1 =	por !p1, p0;
	p2 =	por !p2, p0;
	s18 =	sadd.s32 @!p0 $0xFFFFFC80, s15  }
0x17: {  	s17 =	simm.s32 @!p1 $0x0;
	s16 =	simm.s32 @!p2 $0x0;
	p2 =	sgt.s32 @!p0 s18, $0x7F  }
0x18: {  	s15 =	ssub.s32 @!p0 $0x400, s15;
	p1 =	por !p2, p0;
	s16 =	smul.u32 @!p0 s16, s17  }
0x19: {  	s19 =	smov.u32 s13;
	s18 =	sadd.s32 $0x80, s11;
	s15 =	simm.s32 @!p1 $0x0  }
0x1a: {  	p1 =	sgt.s32 s18, $0x3FF;
	s15 =	smul.u32 @!p0 s15, s16;
	s16 =	sadd.s32 $0x4, s13  }
0x1b: {  	s19 =	smov.u32 @p1 s16  }
0x1c: {  	s21 =	smov.u32 s14;
	s16 =	sadd.s32 $0x8, s14;
	p2 =	sgt.s32 s19, $0x1F  }
0x1d: {  	s9 =	sadd.s32 $0x1, s9;
	s21 =	smov.u32 @p2 s16  }
0x1e: {  	s20 =	simm.s32 @!p0 $0x2;
	s18 =	simm.s32 @p1 $0x0;
	p1 =	sgt.s32 s21, $0x7  }
0x1f: {  	s17 =	smov.u32 s12;
	s21 =	smov.u32 @p1 s5;
	p1 =	sne.s32 s9, $0x42  }
.Ltmp1:
0x20: {  	s12 =	smov.u32 s14;
	s15 =	sand.u32 @!p0 $0x3FFFFFF0, s15;
	(pc) =	sbr.rel @!p1 .LBB1_8-.Ltmp1, $4  }
0x21: {  	_ =	swait.ge @!p0 [sflag:s20], s15;
	s22 =	ssub.s32 @!p0 $0x0, s15;
	s15 =	smov.u32 s8  }
0x22: {  	s16 =	smov.u32 s10;
	s19 =	smov.u32 @p2 s6;
	s8 =	smov.u32 s11  }
0x23: {  	s10 =	smov.u32 s13;
	s11 =	smov.u32 s18;
	[sflag:s20] =	ssyncset.done @!p0 $0x0  }
0x24: {  	s13 =	smov.u32 s19;
	[sflag:s20] =	ssyncadd.s32 @!p0 s22;
	s14 =	smov.u32 s21  }
.LBB1_1:
0x25: {  	p0 =	sgt.u32 s9, $0x3F  }
0x26: {  	s18 =	sxor.u32 @!p0 $0xFFFFFFFF, s9;
	s19 =	sshll.u32 @!p0 s14, $0x17  }
0x27: {  	s20 =	sshll.u32 @!p0 s13, $0x12;
	s18 =	sshll.u32 @!p0 s18, $0xE;
	s19 =	sadd.s32 @!p0 s3, s19  }
0x28: {  	s21 =	sshll.u32 @!p0 s11, $0x8;
	s18 =	sand.u32 @!p0 $0x4000, s18;
	s19 =	sadd.s32 @!p0 s20, s19  }
0x29: {  	s20 =	simm.s32 @!p0 $0x8;
	s19 =	sadd.s32 @!p0 s21, s19;
	s21 =	simm.s32 @!p0 $0x80  }
0x2a: {  	[tilespmem:s18], [sflag:$0x1] =	stream.strided.gather @!p0 [hbm4b:s19+s20], $0x4000, s21, s20, $0x38;
	[tilespmem:$0x10100] =	vst v63  }
0x2b: {  	p0 =	seq.s32 s9, $0x0  }
0x2c: {  	p1 =	seq.s32 @!p0 s9, $0x41  }
0x2d: {  	p0 =	por p0, p1  }
.Ltmp2:
0x2e: {  	_ = 	snop;
	(pc) =	sbr.rel @p0 .LBB1_7-.Ltmp2, $1  }
0x2f: {  	_ =	sdelay $0x3  }
0x30: {  	s18 =	sand.u32 $0x1, s9  }
0x31: {  	_ =	swait.ge [sflag:s4], $0x4000;
	s19 =	smul.u32 $0x10200, s18  }
0x32: {  	[sflag:s4] =	ssyncset.done $0x0  }
0x33: {  	[sflag:s4] =	ssyncadd.s32 $0xFFFFC000;
	s20 =	sshrl.u32 s19, $0x2  }
0x34: {  	s19 =	sshll.u32 s18, $0xE;
	s18 =	sor.u32 $0x8000, s20;
	s20 =	simm.s32 $0x0  }
.LBB1_3:
0x35: {  	s21 =	sshll.u32 s20, $0x7  }
0x36: {  	s21 =	sand.u32 $0x3FFFFF80, s21  }
0x37: {  	s21 =	sadd.s32 s21, s19  }
0x38: {  	v0 =	vmov s21;
	_ =	sdelay $0x1  }
0x39: {  	p0 =	por $0x1, $0x1;
	s21 =	simm.s32 $0x0  }
.LBB1_4:
0x3a: {  	s22 =	sshll.u32 s21, $0x3  }
0x3b: {  	s22 =	sand.u32 $0x3FFFFFF8, s22  }
0x3c: {  	s31 =	smul.u32 $0x204, s21;
	v1 =	vld.idx.msk [tilespmem:v0+s22+$0x0 ss:$0x1], $0xff;
	_ =	sdelay $0x1  }
0x3d: {  	s21 =	sshra.s32 s31, $0x2  }
0x3e: {  	s21 =	sadd.s32 s21, s18  }
0x3f: {  	s21 =	sadd.s32 s20, s21  }
0x40: {  	[tilespmem:s21+$0x0 ss:$0x810] =	vst.msk $0xff, v1  }
0x41: {  	v1 =	vld.idx.msk [tilespmem:v0+s22+$0x8 ss:$0x1], $0xff;
	_ =	sdelay $0x4  }
0x42: {  	[tilespmem:s21+$0x81 ss:$0x810] =	vst.msk $0xff, v1  }
0x43: {  	v1 =	vld.idx.msk [tilespmem:v0+s22+$0x10 ss:$0x1], $0xff;
	_ =	sdelay $0x4  }
0x44: {  	[tilespmem:s21+$0x102 ss:$0x810] =	vst.msk $0xff, v1  }
0x45: {  	v1 =	vld.idx.msk [tilespmem:v0+s22+$0x18 ss:$0x1], $0xff;
	_ =	sdelay $0x4  }
0x46: {  	[tilespmem:s21+$0x183 ss:$0x810] =	vst.msk $0xff, v1  }
0x47: {  	v1 =	vld.idx.msk [tilespmem:v0+s22+$0x20 ss:$0x1], $0xff;
	_ =	sdelay $0x4  }
0x48: {  	[tilespmem:s21+$0x204 ss:$0x810] =	vst.msk $0xff, v1  }
0x49: {  	v1 =	vld.idx.msk [tilespmem:v0+s22+$0x28 ss:$0x1], $0xff;
	_ =	sdelay $0x4  }
0x4a: {  	[tilespmem:s21+$0x285 ss:$0x810] =	vst.msk $0xff, v1  }
0x4b: {  	v1 =	vld.idx.msk [tilespmem:v0+s22+$0x30 ss:$0x1], $0xff;
	_ =	sdelay $0x4  }
0x4c: {  	[tilespmem:s21+$0x306 ss:$0x810] =	vst.msk $0xff, v1  }
0x4d: {  	p1 =	por p0, p0;
	v1 =	vld.idx.msk [tilespmem:v0+s22+$0x38 ss:$0x1], $0xff  }
.Ltmp3:
0x4e: {  	_ = 	snop;
	(pc) =	sbr.rel @p1 .LBB1_4-.Ltmp3, $2  }
0x4f: {  	_ =	sdelay $0x2  }
0x50: {  	p0 =	por $0x0, $0x0;
	[tilespmem:s21+$0x387 ss:$0x810] =	vst.msk $0xff, v1;
	s21 =	simm.s32 $0x8  }
0x51: {  	s20 =	sadd.s32 $0x1, s20  }
0x52: {  	p0 =	sne.s32 s20, $0x80  }
.Ltmp4:
0x53: {  	_ = 	snop;
	(pc) =	sbr.rel @p0 .LBB1_3-.Ltmp4, $1  }
0x54: {  	_ =	sdelay $0x3  }
0x55: {  	p0 =	sgt.s32 s12, $0x7;
	s19 =	smov.u32 s12  }
0x56: {  	s20 =	sshra.s32 s12, $0x1F;
	s21 =	sshra.s32 s10, $0x1F;
	s25 =	smul.u32 $0x30000, s12  }
0x57: {  	p1 =	sgt.s32 s8, $0x380;
	s23 =	sshra.s32 s8, $0x1F;
	s26 =	smul.u32 $0x1800, s10  }
0x58: {  	s27 =	sand.u32 $0x780, s8;
	s29 =	sshrl.u32 s8, $0x3;
	s19 =	simm.s32 @!p0 $0x7  }
0x59: {  	s20 =	sand.u32 s20, s12;
	p0 =	sgt.s32 s10, $0x1F;
	s21 =	sand.u32 s21, s10  }
0x5a: {  	s24 =	sand.u32 s23, s8;
	s19 =	ssub.s32 s19, s20;
	s20 =	smov.u32 s10  }
0x5b: {  	s22 =	sadd.s32 $0xFFFFFFF9, s19;
	s20 =	simm.s32 @!p0 $0x1F;
	s19 =	ssub.s32 $0x8, s19  }
0x5c: {  	p0 =	sgt.s32 s22, $0x0;
	s20 =	ssub.s32 s20, s21;
	s22 =	smov.u32 s8  }
0x5d: {  	s19 =	smul.u32 $0x30, s19;
	s21 =	sadd.s32 $0xFFFFFFE1, s20;
	s22 =	simm.s32 @!p1 $0x380  }
0x5e: {  	s20 =	ssub.s32 $0x20, s20;
	p1 =	sgt.s32 s21, $0x0;
	s21 =	ssub.s32 s22, s24  }
0x5f: {  	s19 =	simm.s32 @p0 $0x0;
	s20 =	simm.s32 @p1 $0x0;
	s22 =	sadd.s32 $0xFFFFFC80, s21  }
0x60: {  	s19 =	smul.u32 s20, s19;
	p0 =	sgt.s32 s22, $0x7F;
	s20 =	ssub.s32 $0x400, s21  }
.Ltmp5:
0x61: {  	s28 =	sadd.s32 s2, s25;
	s20 =	simm.s32 @p0 $0x0;
	(pc) =	sbr.rel .LBB1_7-.Ltmp5, $4  }
0x62: {  	s30 =	sand.u32 $0x7, s8;
	s19 =	smul.u32 s20, s19;
	s20 =	sadd.s32 s26, s28  }
0x63: {  	s21 =	sand.u32 $0xF, s29;
	s22 =	sshll.u32 s30, $0x12;
	s20 =	sadd.s32 s27, s20  }
0x64: {  	s31 =	sor.u32 $0x400, s22;
	s19 =	sand.u32 $0x3FFFFFF0, s19;
	s20 =	sadd.s32 s21, s20  }
0x65: {  	[hbm4b:s20+s31] =	stream.strided.scatter [tilespmem:s18], [sflag:$0x2], s19, s7, s31, $0x20;
	[tilespmem:$0x10100] =	vst v63  }
.LBB1_8:
0x66: {  	_ =	sfence.sel $0x180000  }
0x67: {  	s2 =	simm.s32 $0x1;
	[bflag:$0x0] =	sbarrier.arrive $0xFFFF  }
0x68: {  	s31 =	simm.s32 $0x2;
	[sflag:s2] =	ssyncpa.u1 $0x1  }
0x69: {  	[sflag:s31] =	ssyncpa.u1 $0x1  }
0x6a: {  	p0 =	sne.s32 s1, $0x0;
	_ =	strace $0x90000053  }
0x6b: {  	s0 =	sadd.s32 @!p0 $0x100000, s0;
	[bflag:$0x2] =	sbarrier.arrive $0xFFFF  }
0x6c: {  	[sflag:s0] =	ssyncadd.tile.s32 @!p0 $0x1;
	_ =	shalt  }
.Lfunc_end1:
_tile_overlayer_lowered:
.L_overlay_start_2:
0x6d: {  	(tag) =	ssettag $0x2  }
0x6e: {  	s0 =	rddreg [dreg:$0x0];
	s2 =	stileid.u32  }
0x6f: {  	s1 =	rddreg [dreg:$0x1];
	p0 =	sne.s32 s2, $0x0  }
0x70: {  	s3 =	rddreg [dreg:$0x2];
	[bflag:$0x3] =	sbarrier.arrive $0xFFFF;
	s2 =	simm.s32 @!p0 $0x1C01  }
0x71: {  	[timem:s3], [sflag:s2] =	dma.local @!p0 [hbm:s0], s1  }
0x72: {  	s0 =	simm.s32 @!p0 $0x1  }
0x73: {  	_ =	swait.ge @!p0 [sflag:s0], s1  }
0x74: {  	s1 =	ssub.s32 @!p0 $0x0, s1;
	[sflag:s0] =	ssyncset.done @!p0 $0x0  }
0x75: {  	[sflag:s0] =	ssyncadd.s32 @!p0 s1  }
0x76: {  	[bflag:$0x3] =	sbarrier.arrive $0xFFFF  }
0x77: {  	_ =	shalt  }

</sc_bundles>
